<compile_context>
chip_gen: v7x
topology: tpu7x:2x2x1
jax: 0.10.2.dev20260603
libtpu: 0.0.44.dev20260713+nightly
codegen_flags: <defaults>
</compile_context>

<pallas_src>
import math

import jax
import jax.numpy as jnp
from jax.experimental import pallas as pl
from jax.experimental.pallas import tpu as pltpu

N_ANCHORS = 20000
NPAD = 20480
ROWS = 160
PRE_K = 2000
KPAD = 2048
BLK = 256
NBLK = KPAD // BLK
POST_K = 1000
OUTPAD = 1024
NMS_T = 0.7
IMG = 1024.0
CLAMP = math.log(1000.0 / 16.0)


def _decode_kernel(ad_ref, s_ref, boxes_ref, ms_ref):
    x1a, y1a, x2a, y2a = ad_ref[0], ad_ref[1], ad_ref[2], ad_ref[3]
    dx, dy, dw, dh = ad_ref[4], ad_ref[5], ad_ref[6], ad_ref[7]
    w = x2a - x1a
    h = y2a - y1a
    cx = x1a + 0.5 * w
    cy = y1a + 0.5 * h
    dw = jnp.minimum(dw, CLAMP)
    dh = jnp.minimum(dh, CLAMP)
    px = dx * w + cx
    py = dy * h + cy
    pw = jnp.exp(dw) * w
    ph = jnp.exp(dh) * h
    x1 = jnp.clip(px - 0.5 * pw, 0.0, IMG)
    y1 = jnp.clip(py - 0.5 * ph, 0.0, IMG)
    x2 = jnp.clip(px + 0.5 * pw, 0.0, IMG)
    y2 = jnp.clip(py + 0.5 * ph, 0.0, IMG)
    boxes_ref[0] = x1
    boxes_ref[1] = y1
    boxes_ref[2] = x2
    boxes_ref[3] = y2
    valid = ((x2 - x1) > 0.0) & ((y2 - y1) > 0.0)
    gi = (jax.lax.broadcasted_iota(jnp.int32, (ROWS, 128), 0) * 128
          + jax.lax.broadcasted_iota(jnp.int32, (ROWS, 128), 1))
    ok = valid & (gi < N_ANCHORS)
    ms_ref[...] = jnp.where(ok, s_ref[...], -jnp.inf)


def _iou_block(cols, rows):
    x1i, y1i, x2i, y2i = cols
    x1j, y1j, x2j, y2j = rows
    ai = (x2i - x1i) * (y2i - y1i)
    aj = (x2j - x1j) * (y2j - y1j)
    wx = jnp.clip(jnp.minimum(x2i, x2j) - jnp.maximum(x1i, x1j), 0.0, None)
    wy = jnp.clip(jnp.minimum(y2i, y2j) - jnp.maximum(y1i, y1j), 0.0, None)
    inter = wx * wy
    union = ai + aj - inter
    return inter / jnp.maximum(union, 1e-9)


def _nms_kernel(in_tb_ref, in_sc_ref, out_ref, tb_ref, tbt_ref, over_ref):
    f32 = jnp.float32
    tb_ref[0:PRE_K, :] = in_tb_ref[...]
    tb_ref[PRE_K:KPAD, :] = jnp.zeros((KPAD - PRE_K, 4), f32)
    tbt_ref[...] = jnp.transpose(tb_ref[...])

    upper_s = (jax.lax.broadcasted_iota(jnp.int32, (BLK, BLK), 0)
               < jax.lax.broadcasted_iota(jnp.int32, (BLK, BLK), 1)).astype(f32)

    def cols_of(i):
        return tuple(tb_ref[i * BLK:(i + 1) * BLK, c:c + 1] for c in range(4))

    def rows_of(j):
        return tuple(tbt_ref[c:c + 1, j * BLK:(j + 1) * BLK] for c in range(4))

    bf16 = jnp.bfloat16
    keep_blocks = []
    for j in range(NBLK):
        rows_j = rows_of(j)
        supp = jnp.zeros((1, BLK), f32)
        for i in range(j):
            over_ij = (_iou_block(cols_of(i), rows_j) > NMS_T).astype(bf16)
            supp = supp + jnp.dot(keep_blocks[i].astype(bf16), over_ij,
                                  preferred_element_type=f32)
        over_ref[...] = ((_iou_block(cols_of(j), rows_j) > NMS_T)
                         & (upper_s > 0.5)).astype(bf16)

        def fix_body(carry):
            kb, _ = carry
            s2 = supp + jnp.dot(kb.astype(bf16), over_ref[...],
                                preferred_element_type=f32)
            kb2 = (s2 < 0.5).astype(f32)
            return kb2, jnp.any(kb2 != kb)

        keep_j, _ = jax.lax.while_loop(
            lambda c: c[1], fix_body,
            ((supp < 0.5).astype(f32), jnp.bool_(True)))
        keep_blocks.append(keep_j)

    keep = jnp.concatenate(keep_blocks, axis=0)
    gi = (jax.lax.broadcasted_iota(jnp.int32, (NBLK, BLK), 0) * BLK
          + jax.lax.broadcasted_iota(jnp.int32, (NBLK, BLK), 1))
    real = (gi < PRE_K).astype(f32)
    keep = keep * real
    nonkeep = real - keep

    upper = (jax.lax.broadcasted_iota(jnp.int32, (BLK, BLK), 0)
             <= jax.lax.broadcasted_iota(jnp.int32, (BLK, BLK), 1)).astype(f32)
    incl_k = jnp.dot(keep, upper, preferred_element_type=f32)
    incl_n = jnp.dot(nonkeep, upper, preferred_element_type=f32)

    def row_offsets(incl):
        offs = [jnp.zeros((1, 1), f32)]
        for r in range(1, NBLK):
            offs.append(offs[-1] + incl[r - 1:r, BLK - 1:BLK])
        return jnp.concatenate(offs, axis=0)

    offs_k = row_offsets(incl_k)
    offs_n = row_offsets(incl_n)
    n_kept = offs_k[NBLK - 1:NBLK, 0:1] + incl_k[NBLK - 1:NBLK, BLK - 1:BLK]
    excl_k = incl_k + offs_k - keep
    excl_n = incl_n + offs_n - nonkeep
    pos = jnp.where(keep > 0.5, excl_k, n_kept + excl_n)
    pos = jnp.where(gi < PRE_K, pos, 2.0 * OUTPAD)

    sc = in_sc_ref[...]
    neg_inf_flag = jnp.concatenate(
        [(sc == -jnp.inf).astype(f32), jnp.ones((KPAD - PRE_K, 1), f32)],
        axis=0)
    sc_fin = jnp.concatenate(
        [jnp.where(sc == -jnp.inf, 0.0, sc), jnp.zeros((KPAD - PRE_K, 1), f32)],
        axis=0)

    iota_col = jax.lax.broadcasted_iota(jnp.int32, (OUTPAD, 1), 0).astype(f32)
    outm = jnp.zeros((OUTPAD, 5), f32)
    outinf = jnp.zeros((OUTPAD, 1), f32)
    for r in range(NBLK):
        pos_r = pos[r:r + 1, :]
        p_r = (jnp.abs(iota_col - pos_r) < 0.25).astype(f32)
        data_r = jnp.concatenate(
            [tb_ref[r * BLK:(r + 1) * BLK, :],
             sc_fin[r * BLK:(r + 1) * BLK, :]], axis=1)
        outm = outm + jnp.dot(p_r, data_r, preferred_element_type=f32)
        outinf = outinf + jnp.dot(p_r, neg_inf_flag[r * BLK:(r + 1) * BLK, :],
                                  preferred_element_type=f32)
    out_scores = jnp.where(outinf > 0.5, -jnp.inf, outm[:, 4:5])
    out_ref[...] = jnp.concatenate([outm[:, 0:4], out_scores], axis=1)


def _decode(ad_r, scores_r):
    return pl.pallas_call(
        _decode_kernel,
        out_shape=(
            jax.ShapeDtypeStruct((4, ROWS, 128), jnp.float32),
            jax.ShapeDtypeStruct((ROWS, 128), jnp.float32),
        ),
    )(ad_r, scores_r)


def _nms_select(top_boxes, top_scores_col):
    return pl.pallas_call(
        _nms_kernel,
        out_shape=jax.ShapeDtypeStruct((OUTPAD, 5), jnp.float32),
        scratch_shapes=[
            pltpu.VMEM((KPAD, 4), jnp.float32),
            pltpu.VMEM((4, KPAD), jnp.float32),
            pltpu.VMEM((BLK, BLK), jnp.bfloat16),
        ],
    )(top_boxes, top_scores_col)


def kernel(anchors, objectness_logits, anchor_deltas):
    scores = objectness_logits[0]
    deltas = anchor_deltas[0]
    pad = NPAD - N_ANCHORS
    ad = jnp.concatenate([anchors, deltas], axis=1)
    ad_r = jnp.pad(ad, ((0, pad), (0, 0))).T.reshape(8, ROWS, 128)
    scores_r = jnp.pad(scores, (0, pad)).reshape(ROWS, 128)

    boxes_r, masked_r = _decode(ad_r, scores_r)
    boxes = boxes_r.reshape(4, NPAD).T
    masked = masked_r.reshape(NPAD)

    top_scores, top_idx = jax.lax.top_k(masked, PRE_K)
    top_boxes = boxes[top_idx]
    out = _nms_select(top_boxes, top_scores[:, None])
    return out[:POST_K]

# --- scband reference (transcript-rebuilt; emitter-appended) ---
"""Pipeline reference for scband-rpn-27539330302080 (READ-ONLY COPY).

The authoritative reference and input builder live on the scoring server;
editing this copy changes nothing except your own understanding.
"""

import jax, jax.numpy as jnp
import numpy as np

PRE_NMS_TOPK = 2000
POST_NMS_TOPK = 1000
NMS_THRESH = 0.7
MIN_BOX_SIZE = 0.0
IMG_H = 1024.0
IMG_W = 1024.0
SCALE_CLAMP = float(np.log(1000.0 / 16.0))


def setup_inputs(seed: int = 0) -> dict:
    key = jax.random.key(seed)
    k1, k2, k3, k4 = jax.random.split(key, 4)
    N = 20000
    ctr = jax.random.uniform(k1, (N, 2), dtype=jnp.float32) * 1024.0
    wh = jax.random.uniform(k2, (N, 2), dtype=jnp.float32) * 256.0 + 16.0
    anchors = jnp.concatenate([ctr - wh / 2.0, ctr + wh / 2.0], axis=-1)
    objectness_logits = jax.random.normal(k3, (1, N), dtype=jnp.float32)
    anchor_deltas = jax.random.normal(k4, (1, N, 4), dtype=jnp.float32) * 0.1
    return {"anchors": anchors, "objectness_logits": objectness_logits, "anchor_deltas": anchor_deltas}


def _apply_deltas(deltas, boxes):
    # Box2BoxTransform.apply_deltas with weights (1,1,1,1)
    widths = boxes[:, 2] - boxes[:, 0]
    heights = boxes[:, 3] - boxes[:, 1]
    ctr_x = boxes[:, 0] + 0.5 * widths
    ctr_y = boxes[:, 1] + 0.5 * heights
    dx, dy, dw, dh = deltas[:, 0], deltas[:, 1], deltas[:, 2], deltas[:, 3]
    dw = jnp.minimum(dw, SCALE_CLAMP)
    dh = jnp.minimum(dh, SCALE_CLAMP)
    pred_ctr_x = dx * widths + ctr_x
    pred_ctr_y = dy * heights + ctr_y
    pred_w = jnp.exp(dw) * widths
    pred_h = jnp.exp(dh) * heights
    x1 = pred_ctr_x - 0.5 * pred_w
    y1 = pred_ctr_y - 0.5 * pred_h
    x2 = pred_ctr_x + 0.5 * pred_w
    y2 = pred_ctr_y + 0.5 * pred_h
    return jnp.stack([x1, y1, x2, y2], axis=-1)


def _pairwise_iou(boxes):
    area = (boxes[:, 2] - boxes[:, 0]) * (boxes[:, 3] - boxes[:, 1])
    lt = jnp.maximum(boxes[:, None, :2], boxes[None, :, :2])
    rb = jnp.minimum(boxes[:, None, 2:], boxes[None, :, 2:])
    wh = jnp.clip(rb - lt, 0.0, None)
    inter = wh[..., 0] * wh[..., 1]
    union = area[:, None] + area[None, :] - inter
    return inter / jnp.maximum(union, 1e-9)


def reference(anchors, objectness_logits, anchor_deltas):
    # Single-image RPN.predict_proposals path: decode -> clip -> filter -> pre-NMS topk -> NMS -> post-NMS topk
    scores = objectness_logits[0]
    deltas = anchor_deltas[0]
    boxes = _apply_deltas(deltas, anchors)
    # clip to image
    x1 = jnp.clip(boxes[:, 0], 0.0, IMG_W)
    y1 = jnp.clip(boxes[:, 1], 0.0, IMG_H)
    x2 = jnp.clip(boxes[:, 2], 0.0, IMG_W)
    y2 = jnp.clip(boxes[:, 3], 0.0, IMG_H)
    boxes = jnp.stack([x1, y1, x2, y2], axis=-1)
    # remove too-small boxes by masking score to -inf (static shape substitute for filtering)
    w = boxes[:, 2] - boxes[:, 0]
    h = boxes[:, 3] - boxes[:, 1]
    valid = (w > MIN_BOX_SIZE) & (h > MIN_BOX_SIZE)
    masked_scores = jnp.where(valid, scores, -jnp.inf)
    top_scores, top_idx = jax.lax.top_k(masked_scores, PRE_NMS_TOPK)
    top_boxes = boxes[top_idx]
    # NMS over pre-nms candidates (sorted descending by score)
    iou = jax.lax.stop_gradient(_pairwise_iou(top_boxes))
    K = PRE_NMS_TOPK
    idx_range = jnp.arange(K)

    def body(i, keep):
        cur = keep[i]
        suppress = (iou[i] > NMS_THRESH) & (idx_range > i) & cur
        return keep & (~suppress)

    keep = jax.lax.fori_loop(0, K, body, jnp.ones((K,), dtype=bool))
    kept_scores = jnp.where(keep, top_scores, -jnp.inf)
    final_scores, order = jax.lax.top_k(kept_scores, POST_NMS_TOPK)
    final_boxes = top_boxes[order]
    return jnp.concatenate([final_boxes, final_scores[:, None]], axis=-1)

if __name__ == "__main__":
    import jax
    _d = setup_inputs()
    print(jax.jit(kernel)(*tuple(_d.values())))

</pallas_src>

<mosaic_0001>
module attributes {stable_mosaic.version = 14 : i64} {
  func.func @_decode_kernel(%arg0: memref<8x160x128xf32, #tpu.memory_space<vmem>>, %arg1: memref<160x128xf32, #tpu.memory_space<vmem>>, %arg2: memref<4x160x128xf32, #tpu.memory_space<vmem>>, %arg3: memref<160x128xf32, #tpu.memory_space<vmem>>) attributes {dimension_semantics = [], scalar_prefetch = 0 : i64, scratch_operands = 0 : i64, tpu.core_type = #tpu.core_type<tc>} {
    %get3A = arith.constant 0 : index
    %get3A_0 = arith.constant 0 : index
    %get3A_1 = arith.constant 0 : index
    %get3A_2 = vector.load %arg0[%get3A, %get3A_0, %get3A_1] : memref<8x160x128xf32, #tpu.memory_space<vmem>>, vector<1x160x128xf32>
    %get3A_3 = vector.shape_cast %get3A_2 : vector<1x160x128xf32> to vector<160x128xf32>
    %get3A_4 = arith.constant 1 : index
    %get3A_5 = arith.constant 0 : index
    %get3A_6 = arith.constant 0 : index
    %get3A_7 = vector.load %arg0[%get3A_4, %get3A_5, %get3A_6] : memref<8x160x128xf32, #tpu.memory_space<vmem>>, vector<1x160x128xf32>
    %get3A_8 = vector.shape_cast %get3A_7 : vector<1x160x128xf32> to vector<160x128xf32>
    %get3A_9 = arith.constant 2 : index
    %get3A_10 = arith.constant 0 : index
    %get3A_11 = arith.constant 0 : index
    %get3A_12 = vector.load %arg0[%get3A_9, %get3A_10, %get3A_11] : memref<8x160x128xf32, #tpu.memory_space<vmem>>, vector<1x160x128xf32>
    %get3A_13 = vector.shape_cast %get3A_12 : vector<1x160x128xf32> to vector<160x128xf32>
    %get3A_14 = arith.constant 3 : index
    %get3A_15 = arith.constant 0 : index
    %get3A_16 = arith.constant 0 : index
    %get3A_17 = vector.load %arg0[%get3A_14, %get3A_15, %get3A_16] : memref<8x160x128xf32, #tpu.memory_space<vmem>>, vector<1x160x128xf32>
    %get3A_18 = vector.shape_cast %get3A_17 : vector<1x160x128xf32> to vector<160x128xf32>
    %get3A_19 = arith.constant 4 : index
    %get3A_20 = arith.constant 0 : index
    %get3A_21 = arith.constant 0 : index
    %get3A_22 = vector.load %arg0[%get3A_19, %get3A_20, %get3A_21] : memref<8x160x128xf32, #tpu.memory_space<vmem>>, vector<1x160x128xf32>
    %get3A_23 = vector.shape_cast %get3A_22 : vector<1x160x128xf32> to vector<160x128xf32>
    %get3A_24 = arith.constant 5 : index
    %get3A_25 = arith.constant 0 : index
    %get3A_26 = arith.constant 0 : index
    %get3A_27 = vector.load %arg0[%get3A_24, %get3A_25, %get3A_26] : memref<8x160x128xf32, #tpu.memory_space<vmem>>, vector<1x160x128xf32>
    %get3A_28 = vector.shape_cast %get3A_27 : vector<1x160x128xf32> to vector<160x128xf32>
    %get3A_29 = arith.constant 6 : index
    %get3A_30 = arith.constant 0 : index
    %get3A_31 = arith.constant 0 : index
    %get3A_32 = vector.load %arg0[%get3A_29, %get3A_30, %get3A_31] : memref<8x160x128xf32, #tpu.memory_space<vmem>>, vector<1x160x128xf32>
    %get3A_33 = vector.shape_cast %get3A_32 : vector<1x160x128xf32> to vector<160x128xf32>
    %get3A_34 = arith.constant 7 : index
    %get3A_35 = arith.constant 0 : index
    %get3A_36 = arith.constant 0 : index
    %get3A_37 = vector.load %arg0[%get3A_34, %get3A_35, %get3A_36] : memref<8x160x128xf32, #tpu.memory_space<vmem>>, vector<1x160x128xf32>
    %get3A_38 = vector.shape_cast %get3A_37 : vector<1x160x128xf32> to vector<160x128xf32>
    %sub3A = arith.subf %get3A_13, %get3A_3 : vector<160x128xf32>
    %sub3A_39 = arith.subf %get3A_18, %get3A_8 : vector<160x128xf32>
    %mul3A = arith.constant 5.000000e-01 : f32
    %mul3A_40 = vector.broadcast %mul3A : f32 to vector<160x128xf32>
    %mul3A_41 = arith.mulf %mul3A_40, %sub3A : vector<160x128xf32>
    %add3A = arith.addf %get3A_3, %mul3A_41 : vector<160x128xf32>
    %mul3A_42 = arith.constant 5.000000e-01 : f32
    %mul3A_43 = vector.broadcast %mul3A_42 : f32 to vector<160x128xf32>
    %mul3A_44 = arith.mulf %mul3A_43, %sub3A_39 : vector<160x128xf32>
    %add3A_45 = arith.addf %get3A_8, %mul3A_44 : vector<160x128xf32>
    %min3A = arith.constant 4.13516665 : f32
    %min3A_46 = vector.broadcast %min3A : f32 to vector<160x128xf32>
    %min3A_47 = arith.minimumf %get3A_33, %min3A_46 : vector<160x128xf32>
    %min3A_48 = arith.constant 4.13516665 : f32
    %min3A_49 = vector.broadcast %min3A_48 : f32 to vector<160x128xf32>
    %min3A_50 = arith.minimumf %get3A_38, %min3A_49 : vector<160x128xf32>
    %mul3A_51 = arith.mulf %get3A_23, %sub3A : vector<160x128xf32>
    %add3A_52 = arith.addf %mul3A_51, %add3A : vector<160x128xf32>
    %mul3A_53 = arith.mulf %get3A_28, %sub3A_39 : vector<160x128xf32>
    %add3A_54 = arith.addf %mul3A_53, %add3A_45 : vector<160x128xf32>
    %exp3A = math.exp %min3A_47 : vector<160x128xf32>
    %mul3A_55 = arith.mulf %exp3A, %sub3A : vector<160x128xf32>
    %exp3A_56 = math.exp %min3A_50 : vector<160x128xf32>
    %mul3A_57 = arith.mulf %exp3A_56, %sub3A_39 : vector<160x128xf32>
    %mul3A_58 = arith.constant 5.000000e-01 : f32
    %mul3A_59 = vector.broadcast %mul3A_58 : f32 to vector<160x128xf32>
    %mul3A_60 = arith.mulf %mul3A_59, %mul3A_55 : vector<160x128xf32>
    %sub3A_61 = arith.subf %add3A_52, %mul3A_60 : vector<160x128xf32>
    %jit3A = arith.constant 0.000000e+00 : f32
    %jit3A_62 = arith.constant 1.024000e+03 : f32
    %max3A = vector.broadcast %jit3A : f32 to vector<160x128xf32>
    %max3A_63 = arith.maximumf %max3A, %sub3A_61 : vector<160x128xf32>
    %min3A_64 = vector.broadcast %jit3A_62 : f32 to vector<160x128xf32>
    %min3A_65 = arith.minimumf %min3A_64, %max3A_63 : vector<160x128xf32>
    %mul3A_66 = arith.constant 5.000000e-01 : f32
    %mul3A_67 = vector.broadcast %mul3A_66 : f32 to vector<160x128xf32>
    %mul3A_68 = arith.mulf %mul3A_67, %mul3A_57 : vector<160x128xf32>
    %sub3A_69 = arith.subf %add3A_54, %mul3A_68 : vector<160x128xf32>
    %jit3A_70 = arith.constant 0.000000e+00 : f32
    %jit3A_71 = arith.constant 1.024000e+03 : f32
    %max3A_72 = vector.broadcast %jit3A_70 : f32 to vector<160x128xf32>
    %max3A_73 = arith.maximumf %max3A_72, %sub3A_69 : vector<160x128xf32>
    %min3A_74 = vector.broadcast %jit3A_71 : f32 to vector<160x128xf32>
    %min3A_75 = arith.minimumf %min3A_74, %max3A_73 : vector<160x128xf32>
    %mul3A_76 = arith.constant 5.000000e-01 : f32
    %mul3A_77 = vector.broadcast %mul3A_76 : f32 to vector<160x128xf32>
    %mul3A_78 = arith.mulf %mul3A_77, %mul3A_55 : vector<160x128xf32>
    %add3A_79 = arith.addf %add3A_52, %mul3A_78 : vector<160x128xf32>
    %jit3A_80 = arith.constant 0.000000e+00 : f32
    %jit3A_81 = arith.constant 1.024000e+03 : f32
    %max3A_82 = vector.broadcast %jit3A_80 : f32 to vector<160x128xf32>
    %max3A_83 = arith.maximumf %max3A_82, %add3A_79 : vector<160x128xf32>
    %min3A_84 = vector.broadcast %jit3A_81 : f32 to vector<160x128xf32>
    %min3A_85 = arith.minimumf %min3A_84, %max3A_83 : vector<160x128xf32>
    %mul3A_86 = arith.constant 5.000000e-01 : f32
    %mul3A_87 = vector.broadcast %mul3A_86 : f32 to vector<160x128xf32>
    %mul3A_88 = arith.mulf %mul3A_87, %mul3A_57 : vector<160x128xf32>
    %add3A_89 = arith.addf %add3A_54, %mul3A_88 : vector<160x128xf32>
    %jit3A_90 = arith.constant 0.000000e+00 : f32
    %jit3A_91 = arith.constant 1.024000e+03 : f32
    %max3A_92 = vector.broadcast %jit3A_90 : f32 to vector<160x128xf32>
    %max3A_93 = arith.maximumf %max3A_92, %add3A_89 : vector<160x128xf32>
    %min3A_94 = vector.broadcast %jit3A_91 : f32 to vector<160x128xf32>
    %min3A_95 = arith.minimumf %min3A_94, %max3A_93 : vector<160x128xf32>
    %swap3A = arith.constant 0 : index
    %swap3A_96 = arith.constant 0 : index
    %swap3A_97 = arith.constant 0 : index
    %swap3A_98 = vector.load %arg2[%swap3A, %swap3A_96, %swap3A_97] : memref<4x160x128xf32, #tpu.memory_space<vmem>>, vector<1x160x128xf32>
    %swap3A_99 = vector.shape_cast %swap3A_98 : vector<1x160x128xf32> to vector<160x128xf32>
    %swap3A_100 = vector.shape_cast %min3A_65 : vector<160x128xf32> to vector<1x160x128xf32>
    tpu.vector_store %arg2[%swap3A, %swap3A_96, %swap3A_97], %swap3A_100 {strides = array<i32>} : memref<4x160x128xf32, #tpu.memory_space<vmem>>, vector<1x160x128xf32>,
    %swap3A_101 = arith.constant 1 : index
    %swap3A_102 = arith.constant 0 : index
    %swap3A_103 = arith.constant 0 : index
    %swap3A_104 = vector.load %arg2[%swap3A_101, %swap3A_102, %swap3A_103] : memref<4x160x128xf32, #tpu.memory_space<vmem>>, vector<1x160x128xf32>
    %swap3A_105 = vector.shape_cast %swap3A_104 : vector<1x160x128xf32> to vector<160x128xf32>
    %swap3A_106 = vector.shape_cast %min3A_75 : vector<160x128xf32> to vector<1x160x128xf32>
    tpu.vector_store %arg2[%swap3A_101, %swap3A_102, %swap3A_103], %swap3A_106 {strides = array<i32>} : memref<4x160x128xf32, #tpu.memory_space<vmem>>, vector<1x160x128xf32>,
    %swap3A_107 = arith.constant 2 : index
    %swap3A_108 = arith.constant 0 : index
    %swap3A_109 = arith.constant 0 : index
    %swap3A_110 = vector.load %arg2[%swap3A_107, %swap3A_108, %swap3A_109] : memref<4x160x128xf32, #tpu.memory_space<vmem>>, vector<1x160x128xf32>
    %swap3A_111 = vector.shape_cast %swap3A_110 : vector<1x160x128xf32> to vector<160x128xf32>
    %swap3A_112 = vector.shape_cast %min3A_85 : vector<160x128xf32> to vector<1x160x128xf32>
    tpu.vector_store %arg2[%swap3A_107, %swap3A_108, %swap3A_109], %swap3A_112 {strides = array<i32>} : memref<4x160x128xf32, #tpu.memory_space<vmem>>, vector<1x160x128xf32>,
    %swap3A_113 = arith.constant 3 : index
    %swap3A_114 = arith.constant 0 : index
    %swap3A_115 = arith.constant 0 : index
    %swap3A_116 = vector.load %arg2[%swap3A_113, %swap3A_114, %swap3A_115] : memref<4x160x128xf32, #tpu.memory_space<vmem>>, vector<1x160x128xf32>
    %swap3A_117 = vector.shape_cast %swap3A_116 : vector<1x160x128xf32> to vector<160x128xf32>
    %swap3A_118 = vector.shape_cast %min3A_95 : vector<160x128xf32> to vector<1x160x128xf32>
    tpu.vector_store %arg2[%swap3A_113, %swap3A_114, %swap3A_115], %swap3A_118 {strides = array<i32>} : memref<4x160x128xf32, #tpu.memory_space<vmem>>, vector<1x160x128xf32>,
    %sub3A_119 = arith.subf %min3A_85, %min3A_65 : vector<160x128xf32>
    %gt3A = arith.constant 0.000000e+00 : f32
    %gt3A_120 = vector.broadcast %gt3A : f32 to vector<160x128xf32>
    %gt3A_121 = arith.cmpf ogt, %sub3A_119, %gt3A_120 : vector<160x128xf32>
    %sub3A_122 = arith.subf %min3A_95, %min3A_75 : vector<160x128xf32>
    %gt3A_123 = arith.constant 0.000000e+00 : f32
    %gt3A_124 = vector.broadcast %gt3A_123 : f32 to vector<160x128xf32>
    %gt3A_125 = arith.cmpf ogt, %sub3A_122, %gt3A_124 : vector<160x128xf32>
    %and3A = arith.andi %gt3A_121, %gt3A_125 : vector<160x128xi1>
    %iota3A = tpu.iota {dimensions = array<i32: 0>} : vector<160x128xi32>
    %mul3A_126 = arith.constant 128 : i32
    %mul3A_127 = vector.broadcast %mul3A_126 : i32 to vector<160x128xi32>
    %mul3A_128 = arith.muli %iota3A, %mul3A_127 : vector<160x128xi32>
    %iota3A_129 = tpu.iota {dimensions = array<i32: 1>} : vector<160x128xi32>
    %add3A_130 = arith.addi %mul3A_128, %iota3A_129 : vector<160x128xi32>
    %lt3A = arith.constant 20000 : i32
    %lt3A_131 = vector.broadcast %lt3A : i32 to vector<160x128xi32>
    %lt3A_132 = arith.cmpi slt, %add3A_130, %lt3A_131 : vector<160x128xi32>
    %and3A_133 = arith.andi %and3A, %lt3A_132 : vector<160x128xi1>
    %get3A_134 = arith.constant 0 : index
    %get3A_135 = arith.constant 0 : index
    %get3A_136 = vector.load %arg1[%get3A_134, %get3A_135] : memref<160x128xf32, #tpu.memory_space<vmem>>, vector<160x128xf32>
    %jit3A_137 = arith.constant 0xFF800000 : f32
    %broadcast_in_dim3A = vector.broadcast %jit3A_137 : f32 to vector<160x128xf32>
    %select_n3A = arith.select %and3A_133, %get3A_136, %broadcast_in_dim3A : vector<160x128xi1>, vector<160x128xf32>
    %swap3A_138 = arith.constant 0 : index
    %swap3A_139 = arith.constant 0 : index
    %swap3A_140 = vector.load %arg3[%swap3A_138, %swap3A_139] : memref<160x128xf32, #tpu.memory_space<vmem>>, vector<160x128xf32>
    tpu.vector_store %arg3[%swap3A_138, %swap3A_139], %select_n3A {strides = array<i32>} : memref<160x128xf32, #tpu.memory_space<vmem>>, vector<160x128xf32>,
    return
  }
}

module attributes {stable_mosaic.version = 14 : i64} {
  func.func @_nms_kernel(%arg0: memref<2000x4xf32, #tpu.memory_space<vmem>>, %arg1: memref<2000x1xf32, #tpu.memory_space<vmem>>, %arg2: memref<1024x5xf32, #tpu.memory_space<vmem>>, %arg3: memref<2048x4xf32, #tpu.memory_space<vmem>>, %arg4: memref<4x2048xf32, #tpu.memory_space<vmem>>, %arg5: memref<256x256xbf16, #tpu.memory_space<vmem>>) attributes {dimension_semantics = [], scalar_prefetch = 0 : i64, scratch_operands = 3 : i64, tpu.core_type = #tpu.core_type<tc>} {
    %get3A = arith.constant 0 : index
    %get3A_0 = arith.constant 0 : index
    %get3A_1 = vector.load %arg0[%get3A, %get3A_0] : memref<2000x4xf32, #tpu.memory_space<vmem>>, vector<2000x4xf32>
    %swap3A = arith.constant 0 : index
    %swap3A_2 = arith.constant 0 : index
    %swap3A_3 = vector.load %arg3[%swap3A, %swap3A_2] : memref<2048x4xf32, #tpu.memory_space<vmem>>, vector<2000x4xf32>
    tpu.vector_store %arg3[%swap3A, %swap3A_2], %get3A_1 {strides = array<i32>} : memref<2048x4xf32, #tpu.memory_space<vmem>>, vector<2000x4xf32>,
    %broadcast_in_dim3A = arith.constant 0.000000e+00 : f32
    %broadcast_in_dim3A_4 = vector.broadcast %broadcast_in_dim3A : f32 to vector<48x4xf32>
    %swap3A_5 = arith.constant 2000 : index
    %swap3A_6 = arith.constant 0 : index
    %swap3A_7 = vector.load %arg3[%swap3A_5, %swap3A_6] : memref<2048x4xf32, #tpu.memory_space<vmem>>, vector<48x4xf32>
    tpu.vector_store %arg3[%swap3A_5, %swap3A_6], %broadcast_in_dim3A_4 {strides = array<i32>} : memref<2048x4xf32, #tpu.memory_space<vmem>>, vector<48x4xf32>,
    %get3A_8 = arith.constant 0 : index
    %get3A_9 = arith.constant 0 : index
    %get3A_10 = vector.load %arg3[%get3A_8, %get3A_9] : memref<2048x4xf32, #tpu.memory_space<vmem>>, vector<2048x4xf32>
    %transpose3A = tpu.transpose %get3A_10, [1, 0] : vector<2048x4xf32> -> vector<4x2048xf32>
    %swap3A_11 = arith.constant 0 : index
    %swap3A_12 = arith.constant 0 : index
    %swap3A_13 = vector.load %arg4[%swap3A_11, %swap3A_12] : memref<4x2048xf32, #tpu.memory_space<vmem>>, vector<4x2048xf32>
    tpu.vector_store %arg4[%swap3A_11, %swap3A_12], %transpose3A {strides = array<i32>} : memref<4x2048xf32, #tpu.memory_space<vmem>>, vector<4x2048xf32>,
    %iota3A = tpu.iota {dimensions = array<i32: 0>} : vector<256x256xi32>
    %iota3A_14 = tpu.iota {dimensions = array<i32: 1>} : vector<256x256xi32>
    %lt3A = arith.cmpi slt, %iota3A, %iota3A_14 : vector<256x256xi32>
    %convert_element_type3A = arith.extui %lt3A : vector<256x256xi1> to vector<256x256xi32>
    %convert_element_type3A_15 = arith.sitofp %convert_element_type3A : vector<256x256xi32> to vector<256x256xf32>
    %get3A_16 = arith.constant 0 : index
    %get3A_17 = arith.constant 0 : index
    %get3A_18 = vector.load %arg4[%get3A_16, %get3A_17] : memref<4x2048xf32, #tpu.memory_space<vmem>>, vector<1x256xf32>
    %get3A_19 = arith.constant 1 : index
    %get3A_20 = arith.constant 0 : index
    %get3A_21 = vector.load %arg4[%get3A_19, %get3A_20] : memref<4x2048xf32, #tpu.memory_space<vmem>>, vector<1x256xf32>
    %get3A_22 = arith.constant 2 : index
    %get3A_23 = arith.constant 0 : index
    %get3A_24 = vector.load %arg4[%get3A_22, %get3A_23] : memref<4x2048xf32, #tpu.memory_space<vmem>>, vector<1x256xf32>
    %get3A_25 = arith.constant 3 : index
    %get3A_26 = arith.constant 0 : index
    %get3A_27 = vector.load %arg4[%get3A_25, %get3A_26] : memref<4x2048xf32, #tpu.memory_space<vmem>>, vector<1x256xf32>
    %broadcast_in_dim3A_28 = arith.constant 0.000000e+00 : f32
    %broadcast_in_dim3A_29 = vector.broadcast %broadcast_in_dim3A_28 : f32 to vector<1x256xf32>
    %get3A_30 = arith.constant 0 : index
    %get3A_31 = arith.constant 0 : index
    %get3A_32 = vector.load %arg3[%get3A_30, %get3A_31] : memref<2048x4xf32, #tpu.memory_space<vmem>>, vector<256x1xf32>
    %get3A_33 = arith.constant 0 : index
    %get3A_34 = arith.constant 1 : index
    %get3A_35 = vector.load %arg3[%get3A_33, %get3A_34] : memref<2048x4xf32, #tpu.memory_space<vmem>>, vector<256x1xf32>
    %get3A_36 = arith.constant 0 : index
    %get3A_37 = arith.constant 2 : index
    %get3A_38 = vector.load %arg3[%get3A_36, %get3A_37] : memref<2048x4xf32, #tpu.memory_space<vmem>>, vector<256x1xf32>
    %get3A_39 = arith.constant 0 : index
    %get3A_40 = arith.constant 3 : index
    %get3A_41 = vector.load %arg3[%get3A_39, %get3A_40] : memref<2048x4xf32, #tpu.memory_space<vmem>>, vector<256x1xf32>
    %sub3A = arith.subf %get3A_38, %get3A_32 : vector<256x1xf32>
    %sub3A_42 = arith.subf %get3A_41, %get3A_35 : vector<256x1xf32>
    %mul3A = arith.mulf %sub3A, %sub3A_42 : vector<256x1xf32>
    %sub3A_43 = arith.subf %get3A_24, %get3A_18 : vector<1x256xf32>
    %sub3A_44 = arith.subf %get3A_27, %get3A_21 : vector<1x256xf32>
    %mul3A_45 = arith.mulf %sub3A_43, %sub3A_44 : vector<1x256xf32>
    %min3A = vector.broadcast %get3A_38 : vector<256x1xf32> to vector<256x256xf32>
    %min3A_46 = vector.broadcast %get3A_24 : vector<1x256xf32> to vector<256x256xf32>
    %min3A_47 = arith.minimumf %min3A, %min3A_46 : vector<256x256xf32>
    %max3A = vector.broadcast %get3A_32 : vector<256x1xf32> to vector<256x256xf32>
    %max3A_48 = vector.broadcast %get3A_18 : vector<1x256xf32> to vector<256x256xf32>
    %max3A_49 = arith.maximumf %max3A, %max3A_48 : vector<256x256xf32>
    %sub3A_50 = arith.subf %min3A_47, %max3A_49 : vector<256x256xf32>
    %jit3A = arith.constant 0.000000e+00 : f32
    %max3A_51 = vector.broadcast %jit3A : f32 to vector<256x256xf32>
    %max3A_52 = arith.maximumf %max3A_51, %sub3A_50 : vector<256x256xf32>
    %min3A_53 = vector.broadcast %get3A_41 : vector<256x1xf32> to vector<256x256xf32>
    %min3A_54 = vector.broadcast %get3A_27 : vector<1x256xf32> to vector<256x256xf32>
    %min3A_55 = arith.minimumf %min3A_53, %min3A_54 : vector<256x256xf32>
    %max3A_56 = vector.broadcast %get3A_35 : vector<256x1xf32> to vector<256x256xf32>
    %max3A_57 = vector.broadcast %get3A_21 : vector<1x256xf32> to vector<256x256xf32>
    %max3A_58 = arith.maximumf %max3A_56, %max3A_57 : vector<256x256xf32>
    %sub3A_59 = arith.subf %min3A_55, %max3A_58 : vector<256x256xf32>
    %jit3A_60 = arith.constant 0.000000e+00 : f32
    %max3A_61 = vector.broadcast %jit3A_60 : f32 to vector<256x256xf32>
    %max3A_62 = arith.maximumf %max3A_61, %sub3A_59 : vector<256x256xf32>
    %mul3A_63 = arith.mulf %max3A_52, %max3A_62 : vector<256x256xf32>
    %add3A = vector.broadcast %mul3A : vector<256x1xf32> to vector<256x256xf32>
    %add3A_64 = vector.broadcast %mul3A_45 : vector<1x256xf32> to vector<256x256xf32>
    %add3A_65 = arith.addf %add3A, %add3A_64 : vector<256x256xf32>
    %sub3A_66 = arith.subf %add3A_65, %mul3A_63 : vector<256x256xf32>
    %max3A_67 = arith.constant 9.99999971E-10 : f32
    %max3A_68 = vector.broadcast %max3A_67 : f32 to vector<256x256xf32>
    %max3A_69 = arith.maximumf %sub3A_66, %max3A_68 : vector<256x256xf32>
    %div3A = arith.divf %mul3A_63, %max3A_69 : vector<256x256xf32>
    %gt3A = arith.constant 0.699999988 : f32
    %gt3A_70 = vector.broadcast %gt3A : f32 to vector<256x256xf32>
    %gt3A_71 = arith.cmpf ogt, %div3A, %gt3A_70 : vector<256x256xf32>
    %gt3A_72 = arith.constant 5.000000e-01 : f32
    %gt3A_73 = vector.broadcast %gt3A_72 : f32 to vector<256x256xf32>
    %gt3A_74 = arith.cmpf ogt, %convert_element_type3A_15, %gt3A_73 : vector<256x256xf32>
    %and3A = arith.andi %gt3A_71, %gt3A_74 : vector<256x256xi1>
    %convert_element_type3A_75 = arith.extui %and3A : vector<256x256xi1> to vector<256x256xi32>
    %convert_element_type3A_76 = arith.sitofp %convert_element_type3A_75 : vector<256x256xi32> to vector<256x256xf32>
    %convert_element_type3A_77 = arith.truncf %convert_element_type3A_76 : vector<256x256xf32> to vector<256x256xbf16>
    %swap3A_78 = arith.constant 0 : index
    %swap3A_79 = arith.constant 0 : index
    %swap3A_80 = vector.load %arg5[%swap3A_78, %swap3A_79] : memref<256x256xbf16, #tpu.memory_space<vmem>>, vector<256x256xbf16>
    tpu.vector_store %arg5[%swap3A_78, %swap3A_79], %convert_element_type3A_77 {strides = array<i32>} : memref<256x256xbf16, #tpu.memory_space<vmem>>, vector<256x256xbf16>,
    %lt3A_81 = arith.constant 5.000000e-01 : f32
    %lt3A_82 = vector.broadcast %lt3A_81 : f32 to vector<1x256xf32>
    %lt3A_83 = arith.cmpf olt, %broadcast_in_dim3A_29, %lt3A_82 : vector<1x256xf32>
    %convert_element_type3A_84 = arith.extui %lt3A_83 : vector<1x256xi1> to vector<1x256xi32>
    %convert_element_type3A_85 = arith.sitofp %convert_element_type3A_84 : vector<1x256xi32> to vector<1x256xf32>
    %while3A = arith.constant true
    %while3A_86:2 = scf.while (%while3A_2535 = %convert_element_type3A_85, %while3A_2536 = %while3A) : (vector<1x256xf32>, i1) -> (vector<1x256xf32>, i1) {
      scf.condition(%while3A_2536) %while3A_2535, %while3A_2536 : vector<1x256xf32>, i1
    } do {
    ^bb0(%while3A_2535: vector<1x256xf32>, %while3A_2536: i1):
      %convert_element_type3A_2537 = arith.truncf %while3A_2535 : vector<1x256xf32> to vector<1x256xbf16>
      %get3A_2538 = arith.constant 0 : index
      %get3A_2539 = arith.constant 0 : index
      %get3A_2540 = vector.load %arg5[%get3A_2538, %get3A_2539] : memref<256x256xbf16, #tpu.memory_space<vmem>>, vector<256x256xbf16>
      %dot_general3A_2541 = arith.constant dense<0.000000e+00> : vector<1x256xf32>
      %dot_general3A_2542 = tpu.matmul %convert_element_type3A_2537, %get3A_2540, %dot_general3A_2541 {dimension_numbers = #tpu.dot_dimension_numbers<[1], [0], [0], [1], [0, 0, 1, 1], [], []>, transpose_lhs_hint = false} : vector<1x256xbf16>, vector<256x256xbf16>, vector<1x256xf32> -> vector<1x256xf32>
      %add3A_2543 = arith.addf %broadcast_in_dim3A_29, %dot_general3A_2542 : vector<1x256xf32>
      %lt3A_2544 = arith.constant 5.000000e-01 : f32
      %lt3A_2545 = vector.broadcast %lt3A_2544 : f32 to vector<1x256xf32>
      %lt3A_2546 = arith.cmpf olt, %add3A_2543, %lt3A_2545 : vector<1x256xf32>
      %convert_element_type3A_2547 = arith.extui %lt3A_2546 : vector<1x256xi1> to vector<1x256xi32>
      %convert_element_type3A_2548 = arith.sitofp %convert_element_type3A_2547 : vector<1x256xi32> to vector<1x256xf32>
      %ne3A = arith.cmpf one, %convert_element_type3A_2548, %while3A_2535 : vector<1x256xf32>
      %reduce_or3A = arith.constant 1.000000e+00 : f32
      %reduce_or3A_2549 = arith.constant 0.000000e+00 : f32
      %reduce_or3A_2550 = vector.broadcast %reduce_or3A : f32 to vector<1x256xf32>
      %reduce_or3A_2551 = vector.broadcast %reduce_or3A_2549 : f32 to vector<1x256xf32>
      %reduce_or3A_2552 = arith.select %ne3A, %reduce_or3A_2550, %reduce_or3A_2551 : vector<1x256xi1>, vector<1x256xf32>
      %reduce_or3A_2553 = vector.shape_cast %reduce_or3A_2552 : vector<1x256xf32> to vector<1x1x256xf32>
      %reduce_or3A_2554 = arith.constant dense<0xFF800000> : vector<1xf32>
      %reduce_or3A_2555 = vector.multi_reduction <maximumf>, %reduce_or3A_2553, %reduce_or3A_2554 [1, 2] : vector<1x1x256xf32> to vector<1xf32>
      %reduce_or3A_2556 = vector.shape_cast %reduce_or3A_2555 : vector<1xf32> to vector<1x1x1xf32>
      %reduce_or3A_2557 = vector.extract %reduce_or3A_2556[0, 0, 0] : f32 from vector<1x1x1xf32>
      %reduce_or3A_2558 = arith.constant 0.000000e+00 : f32
      %reduce_or3A_2559 = arith.cmpf ogt, %reduce_or3A_2557, %reduce_or3A_2558 : f32
      scf.yield %convert_element_type3A_2548, %reduce_or3A_2559 : vector<1x256xf32>, i1
    }
    %get3A_87 = arith.constant 0 : index
    %get3A_88 = arith.constant 256 : index
    %get3A_89 = vector.load %arg4[%get3A_87, %get3A_88] : memref<4x2048xf32, #tpu.memory_space<vmem>>, vector<1x256xf32>
    %get3A_90 = arith.constant 1 : index
    %get3A_91 = arith.constant 256 : index
    %get3A_92 = vector.load %arg4[%get3A_90, %get3A_91] : memref<4x2048xf32, #tpu.memory_space<vmem>>, vector<1x256xf32>
    %get3A_93 = arith.constant 2 : index
    %get3A_94 = arith.constant 256 : index
    %get3A_95 = vector.load %arg4[%get3A_93, %get3A_94] : memref<4x2048xf32, #tpu.memory_space<vmem>>, vector<1x256xf32>
    %get3A_96 = arith.constant 3 : index
    %get3A_97 = arith.constant 256 : index
    %get3A_98 = vector.load %arg4[%get3A_96, %get3A_97] : memref<4x2048xf32, #tpu.memory_space<vmem>>, vector<1x256xf32>
    %broadcast_in_dim3A_99 = arith.constant 0.000000e+00 : f32
    %broadcast_in_dim3A_100 = vector.broadcast %broadcast_in_dim3A_99 : f32 to vector<1x256xf32>
    %get3A_101 = arith.constant 0 : index
    %get3A_102 = arith.constant 0 : index
    %get3A_103 = vector.load %arg3[%get3A_101, %get3A_102] : memref<2048x4xf32, #tpu.memory_space<vmem>>, vector<256x1xf32>
    %get3A_104 = arith.constant 0 : index
    %get3A_105 = arith.constant 1 : index
    %get3A_106 = vector.load %arg3[%get3A_104, %get3A_105] : memref<2048x4xf32, #tpu.memory_space<vmem>>, vector<256x1xf32>
    %get3A_107 = arith.constant 0 : index
    %get3A_108 = arith.constant 2 : index
    %get3A_109 = vector.load %arg3[%get3A_107, %get3A_108] : memref<2048x4xf32, #tpu.memory_space<vmem>>, vector<256x1xf32>
    %get3A_110 = arith.constant 0 : index
    %get3A_111 = arith.constant 3 : index
    %get3A_112 = vector.load %arg3[%get3A_110, %get3A_111] : memref<2048x4xf32, #tpu.memory_space<vmem>>, vector<256x1xf32>
    %sub3A_113 = arith.subf %get3A_109, %get3A_103 : vector<256x1xf32>
    %sub3A_114 = arith.subf %get3A_112, %get3A_106 : vector<256x1xf32>
    %mul3A_115 = arith.mulf %sub3A_113, %sub3A_114 : vector<256x1xf32>
    %sub3A_116 = arith.subf %get3A_95, %get3A_89 : vector<1x256xf32>
    %sub3A_117 = arith.subf %get3A_98, %get3A_92 : vector<1x256xf32>
    %mul3A_118 = arith.mulf %sub3A_116, %sub3A_117 : vector<1x256xf32>
    %min3A_119 = vector.broadcast %get3A_109 : vector<256x1xf32> to vector<256x256xf32>
    %min3A_120 = vector.broadcast %get3A_95 : vector<1x256xf32> to vector<256x256xf32>
    %min3A_121 = arith.minimumf %min3A_119, %min3A_120 : vector<256x256xf32>
    %max3A_122 = vector.broadcast %get3A_103 : vector<256x1xf32> to vector<256x256xf32>
    %max3A_123 = vector.broadcast %get3A_89 : vector<1x256xf32> to vector<256x256xf32>
    %max3A_124 = arith.maximumf %max3A_122, %max3A_123 : vector<256x256xf32>
    %sub3A_125 = arith.subf %min3A_121, %max3A_124 : vector<256x256xf32>
    %jit3A_126 = arith.constant 0.000000e+00 : f32
    %max3A_127 = vector.broadcast %jit3A_126 : f32 to vector<256x256xf32>
    %max3A_128 = arith.maximumf %max3A_127, %sub3A_125 : vector<256x256xf32>
    %min3A_129 = vector.broadcast %get3A_112 : vector<256x1xf32> to vector<256x256xf32>
    %min3A_130 = vector.broadcast %get3A_98 : vector<1x256xf32> to vector<256x256xf32>
    %min3A_131 = arith.minimumf %min3A_129, %min3A_130 : vector<256x256xf32>
    %max3A_132 = vector.broadcast %get3A_106 : vector<256x1xf32> to vector<256x256xf32>
    %max3A_133 = vector.broadcast %get3A_92 : vector<1x256xf32> to vector<256x256xf32>
    %max3A_134 = arith.maximumf %max3A_132, %max3A_133 : vector<256x256xf32>
    %sub3A_135 = arith.subf %min3A_131, %max3A_134 : vector<256x256xf32>
    %jit3A_136 = arith.constant 0.000000e+00 : f32
    %max3A_137 = vector.broadcast %jit3A_136 : f32 to vector<256x256xf32>
    %max3A_138 = arith.maximumf %max3A_137, %sub3A_135 : vector<256x256xf32>
    %mul3A_139 = arith.mulf %max3A_128, %max3A_138 : vector<256x256xf32>
    %add3A_140 = vector.broadcast %mul3A_115 : vector<256x1xf32> to vector<256x256xf32>
    %add3A_141 = vector.broadcast %mul3A_118 : vector<1x256xf32> to vector<256x256xf32>
    %add3A_142 = arith.addf %add3A_140, %add3A_141 : vector<256x256xf32>
    %sub3A_143 = arith.subf %add3A_142, %mul3A_139 : vector<256x256xf32>
    %max3A_144 = arith.constant 9.99999971E-10 : f32
    %max3A_145 = vector.broadcast %max3A_144 : f32 to vector<256x256xf32>
    %max3A_146 = arith.maximumf %sub3A_143, %max3A_145 : vector<256x256xf32>
    %div3A_147 = arith.divf %mul3A_139, %max3A_146 : vector<256x256xf32>
    %gt3A_148 = arith.constant 0.699999988 : f32
    %gt3A_149 = vector.broadcast %gt3A_148 : f32 to vector<256x256xf32>
    %gt3A_150 = arith.cmpf ogt, %div3A_147, %gt3A_149 : vector<256x256xf32>
    %convert_element_type3A_151 = arith.extui %gt3A_150 : vector<256x256xi1> to vector<256x256xi32>
    %convert_element_type3A_152 = arith.sitofp %convert_element_type3A_151 : vector<256x256xi32> to vector<256x256xf32>
    %convert_element_type3A_153 = arith.truncf %convert_element_type3A_152 : vector<256x256xf32> to vector<256x256xbf16>
    %convert_element_type3A_154 = arith.truncf %while3A_86#0 : vector<1x256xf32> to vector<1x256xbf16>
    %dot_general3A = arith.constant dense<0.000000e+00> : vector<1x256xf32>
    %dot_general3A_155 = tpu.matmul %convert_element_type3A_154, %convert_element_type3A_153, %dot_general3A {dimension_numbers = #tpu.dot_dimension_numbers<[1], [0], [0], [1], [0, 0, 1, 1], [], []>, transpose_lhs_hint = false} : vector<1x256xbf16>, vector<256x256xbf16>, vector<1x256xf32> -> vector<1x256xf32>
    %add3A_156 = arith.addf %broadcast_in_dim3A_100, %dot_general3A_155 : vector<1x256xf32>
    %get3A_157 = arith.constant 256 : index
    %get3A_158 = arith.constant 0 : index
    %get3A_159 = vector.load %arg3[%get3A_157, %get3A_158] : memref<2048x4xf32, #tpu.memory_space<vmem>>, vector<256x1xf32>
    %get3A_160 = arith.constant 256 : index
    %get3A_161 = arith.constant 1 : index
    %get3A_162 = vector.load %arg3[%get3A_160, %get3A_161] : memref<2048x4xf32, #tpu.memory_space<vmem>>, vector<256x1xf32>
    %get3A_163 = arith.constant 256 : index
    %get3A_164 = arith.constant 2 : index
    %get3A_165 = vector.load %arg3[%get3A_163, %get3A_164] : memref<2048x4xf32, #tpu.memory_space<vmem>>, vector<256x1xf32>
    %get3A_166 = arith.constant 256 : index
    %get3A_167 = arith.constant 3 : index
    %get3A_168 = vector.load %arg3[%get3A_166, %get3A_167] : memref<2048x4xf32, #tpu.memory_space<vmem>>, vector<256x1xf32>
    %sub3A_169 = arith.subf %get3A_165, %get3A_159 : vector<256x1xf32>
    %sub3A_170 = arith.subf %get3A_168, %get3A_162 : vector<256x1xf32>
    %mul3A_171 = arith.mulf %sub3A_169, %sub3A_170 : vector<256x1xf32>
    %sub3A_172 = arith.subf %get3A_95, %get3A_89 : vector<1x256xf32>
    %sub3A_173 = arith.subf %get3A_98, %get3A_92 : vector<1x256xf32>
    %mul3A_174 = arith.mulf %sub3A_172, %sub3A_173 : vector<1x256xf32>
    %min3A_175 = vector.broadcast %get3A_165 : vector<256x1xf32> to vector<256x256xf32>
    %min3A_176 = vector.broadcast %get3A_95 : vector<1x256xf32> to vector<256x256xf32>
    %min3A_177 = arith.minimumf %min3A_175, %min3A_176 : vector<256x256xf32>
    %max3A_178 = vector.broadcast %get3A_159 : vector<256x1xf32> to vector<256x256xf32>
    %max3A_179 = vector.broadcast %get3A_89 : vector<1x256xf32> to vector<256x256xf32>
    %max3A_180 = arith.maximumf %max3A_178, %max3A_179 : vector<256x256xf32>
    %sub3A_181 = arith.subf %min3A_177, %max3A_180 : vector<256x256xf32>
    %jit3A_182 = arith.constant 0.000000e+00 : f32
    %max3A_183 = vector.broadcast %jit3A_182 : f32 to vector<256x256xf32>
    %max3A_184 = arith.maximumf %max3A_183, %sub3A_181 : vector<256x256xf32>
    %min3A_185 = vector.broadcast %get3A_168 : vector<256x1xf32> to vector<256x256xf32>
    %min3A_186 = vector.broadcast %get3A_98 : vector<1x256xf32> to vector<256x256xf32>
    %min3A_187 = arith.minimumf %min3A_185, %min3A_186 : vector<256x256xf32>
    %max3A_188 = vector.broadcast %get3A_162 : vector<256x1xf32> to vector<256x256xf32>
    %max3A_189 = vector.broadcast %get3A_92 : vector<1x256xf32> to vector<256x256xf32>
    %max3A_190 = arith.maximumf %max3A_188, %max3A_189 : vector<256x256xf32>
    %sub3A_191 = arith.subf %min3A_187, %max3A_190 : vector<256x256xf32>
    %jit3A_192 = arith.constant 0.000000e+00 : f32
    %max3A_193 = vector.broadcast %jit3A_192 : f32 to vector<256x256xf32>
    %max3A_194 = arith.maximumf %max3A_193, %sub3A_191 : vector<256x256xf32>
    %mul3A_195 = arith.mulf %max3A_184, %max3A_194 : vector<256x256xf32>
    %add3A_196 = vector.broadcast %mul3A_171 : vector<256x1xf32> to vector<256x256xf32>
    %add3A_197 = vector.broadcast %mul3A_174 : vector<1x256xf32> to vector<256x256xf32>
    %add3A_198 = arith.addf %add3A_196, %add3A_197 : vector<256x256xf32>
    %sub3A_199 = arith.subf %add3A_198, %mul3A_195 : vector<256x256xf32>
    %max3A_200 = arith.constant 9.99999971E-10 : f32
    %max3A_201 = vector.broadcast %max3A_200 : f32 to vector<256x256xf32>
    %max3A_202 = arith.maximumf %sub3A_199, %max3A_201 : vector<256x256xf32>
    %div3A_203 = arith.divf %mul3A_195, %max3A_202 : vector<256x256xf32>
    %gt3A_204 = arith.constant 0.699999988 : f32
    %gt3A_205 = vector.broadcast %gt3A_204 : f32 to vector<256x256xf32>
    %gt3A_206 = arith.cmpf ogt, %div3A_203, %gt3A_205 : vector<256x256xf32>
    %gt3A_207 = arith.constant 5.000000e-01 : f32
    %gt3A_208 = vector.broadcast %gt3A_207 : f32 to vector<256x256xf32>
    %gt3A_209 = arith.cmpf ogt, %convert_element_type3A_15, %gt3A_208 : vector<256x256xf32>
    %and3A_210 = arith.andi %gt3A_206, %gt3A_209 : vector<256x256xi1>
    %convert_element_type3A_211 = arith.extui %and3A_210 : vector<256x256xi1> to vector<256x256xi32>
    %convert_element_type3A_212 = arith.sitofp %convert_element_type3A_211 : vector<256x256xi32> to vector<256x256xf32>
    %convert_element_type3A_213 = arith.truncf %convert_element_type3A_212 : vector<256x256xf32> to vector<256x256xbf16>
    %swap3A_214 = arith.constant 0 : index
    %swap3A_215 = arith.constant 0 : index
    %swap3A_216 = vector.load %arg5[%swap3A_214, %swap3A_215] : memref<256x256xbf16, #tpu.memory_space<vmem>>, vector<256x256xbf16>
    tpu.vector_store %arg5[%swap3A_214, %swap3A_215], %convert_element_type3A_213 {strides = array<i32>} : memref<256x256xbf16, #tpu.memory_space<vmem>>, vector<256x256xbf16>,
    %lt3A_217 = arith.constant 5.000000e-01 : f32
    %lt3A_218 = vector.broadcast %lt3A_217 : f32 to vector<1x256xf32>
    %lt3A_219 = arith.cmpf olt, %add3A_156, %lt3A_218 : vector<1x256xf32>
    %convert_element_type3A_220 = arith.extui %lt3A_219 : vector<1x256xi1> to vector<1x256xi32>
    %convert_element_type3A_221 = arith.sitofp %convert_element_type3A_220 : vector<1x256xi32> to vector<1x256xf32>
    %while3A_222 = arith.constant true
    %while3A_223:2 = scf.while (%while3A_2535 = %convert_element_type3A_221, %while3A_2536 = %while3A_222) : (vector<1x256xf32>, i1) -> (vector<1x256xf32>, i1) {
      scf.condition(%while3A_2536) %while3A_2535, %while3A_2536 : vector<1x256xf32>, i1
    } do {
    ^bb0(%while3A_2535: vector<1x256xf32>, %while3A_2536: i1):
      %convert_element_type3A_2537 = arith.truncf %while3A_2535 : vector<1x256xf32> to vector<1x256xbf16>
      %get3A_2538 = arith.constant 0 : index
      %get3A_2539 = arith.constant 0 : index
      %get3A_2540 = vector.load %arg5[%get3A_2538, %get3A_2539] : memref<256x256xbf16, #tpu.memory_space<vmem>>, vector<256x256xbf16>
      %dot_general3A_2541 = arith.constant dense<0.000000e+00> : vector<1x256xf32>
      %dot_general3A_2542 = tpu.matmul %convert_element_type3A_2537, %get3A_2540, %dot_general3A_2541 {dimension_numbers = #tpu.dot_dimension_numbers<[1], [0], [0], [1], [0, 0, 1, 1], [], []>, transpose_lhs_hint = false} : vector<1x256xbf16>, vector<256x256xbf16>, vector<1x256xf32> -> vector<1x256xf32>
      %add3A_2543 = arith.addf %add3A_156, %dot_general3A_2542 : vector<1x256xf32>
      %lt3A_2544 = arith.constant 5.000000e-01 : f32
      %lt3A_2545 = vector.broadcast %lt3A_2544 : f32 to vector<1x256xf32>
      %lt3A_2546 = arith.cmpf olt, %add3A_2543, %lt3A_2545 : vector<1x256xf32>
      %convert_element_type3A_2547 = arith.extui %lt3A_2546 : vector<1x256xi1> to vector<1x256xi32>
      %convert_element_type3A_2548 = arith.sitofp %convert_element_type3A_2547 : vector<1x256xi32> to vector<1x256xf32>
      %ne3A = arith.cmpf one, %convert_element_type3A_2548, %while3A_2535 : vector<1x256xf32>
      %reduce_or3A = arith.constant 1.000000e+00 : f32
      %reduce_or3A_2549 = arith.constant 0.000000e+00 : f32
      %reduce_or3A_2550 = vector.broadcast %reduce_or3A : f32 to vector<1x256xf32>
      %reduce_or3A_2551 = vector.broadcast %reduce_or3A_2549 : f32 to vector<1x256xf32>
      %reduce_or3A_2552 = arith.select %ne3A, %reduce_or3A_2550, %reduce_or3A_2551 : vector<1x256xi1>, vector<1x256xf32>
      %reduce_or3A_2553 = vector.shape_cast %reduce_or3A_2552 : vector<1x256xf32> to vector<1x1x256xf32>
      %reduce_or3A_2554 = arith.constant dense<0xFF800000> : vector<1xf32>
      %reduce_or3A_2555 = vector.multi_reduction <maximumf>, %reduce_or3A_2553, %reduce_or3A_2554 [1, 2] : vector<1x1x256xf32> to vector<1xf32>
      %reduce_or3A_2556 = vector.shape_cast %reduce_or3A_2555 : vector<1xf32> to vector<1x1x1xf32>
      %reduce_or3A_2557 = vector.extract %reduce_or3A_2556[0, 0, 0] : f32 from vector<1x1x1xf32>
      %reduce_or3A_2558 = arith.constant 0.000000e+00 : f32
      %reduce_or3A_2559 = arith.cmpf ogt, %reduce_or3A_2557, %reduce_or3A_2558 : f32
      scf.yield %convert_element_type3A_2548, %reduce_or3A_2559 : vector<1x256xf32>, i1
    }
    %get3A_224 = arith.constant 0 : index
    %get3A_225 = arith.constant 512 : index
    %get3A_226 = vector.load %arg4[%get3A_224, %get3A_225] : memref<4x2048xf32, #tpu.memory_space<vmem>>, vector<1x256xf32>
    %get3A_227 = arith.constant 1 : index
    %get3A_228 = arith.constant 512 : index
    %get3A_229 = vector.load %arg4[%get3A_227, %get3A_228] : memref<4x2048xf32, #tpu.memory_space<vmem>>, vector<1x256xf32>
    %get3A_230 = arith.constant 2 : index
    %get3A_231 = arith.constant 512 : index
    %get3A_232 = vector.load %arg4[%get3A_230, %get3A_231] : memref<4x2048xf32, #tpu.memory_space<vmem>>, vector<1x256xf32>
    %get3A_233 = arith.constant 3 : index
    %get3A_234 = arith.constant 512 : index
    %get3A_235 = vector.load %arg4[%get3A_233, %get3A_234] : memref<4x2048xf32, #tpu.memory_space<vmem>>, vector<1x256xf32>
    %broadcast_in_dim3A_236 = arith.constant 0.000000e+00 : f32
    %broadcast_in_dim3A_237 = vector.broadcast %broadcast_in_dim3A_236 : f32 to vector<1x256xf32>
    %get3A_238 = arith.constant 0 : index
    %get3A_239 = arith.constant 0 : index
    %get3A_240 = vector.load %arg3[%get3A_238, %get3A_239] : memref<2048x4xf32, #tpu.memory_space<vmem>>, vector<256x1xf32>
    %get3A_241 = arith.constant 0 : index
    %get3A_242 = arith.constant 1 : index
    %get3A_243 = vector.load %arg3[%get3A_241, %get3A_242] : memref<2048x4xf32, #tpu.memory_space<vmem>>, vector<256x1xf32>
    %get3A_244 = arith.constant 0 : index
    %get3A_245 = arith.constant 2 : index
    %get3A_246 = vector.load %arg3[%get3A_244, %get3A_245] : memref<2048x4xf32, #tpu.memory_space<vmem>>, vector<256x1xf32>
    %get3A_247 = arith.constant 0 : index
    %get3A_248 = arith.constant 3 : index
    %get3A_249 = vector.load %arg3[%get3A_247, %get3A_248] : memref<2048x4xf32, #tpu.memory_space<vmem>>, vector<256x1xf32>
    %sub3A_250 = arith.subf %get3A_246, %get3A_240 : vector<256x1xf32>
    %sub3A_251 = arith.subf %get3A_249, %get3A_243 : vector<256x1xf32>
    %mul3A_252 = arith.mulf %sub3A_250, %sub3A_251 : vector<256x1xf32>
    %sub3A_253 = arith.subf %get3A_232, %get3A_226 : vector<1x256xf32>
    %sub3A_254 = arith.subf %get3A_235, %get3A_229 : vector<1x256xf32>
    %mul3A_255 = arith.mulf %sub3A_253, %sub3A_254 : vector<1x256xf32>
    %min3A_256 = vector.broadcast %get3A_246 : vector<256x1xf32> to vector<256x256xf32>
    %min3A_257 = vector.broadcast %get3A_232 : vector<1x256xf32> to vector<256x256xf32>
    %min3A_258 = arith.minimumf %min3A_256, %min3A_257 : vector<256x256xf32>
    %max3A_259 = vector.broadcast %get3A_240 : vector<256x1xf32> to vector<256x256xf32>
    %max3A_260 = vector.broadcast %get3A_226 : vector<1x256xf32> to vector<256x256xf32>
    %max3A_261 = arith.maximumf %max3A_259, %max3A_260 : vector<256x256xf32>
    %sub3A_262 = arith.subf %min3A_258, %max3A_261 : vector<256x256xf32>
    %jit3A_263 = arith.constant 0.000000e+00 : f32
    %max3A_264 = vector.broadcast %jit3A_263 : f32 to vector<256x256xf32>
    %max3A_265 = arith.maximumf %max3A_264, %sub3A_262 : vector<256x256xf32>
    %min3A_266 = vector.broadcast %get3A_249 : vector<256x1xf32> to vector<256x256xf32>
    %min3A_267 = vector.broadcast %get3A_235 : vector<1x256xf32> to vector<256x256xf32>
    %min3A_268 = arith.minimumf %min3A_266, %min3A_267 : vector<256x256xf32>
    %max3A_269 = vector.broadcast %get3A_243 : vector<256x1xf32> to vector<256x256xf32>
    %max3A_270 = vector.broadcast %get3A_229 : vector<1x256xf32> to vector<256x256xf32>
    %max3A_271 = arith.maximumf %max3A_269, %max3A_270 : vector<256x256xf32>
    %sub3A_272 = arith.subf %min3A_268, %max3A_271 : vector<256x256xf32>
    %jit3A_273 = arith.constant 0.000000e+00 : f32
    %max3A_274 = vector.broadcast %jit3A_273 : f32 to vector<256x256xf32>
    %max3A_275 = arith.maximumf %max3A_274, %sub3A_272 : vector<256x256xf32>
    %mul3A_276 = arith.mulf %max3A_265, %max3A_275 : vector<256x256xf32>
    %add3A_277 = vector.broadcast %mul3A_252 : vector<256x1xf32> to vector<256x256xf32>
    %add3A_278 = vector.broadcast %mul3A_255 : vector<1x256xf32> to vector<256x256xf32>
    %add3A_279 = arith.addf %add3A_277, %add3A_278 : vector<256x256xf32>
    %sub3A_280 = arith.subf %add3A_279, %mul3A_276 : vector<256x256xf32>
    %max3A_281 = arith.constant 9.99999971E-10 : f32
    %max3A_282 = vector.broadcast %max3A_281 : f32 to vector<256x256xf32>
    %max3A_283 = arith.maximumf %sub3A_280, %max3A_282 : vector<256x256xf32>
    %div3A_284 = arith.divf %mul3A_276, %max3A_283 : vector<256x256xf32>
    %gt3A_285 = arith.constant 0.699999988 : f32
    %gt3A_286 = vector.broadcast %gt3A_285 : f32 to vector<256x256xf32>
    %gt3A_287 = arith.cmpf ogt, %div3A_284, %gt3A_286 : vector<256x256xf32>
    %convert_element_type3A_288 = arith.extui %gt3A_287 : vector<256x256xi1> to vector<256x256xi32>
    %convert_element_type3A_289 = arith.sitofp %convert_element_type3A_288 : vector<256x256xi32> to vector<256x256xf32>
    %convert_element_type3A_290 = arith.truncf %convert_element_type3A_289 : vector<256x256xf32> to vector<256x256xbf16>
    %convert_element_type3A_291 = arith.truncf %while3A_86#0 : vector<1x256xf32> to vector<1x256xbf16>
    %dot_general3A_292 = arith.constant dense<0.000000e+00> : vector<1x256xf32>
    %dot_general3A_293 = tpu.matmul %convert_element_type3A_291, %convert_element_type3A_290, %dot_general3A_292 {dimension_numbers = #tpu.dot_dimension_numbers<[1], [0], [0], [1], [0, 0, 1, 1], [], []>, transpose_lhs_hint = false} : vector<1x256xbf16>, vector<256x256xbf16>, vector<1x256xf32> -> vector<1x256xf32>
    %add3A_294 = arith.addf %broadcast_in_dim3A_237, %dot_general3A_293 : vector<1x256xf32>
    %get3A_295 = arith.constant 256 : index
    %get3A_296 = arith.constant 0 : index
    %get3A_297 = vector.load %arg3[%get3A_295, %get3A_296] : memref<2048x4xf32, #tpu.memory_space<vmem>>, vector<256x1xf32>
    %get3A_298 = arith.constant 256 : index
    %get3A_299 = arith.constant 1 : index
    %get3A_300 = vector.load %arg3[%get3A_298, %get3A_299] : memref<2048x4xf32, #tpu.memory_space<vmem>>, vector<256x1xf32>
    %get3A_301 = arith.constant 256 : index
    %get3A_302 = arith.constant 2 : index
    %get3A_303 = vector.load %arg3[%get3A_301, %get3A_302] : memref<2048x4xf32, #tpu.memory_space<vmem>>, vector<256x1xf32>
    %get3A_304 = arith.constant 256 : index
    %get3A_305 = arith.constant 3 : index
    %get3A_306 = vector.load %arg3[%get3A_304, %get3A_305] : memref<2048x4xf32, #tpu.memory_space<vmem>>, vector<256x1xf32>
    %sub3A_307 = arith.subf %get3A_303, %get3A_297 : vector<256x1xf32>
    %sub3A_308 = arith.subf %get3A_306, %get3A_300 : vector<256x1xf32>
    %mul3A_309 = arith.mulf %sub3A_307, %sub3A_308 : vector<256x1xf32>
    %sub3A_310 = arith.subf %get3A_232, %get3A_226 : vector<1x256xf32>
    %sub3A_311 = arith.subf %get3A_235, %get3A_229 : vector<1x256xf32>
    %mul3A_312 = arith.mulf %sub3A_310, %sub3A_311 : vector<1x256xf32>
    %min3A_313 = vector.broadcast %get3A_303 : vector<256x1xf32> to vector<256x256xf32>
    %min3A_314 = vector.broadcast %get3A_232 : vector<1x256xf32> to vector<256x256xf32>
    %min3A_315 = arith.minimumf %min3A_313, %min3A_314 : vector<256x256xf32>
    %max3A_316 = vector.broadcast %get3A_297 : vector<256x1xf32> to vector<256x256xf32>
    %max3A_317 = vector.broadcast %get3A_226 : vector<1x256xf32> to vector<256x256xf32>
    %max3A_318 = arith.maximumf %max3A_316, %max3A_317 : vector<256x256xf32>
    %sub3A_319 = arith.subf %min3A_315, %max3A_318 : vector<256x256xf32>
    %jit3A_320 = arith.constant 0.000000e+00 : f32
    %max3A_321 = vector.broadcast %jit3A_320 : f32 to vector<256x256xf32>
    %max3A_322 = arith.maximumf %max3A_321, %sub3A_319 : vector<256x256xf32>
    %min3A_323 = vector.broadcast %get3A_306 : vector<256x1xf32> to vector<256x256xf32>
    %min3A_324 = vector.broadcast %get3A_235 : vector<1x256xf32> to vector<256x256xf32>
    %min3A_325 = arith.minimumf %min3A_323, %min3A_324 : vector<256x256xf32>
    %max3A_326 = vector.broadcast %get3A_300 : vector<256x1xf32> to vector<256x256xf32>
    %max3A_327 = vector.broadcast %get3A_229 : vector<1x256xf32> to vector<256x256xf32>
    %max3A_328 = arith.maximumf %max3A_326, %max3A_327 : vector<256x256xf32>
    %sub3A_329 = arith.subf %min3A_325, %max3A_328 : vector<256x256xf32>
    %jit3A_330 = arith.constant 0.000000e+00 : f32
    %max3A_331 = vector.broadcast %jit3A_330 : f32 to vector<256x256xf32>
    %max3A_332 = arith.maximumf %max3A_331, %sub3A_329 : vector<256x256xf32>
    %mul3A_333 = arith.mulf %max3A_322, %max3A_332 : vector<256x256xf32>
    %add3A_334 = vector.broadcast %mul3A_309 : vector<256x1xf32> to vector<256x256xf32>
    %add3A_335 = vector.broadcast %mul3A_312 : vector<1x256xf32> to vector<256x256xf32>
    %add3A_336 = arith.addf %add3A_334, %add3A_335 : vector<256x256xf32>
    %sub3A_337 = arith.subf %add3A_336, %mul3A_333 : vector<256x256xf32>
    %max3A_338 = arith.constant 9.99999971E-10 : f32
    %max3A_339 = vector.broadcast %max3A_338 : f32 to vector<256x256xf32>
    %max3A_340 = arith.maximumf %sub3A_337, %max3A_339 : vector<256x256xf32>
    %div3A_341 = arith.divf %mul3A_333, %max3A_340 : vector<256x256xf32>
    %gt3A_342 = arith.constant 0.699999988 : f32
    %gt3A_343 = vector.broadcast %gt3A_342 : f32 to vector<256x256xf32>
    %gt3A_344 = arith.cmpf ogt, %div3A_341, %gt3A_343 : vector<256x256xf32>
    %convert_element_type3A_345 = arith.extui %gt3A_344 : vector<256x256xi1> to vector<256x256xi32>
    %convert_element_type3A_346 = arith.sitofp %convert_element_type3A_345 : vector<256x256xi32> to vector<256x256xf32>
    %convert_element_type3A_347 = arith.truncf %convert_element_type3A_346 : vector<256x256xf32> to vector<256x256xbf16>
    %convert_element_type3A_348 = arith.truncf %while3A_223#0 : vector<1x256xf32> to vector<1x256xbf16>
    %dot_general3A_349 = arith.constant dense<0.000000e+00> : vector<1x256xf32>
    %dot_general3A_350 = tpu.matmul %convert_element_type3A_348, %convert_element_type3A_347, %dot_general3A_349 {dimension_numbers = #tpu.dot_dimension_numbers<[1], [0], [0], [1], [0, 0, 1, 1], [], []>, transpose_lhs_hint = false} : vector<1x256xbf16>, vector<256x256xbf16>, vector<1x256xf32> -> vector<1x256xf32>
    %add3A_351 = arith.addf %add3A_294, %dot_general3A_350 : vector<1x256xf32>
    %get3A_352 = arith.constant 512 : index
    %get3A_353 = arith.constant 0 : index
    %get3A_354 = vector.load %arg3[%get3A_352, %get3A_353] : memref<2048x4xf32, #tpu.memory_space<vmem>>, vector<256x1xf32>
    %get3A_355 = arith.constant 512 : index
    %get3A_356 = arith.constant 1 : index
    %get3A_357 = vector.load %arg3[%get3A_355, %get3A_356] : memref<2048x4xf32, #tpu.memory_space<vmem>>, vector<256x1xf32>
    %get3A_358 = arith.constant 512 : index
    %get3A_359 = arith.constant 2 : index
    %get3A_360 = vector.load %arg3[%get3A_358, %get3A_359] : memref<2048x4xf32, #tpu.memory_space<vmem>>, vector<256x1xf32>
    %get3A_361 = arith.constant 512 : index
    %get3A_362 = arith.constant 3 : index
    %get3A_363 = vector.load %arg3[%get3A_361, %get3A_362] : memref<2048x4xf32, #tpu.memory_space<vmem>>, vector<256x1xf32>
    %sub3A_364 = arith.subf %get3A_360, %get3A_354 : vector<256x1xf32>
    %sub3A_365 = arith.subf %get3A_363, %get3A_357 : vector<256x1xf32>
    %mul3A_366 = arith.mulf %sub3A_364, %sub3A_365 : vector<256x1xf32>
    %sub3A_367 = arith.subf %get3A_232, %get3A_226 : vector<1x256xf32>
    %sub3A_368 = arith.subf %get3A_235, %get3A_229 : vector<1x256xf32>
    %mul3A_369 = arith.mulf %sub3A_367, %sub3A_368 : vector<1x256xf32>
    %min3A_370 = vector.broadcast %get3A_360 : vector<256x1xf32> to vector<256x256xf32>
    %min3A_371 = vector.broadcast %get3A_232 : vector<1x256xf32> to vector<256x256xf32>
    %min3A_372 = arith.minimumf %min3A_370, %min3A_371 : vector<256x256xf32>
    %max3A_373 = vector.broadcast %get3A_354 : vector<256x1xf32> to vector<256x256xf32>
    %max3A_374 = vector.broadcast %get3A_226 : vector<1x256xf32> to vector<256x256xf32>
    %max3A_375 = arith.maximumf %max3A_373, %max3A_374 : vector<256x256xf32>
    %sub3A_376 = arith.subf %min3A_372, %max3A_375 : vector<256x256xf32>
    %jit3A_377 = arith.constant 0.000000e+00 : f32
    %max3A_378 = vector.broadcast %jit3A_377 : f32 to vector<256x256xf32>
    %max3A_379 = arith.maximumf %max3A_378, %sub3A_376 : vector<256x256xf32>
    %min3A_380 = vector.broadcast %get3A_363 : vector<256x1xf32> to vector<256x256xf32>
    %min3A_381 = vector.broadcast %get3A_235 : vector<1x256xf32> to vector<256x256xf32>
    %min3A_382 = arith.minimumf %min3A_380, %min3A_381 : vector<256x256xf32>
    %max3A_383 = vector.broadcast %get3A_357 : vector<256x1xf32> to vector<256x256xf32>
    %max3A_384 = vector.broadcast %get3A_229 : vector<1x256xf32> to vector<256x256xf32>
    %max3A_385 = arith.maximumf %max3A_383, %max3A_384 : vector<256x256xf32>
    %sub3A_386 = arith.subf %min3A_382, %max3A_385 : vector<256x256xf32>
    %jit3A_387 = arith.constant 0.000000e+00 : f32
    %max3A_388 = vector.broadcast %jit3A_387 : f32 to vector<256x256xf32>
    %max3A_389 = arith.maximumf %max3A_388, %sub3A_386 : vector<256x256xf32>
    %mul3A_390 = arith.mulf %max3A_379, %max3A_389 : vector<256x256xf32>
    %add3A_391 = vector.broadcast %mul3A_366 : vector<256x1xf32> to vector<256x256xf32>
    %add3A_392 = vector.broadcast %mul3A_369 : vector<1x256xf32> to vector<256x256xf32>
    %add3A_393 = arith.addf %add3A_391, %add3A_392 : vector<256x256xf32>
    %sub3A_394 = arith.subf %add3A_393, %mul3A_390 : vector<256x256xf32>
    %max3A_395 = arith.constant 9.99999971E-10 : f32
    %max3A_396 = vector.broadcast %max3A_395 : f32 to vector<256x256xf32>
    %max3A_397 = arith.maximumf %sub3A_394, %max3A_396 : vector<256x256xf32>
    %div3A_398 = arith.divf %mul3A_390, %max3A_397 : vector<256x256xf32>
    %gt3A_399 = arith.constant 0.699999988 : f32
    %gt3A_400 = vector.broadcast %gt3A_399 : f32 to vector<256x256xf32>
    %gt3A_401 = arith.cmpf ogt, %div3A_398, %gt3A_400 : vector<256x256xf32>
    %gt3A_402 = arith.constant 5.000000e-01 : f32
    %gt3A_403 = vector.broadcast %gt3A_402 : f32 to vector<256x256xf32>
    %gt3A_404 = arith.cmpf ogt, %convert_element_type3A_15, %gt3A_403 : vector<256x256xf32>
    %and3A_405 = arith.andi %gt3A_401, %gt3A_404 : vector<256x256xi1>
    %convert_element_type3A_406 = arith.extui %and3A_405 : vector<256x256xi1> to vector<256x256xi32>
    %convert_element_type3A_407 = arith.sitofp %convert_element_type3A_406 : vector<256x256xi32> to vector<256x256xf32>
    %convert_element_type3A_408 = arith.truncf %convert_element_type3A_407 : vector<256x256xf32> to vector<256x256xbf16>
    %swap3A_409 = arith.constant 0 : index
    %swap3A_410 = arith.constant 0 : index
    %swap3A_411 = vector.load %arg5[%swap3A_409, %swap3A_410] : memref<256x256xbf16, #tpu.memory_space<vmem>>, vector<256x256xbf16>
    tpu.vector_store %arg5[%swap3A_409, %swap3A_410], %convert_element_type3A_408 {strides = array<i32>} : memref<256x256xbf16, #tpu.memory_space<vmem>>, vector<256x256xbf16>,
    %lt3A_412 = arith.constant 5.000000e-01 : f32
    %lt3A_413 = vector.broadcast %lt3A_412 : f32 to vector<1x256xf32>
    %lt3A_414 = arith.cmpf olt, %add3A_351, %lt3A_413 : vector<1x256xf32>
    %convert_element_type3A_415 = arith.extui %lt3A_414 : vector<1x256xi1> to vector<1x256xi32>
    %convert_element_type3A_416 = arith.sitofp %convert_element_type3A_415 : vector<1x256xi32> to vector<1x256xf32>
    %while3A_417 = arith.constant true
    %while3A_418:2 = scf.while (%while3A_2535 = %convert_element_type3A_416, %while3A_2536 = %while3A_417) : (vector<1x256xf32>, i1) -> (vector<1x256xf32>, i1) {
      scf.condition(%while3A_2536) %while3A_2535, %while3A_2536 : vector<1x256xf32>, i1
    } do {
    ^bb0(%while3A_2535: vector<1x256xf32>, %while3A_2536: i1):
      %convert_element_type3A_2537 = arith.truncf %while3A_2535 : vector<1x256xf32> to vector<1x256xbf16>
      %get3A_2538 = arith.constant 0 : index
      %get3A_2539 = arith.constant 0 : index
      %get3A_2540 = vector.load %arg5[%get3A_2538, %get3A_2539] : memref<256x256xbf16, #tpu.memory_space<vmem>>, vector<256x256xbf16>
      %dot_general3A_2541 = arith.constant dense<0.000000e+00> : vector<1x256xf32>
      %dot_general3A_2542 = tpu.matmul %convert_element_type3A_2537, %get3A_2540, %dot_general3A_2541 {dimension_numbers = #tpu.dot_dimension_numbers<[1], [0], [0], [1], [0, 0, 1, 1], [], []>, transpose_lhs_hint = false} : vector<1x256xbf16>, vector<256x256xbf16>, vector<1x256xf32> -> vector<1x256xf32>
      %add3A_2543 = arith.addf %add3A_351, %dot_general3A_2542 : vector<1x256xf32>
      %lt3A_2544 = arith.constant 5.000000e-01 : f32
      %lt3A_2545 = vector.broadcast %lt3A_2544 : f32 to vector<1x256xf32>
      %lt3A_2546 = arith.cmpf olt, %add3A_2543, %lt3A_2545 : vector<1x256xf32>
      %convert_element_type3A_2547 = arith.extui %lt3A_2546 : vector<1x256xi1> to vector<1x256xi32>
      %convert_element_type3A_2548 = arith.sitofp %convert_element_type3A_2547 : vector<1x256xi32> to vector<1x256xf32>
      %ne3A = arith.cmpf one, %convert_element_type3A_2548, %while3A_2535 : vector<1x256xf32>
      %reduce_or3A = arith.constant 1.000000e+00 : f32
      %reduce_or3A_2549 = arith.constant 0.000000e+00 : f32
      %reduce_or3A_2550 = vector.broadcast %reduce_or3A : f32 to vector<1x256xf32>
      %reduce_or3A_2551 = vector.broadcast %reduce_or3A_2549 : f32 to vector<1x256xf32>
      %reduce_or3A_2552 = arith.select %ne3A, %reduce_or3A_2550, %reduce_or3A_2551 : vector<1x256xi1>, vector<1x256xf32>
      %reduce_or3A_2553 = vector.shape_cast %reduce_or3A_2552 : vector<1x256xf32> to vector<1x1x256xf32>
      %reduce_or3A_2554 = arith.constant dense<0xFF800000> : vector<1xf32>
      %reduce_or3A_2555 = vector.multi_reduction <maximumf>, %reduce_or3A_2553, %reduce_or3A_2554 [1, 2] : vector<1x1x256xf32> to vector<1xf32>
      %reduce_or3A_2556 = vector.shape_cast %reduce_or3A_2555 : vector<1xf32> to vector<1x1x1xf32>
      %reduce_or3A_2557 = vector.extract %reduce_or3A_2556[0, 0, 0] : f32 from vector<1x1x1xf32>
      %reduce_or3A_2558 = arith.constant 0.000000e+00 : f32
      %reduce_or3A_2559 = arith.cmpf ogt, %reduce_or3A_2557, %reduce_or3A_2558 : f32
      scf.yield %convert_element_type3A_2548, %reduce_or3A_2559 : vector<1x256xf32>, i1
    }
    %get3A_419 = arith.constant 0 : index
    %get3A_420 = arith.constant 768 : index
    %get3A_421 = vector.load %arg4[%get3A_419, %get3A_420] : memref<4x2048xf32, #tpu.memory_space<vmem>>, vector<1x256xf32>
    %get3A_422 = arith.constant 1 : index
    %get3A_423 = arith.constant 768 : index
    %get3A_424 = vector.load %arg4[%get3A_422, %get3A_423] : memref<4x2048xf32, #tpu.memory_space<vmem>>, vector<1x256xf32>
    %get3A_425 = arith.constant 2 : index
    %get3A_426 = arith.constant 768 : index
    %get3A_427 = vector.load %arg4[%get3A_425, %get3A_426] : memref<4x2048xf32, #tpu.memory_space<vmem>>, vector<1x256xf32>
    %get3A_428 = arith.constant 3 : index
    %get3A_429 = arith.constant 768 : index
    %get3A_430 = vector.load %arg4[%get3A_428, %get3A_429] : memref<4x2048xf32, #tpu.memory_space<vmem>>, vector<1x256xf32>
    %broadcast_in_dim3A_431 = arith.constant 0.000000e+00 : f32
    %broadcast_in_dim3A_432 = vector.broadcast %broadcast_in_dim3A_431 : f32 to vector<1x256xf32>
    %get3A_433 = arith.constant 0 : index
    %get3A_434 = arith.constant 0 : index
    %get3A_435 = vector.load %arg3[%get3A_433, %get3A_434] : memref<2048x4xf32, #tpu.memory_space<vmem>>, vector<256x1xf32>
    %get3A_436 = arith.constant 0 : index
    %get3A_437 = arith.constant 1 : index
    %get3A_438 = vector.load %arg3[%get3A_436, %get3A_437] : memref<2048x4xf32, #tpu.memory_space<vmem>>, vector<256x1xf32>
    %get3A_439 = arith.constant 0 : index
    %get3A_440 = arith.constant 2 : index
    %get3A_441 = vector.load %arg3[%get3A_439, %get3A_440] : memref<2048x4xf32, #tpu.memory_space<vmem>>, vector<256x1xf32>
    %get3A_442 = arith.constant 0 : index
    %get3A_443 = arith.constant 3 : index
    %get3A_444 = vector.load %arg3[%get3A_442, %get3A_443] : memref<2048x4xf32, #tpu.memory_space<vmem>>, vector<256x1xf32>
    %sub3A_445 = arith.subf %get3A_441, %get3A_435 : vector<256x1xf32>
    %sub3A_446 = arith.subf %get3A_444, %get3A_438 : vector<256x1xf32>
    %mul3A_447 = arith.mulf %sub3A_445, %sub3A_446 : vector<256x1xf32>
    %sub3A_448 = arith.subf %get3A_427, %get3A_421 : vector<1x256xf32>
    %sub3A_449 = arith.subf %get3A_430, %get3A_424 : vector<1x256xf32>
    %mul3A_450 = arith.mulf %sub3A_448, %sub3A_449 : vector<1x256xf32>
    %min3A_451 = vector.broadcast %get3A_441 : vector<256x1xf32> to vector<256x256xf32>
    %min3A_452 = vector.broadcast %get3A_427 : vector<1x256xf32> to vector<256x256xf32>
    %min3A_453 = arith.minimumf %min3A_451, %min3A_452 : vector<256x256xf32>
    %max3A_454 = vector.broadcast %get3A_435 : vector<256x1xf32> to vector<256x256xf32>
    %max3A_455 = vector.broadcast %get3A_421 : vector<1x256xf32> to vector<256x256xf32>
    %max3A_456 = arith.maximumf %max3A_454, %max3A_455 : vector<256x256xf32>
    %sub3A_457 = arith.subf %min3A_453, %max3A_456 : vector<256x256xf32>
    %jit3A_458 = arith.constant 0.000000e+00 : f32
    %max3A_459 = vector.broadcast %jit3A_458 : f32 to vector<256x256xf32>
    %max3A_460 = arith.maximumf %max3A_459, %sub3A_457 : vector<256x256xf32>
    %min3A_461 = vector.broadcast %get3A_444 : vector<256x1xf32> to vector<256x256xf32>
    %min3A_462 = vector.broadcast %get3A_430 : vector<1x256xf32> to vector<256x256xf32>
    %min3A_463 = arith.minimumf %min3A_461, %min3A_462 : vector<256x256xf32>
    %max3A_464 = vector.broadcast %get3A_438 : vector<256x1xf32> to vector<256x256xf32>
    %max3A_465 = vector.broadcast %get3A_424 : vector<1x256xf32> to vector<256x256xf32>
    %max3A_466 = arith.maximumf %max3A_464, %max3A_465 : vector<256x256xf32>
    %sub3A_467 = arith.subf %min3A_463, %max3A_466 : vector<256x256xf32>
    %jit3A_468 = arith.constant 0.000000e+00 : f32
    %max3A_469 = vector.broadcast %jit3A_468 : f32 to vector<256x256xf32>
    %max3A_470 = arith.maximumf %max3A_469, %sub3A_467 : vector<256x256xf32>
    %mul3A_471 = arith.mulf %max3A_460, %max3A_470 : vector<256x256xf32>
    %add3A_472 = vector.broadcast %mul3A_447 : vector<256x1xf32> to vector<256x256xf32>
    %add3A_473 = vector.broadcast %mul3A_450 : vector<1x256xf32> to vector<256x256xf32>
    %add3A_474 = arith.addf %add3A_472, %add3A_473 : vector<256x256xf32>
    %sub3A_475 = arith.subf %add3A_474, %mul3A_471 : vector<256x256xf32>
    %max3A_476 = arith.constant 9.99999971E-10 : f32
    %max3A_477 = vector.broadcast %max3A_476 : f32 to vector<256x256xf32>
    %max3A_478 = arith.maximumf %sub3A_475, %max3A_477 : vector<256x256xf32>
    %div3A_479 = arith.divf %mul3A_471, %max3A_478 : vector<256x256xf32>
    %gt3A_480 = arith.constant 0.699999988 : f32
    %gt3A_481 = vector.broadcast %gt3A_480 : f32 to vector<256x256xf32>
    %gt3A_482 = arith.cmpf ogt, %div3A_479, %gt3A_481 : vector<256x256xf32>
    %convert_element_type3A_483 = arith.extui %gt3A_482 : vector<256x256xi1> to vector<256x256xi32>
    %convert_element_type3A_484 = arith.sitofp %convert_element_type3A_483 : vector<256x256xi32> to vector<256x256xf32>
    %convert_element_type3A_485 = arith.truncf %convert_element_type3A_484 : vector<256x256xf32> to vector<256x256xbf16>
    %convert_element_type3A_486 = arith.truncf %while3A_86#0 : vector<1x256xf32> to vector<1x256xbf16>
    %dot_general3A_487 = arith.constant dense<0.000000e+00> : vector<1x256xf32>
    %dot_general3A_488 = tpu.matmul %convert_element_type3A_486, %convert_element_type3A_485, %dot_general3A_487 {dimension_numbers = #tpu.dot_dimension_numbers<[1], [0], [0], [1], [0, 0, 1, 1], [], []>, transpose_lhs_hint = false} : vector<1x256xbf16>, vector<256x256xbf16>, vector<1x256xf32> -> vector<1x256xf32>
    %add3A_489 = arith.addf %broadcast_in_dim3A_432, %dot_general3A_488 : vector<1x256xf32>
    %get3A_490 = arith.constant 256 : index
    %get3A_491 = arith.constant 0 : index
    %get3A_492 = vector.load %arg3[%get3A_490, %get3A_491] : memref<2048x4xf32, #tpu.memory_space<vmem>>, vector<256x1xf32>
    %get3A_493 = arith.constant 256 : index
    %get3A_494 = arith.constant 1 : index
    %get3A_495 = vector.load %arg3[%get3A_493, %get3A_494] : memref<2048x4xf32, #tpu.memory_space<vmem>>, vector<256x1xf32>
    %get3A_496 = arith.constant 256 : index
    %get3A_497 = arith.constant 2 : index
    %get3A_498 = vector.load %arg3[%get3A_496, %get3A_497] : memref<2048x4xf32, #tpu.memory_space<vmem>>, vector<256x1xf32>
    %get3A_499 = arith.constant 256 : index
    %get3A_500 = arith.constant 3 : index
    %get3A_501 = vector.load %arg3[%get3A_499, %get3A_500] : memref<2048x4xf32, #tpu.memory_space<vmem>>, vector<256x1xf32>
    %sub3A_502 = arith.subf %get3A_498, %get3A_492 : vector<256x1xf32>
    %sub3A_503 = arith.subf %get3A_501, %get3A_495 : vector<256x1xf32>
    %mul3A_504 = arith.mulf %sub3A_502, %sub3A_503 : vector<256x1xf32>
    %sub3A_505 = arith.subf %get3A_427, %get3A_421 : vector<1x256xf32>
    %sub3A_506 = arith.subf %get3A_430, %get3A_424 : vector<1x256xf32>
    %mul3A_507 = arith.mulf %sub3A_505, %sub3A_506 : vector<1x256xf32>
    %min3A_508 = vector.broadcast %get3A_498 : vector<256x1xf32> to vector<256x256xf32>
    %min3A_509 = vector.broadcast %get3A_427 : vector<1x256xf32> to vector<256x256xf32>
    %min3A_510 = arith.minimumf %min3A_508, %min3A_509 : vector<256x256xf32>
    %max3A_511 = vector.broadcast %get3A_492 : vector<256x1xf32> to vector<256x256xf32>
    %max3A_512 = vector.broadcast %get3A_421 : vector<1x256xf32> to vector<256x256xf32>
    %max3A_513 = arith.maximumf %max3A_511, %max3A_512 : vector<256x256xf32>
    %sub3A_514 = arith.subf %min3A_510, %max3A_513 : vector<256x256xf32>
    %jit3A_515 = arith.constant 0.000000e+00 : f32
    %max3A_516 = vector.broadcast %jit3A_515 : f32 to vector<256x256xf32>
    %max3A_517 = arith.maximumf %max3A_516, %sub3A_514 : vector<256x256xf32>
    %min3A_518 = vector.broadcast %get3A_501 : vector<256x1xf32> to vector<256x256xf32>
    %min3A_519 = vector.broadcast %get3A_430 : vector<1x256xf32> to vector<256x256xf32>
    %min3A_520 = arith.minimumf %min3A_518, %min3A_519 : vector<256x256xf32>
    %max3A_521 = vector.broadcast %get3A_495 : vector<256x1xf32> to vector<256x256xf32>
    %max3A_522 = vector.broadcast %get3A_424 : vector<1x256xf32> to vector<256x256xf32>
    %max3A_523 = arith.maximumf %max3A_521, %max3A_522 : vector<256x256xf32>
    %sub3A_524 = arith.subf %min3A_520, %max3A_523 : vector<256x256xf32>
    %jit3A_525 = arith.constant 0.000000e+00 : f32
    %max3A_526 = vector.broadcast %jit3A_525 : f32 to vector<256x256xf32>
    %max3A_527 = arith.maximumf %max3A_526, %sub3A_524 : vector<256x256xf32>
    %mul3A_528 = arith.mulf %max3A_517, %max3A_527 : vector<256x256xf32>
    %add3A_529 = vector.broadcast %mul3A_504 : vector<256x1xf32> to vector<256x256xf32>
    %add3A_530 = vector.broadcast %mul3A_507 : vector<1x256xf32> to vector<256x256xf32>
    %add3A_531 = arith.addf %add3A_529, %add3A_530 : vector<256x256xf32>
    %sub3A_532 = arith.subf %add3A_531, %mul3A_528 : vector<256x256xf32>
    %max3A_533 = arith.constant 9.99999971E-10 : f32
    %max3A_534 = vector.broadcast %max3A_533 : f32 to vector<256x256xf32>
    %max3A_535 = arith.maximumf %sub3A_532, %max3A_534 : vector<256x256xf32>
    %div3A_536 = arith.divf %mul3A_528, %max3A_535 : vector<256x256xf32>
    %gt3A_537 = arith.constant 0.699999988 : f32
    %gt3A_538 = vector.broadcast %gt3A_537 : f32 to vector<256x256xf32>
    %gt3A_539 = arith.cmpf ogt, %div3A_536, %gt3A_538 : vector<256x256xf32>
    %convert_element_type3A_540 = arith.extui %gt3A_539 : vector<256x256xi1> to vector<256x256xi32>
    %convert_element_type3A_541 = arith.sitofp %convert_element_type3A_540 : vector<256x256xi32> to vector<256x256xf32>
    %convert_element_type3A_542 = arith.truncf %convert_element_type3A_541 : vector<256x256xf32> to vector<256x256xbf16>
    %convert_element_type3A_543 = arith.truncf %while3A_223#0 : vector<1x256xf32> to vector<1x256xbf16>
    %dot_general3A_544 = arith.constant dense<0.000000e+00> : vector<1x256xf32>
    %dot_general3A_545 = tpu.matmul %convert_element_type3A_543, %convert_element_type3A_542, %dot_general3A_544 {dimension_numbers = #tpu.dot_dimension_numbers<[1], [0], [0], [1], [0, 0, 1, 1], [], []>, transpose_lhs_hint = false} : vector<1x256xbf16>, vector<256x256xbf16>, vector<1x256xf32> -> vector<1x256xf32>
    %add3A_546 = arith.addf %add3A_489, %dot_general3A_545 : vector<1x256xf32>
    %get3A_547 = arith.constant 512 : index
    %get3A_548 = arith.constant 0 : index
    %get3A_549 = vector.load %arg3[%get3A_547, %get3A_548] : memref<2048x4xf32, #tpu.memory_space<vmem>>, vector<256x1xf32>
    %get3A_550 = arith.constant 512 : index
    %get3A_551 = arith.constant 1 : index
    %get3A_552 = vector.load %arg3[%get3A_550, %get3A_551] : memref<2048x4xf32, #tpu.memory_space<vmem>>, vector<256x1xf32>
    %get3A_553 = arith.constant 512 : index
    %get3A_554 = arith.constant 2 : index
    %get3A_555 = vector.load %arg3[%get3A_553, %get3A_554] : memref<2048x4xf32, #tpu.memory_space<vmem>>, vector<256x1xf32>
    %get3A_556 = arith.constant 512 : index
    %get3A_557 = arith.constant 3 : index
    %get3A_558 = vector.load %arg3[%get3A_556, %get3A_557] : memref<2048x4xf32, #tpu.memory_space<vmem>>, vector<256x1xf32>
    %sub3A_559 = arith.subf %get3A_555, %get3A_549 : vector<256x1xf32>
    %sub3A_560 = arith.subf %get3A_558, %get3A_552 : vector<256x1xf32>
    %mul3A_561 = arith.mulf %sub3A_559, %sub3A_560 : vector<256x1xf32>
    %sub3A_562 = arith.subf %get3A_427, %get3A_421 : vector<1x256xf32>
    %sub3A_563 = arith.subf %get3A_430, %get3A_424 : vector<1x256xf32>
    %mul3A_564 = arith.mulf %sub3A_562, %sub3A_563 : vector<1x256xf32>
    %min3A_565 = vector.broadcast %get3A_555 : vector<256x1xf32> to vector<256x256xf32>
    %min3A_566 = vector.broadcast %get3A_427 : vector<1x256xf32> to vector<256x256xf32>
    %min3A_567 = arith.minimumf %min3A_565, %min3A_566 : vector<256x256xf32>
    %max3A_568 = vector.broadcast %get3A_549 : vector<256x1xf32> to vector<256x256xf32>
    %max3A_569 = vector.broadcast %get3A_421 : vector<1x256xf32> to vector<256x256xf32>
    %max3A_570 = arith.maximumf %max3A_568, %max3A_569 : vector<256x256xf32>
    %sub3A_571 = arith.subf %min3A_567, %max3A_570 : vector<256x256xf32>
    %jit3A_572 = arith.constant 0.000000e+00 : f32
    %max3A_573 = vector.broadcast %jit3A_572 : f32 to vector<256x256xf32>
    %max3A_574 = arith.maximumf %max3A_573, %sub3A_571 : vector<256x256xf32>
    %min3A_575 = vector.broadcast %get3A_558 : vector<256x1xf32> to vector<256x256xf32>
    %min3A_576 = vector.broadcast %get3A_430 : vector<1x256xf32> to vector<256x256xf32>
    %min3A_577 = arith.minimumf %min3A_575, %min3A_576 : vector<256x256xf32>
    %max3A_578 = vector.broadcast %get3A_552 : vector<256x1xf32> to vector<256x256xf32>
    %max3A_579 = vector.broadcast %get3A_424 : vector<1x256xf32> to vector<256x256xf32>
    %max3A_580 = arith.maximumf %max3A_578, %max3A_579 : vector<256x256xf32>
    %sub3A_581 = arith.subf %min3A_577, %max3A_580 : vector<256x256xf32>
    %jit3A_582 = arith.constant 0.000000e+00 : f32
    %max3A_583 = vector.broadcast %jit3A_582 : f32 to vector<256x256xf32>
    %max3A_584 = arith.maximumf %max3A_583, %sub3A_581 : vector<256x256xf32>
    %mul3A_585 = arith.mulf %max3A_574, %max3A_584 : vector<256x256xf32>
    %add3A_586 = vector.broadcast %mul3A_561 : vector<256x1xf32> to vector<256x256xf32>
    %add3A_587 = vector.broadcast %mul3A_564 : vector<1x256xf32> to vector<256x256xf32>
    %add3A_588 = arith.addf %add3A_586, %add3A_587 : vector<256x256xf32>
    %sub3A_589 = arith.subf %add3A_588, %mul3A_585 : vector<256x256xf32>
    %max3A_590 = arith.constant 9.99999971E-10 : f32
    %max3A_591 = vector.broadcast %max3A_590 : f32 to vector<256x256xf32>
    %max3A_592 = arith.maximumf %sub3A_589, %max3A_591 : vector<256x256xf32>
    %div3A_593 = arith.divf %mul3A_585, %max3A_592 : vector<256x256xf32>
    %gt3A_594 = arith.constant 0.699999988 : f32
    %gt3A_595 = vector.broadcast %gt3A_594 : f32 to vector<256x256xf32>
    %gt3A_596 = arith.cmpf ogt, %div3A_593, %gt3A_595 : vector<256x256xf32>
    %convert_element_type3A_597 = arith.extui %gt3A_596 : vector<256x256xi1> to vector<256x256xi32>
    %convert_element_type3A_598 = arith.sitofp %convert_element_type3A_597 : vector<256x256xi32> to vector<256x256xf32>
    %convert_element_type3A_599 = arith.truncf %convert_element_type3A_598 : vector<256x256xf32> to vector<256x256xbf16>
    %convert_element_type3A_600 = arith.truncf %while3A_418#0 : vector<1x256xf32> to vector<1x256xbf16>
    %dot_general3A_601 = arith.constant dense<0.000000e+00> : vector<1x256xf32>
    %dot_general3A_602 = tpu.matmul %convert_element_type3A_600, %convert_element_type3A_599, %dot_general3A_601 {dimension_numbers = #tpu.dot_dimension_numbers<[1], [0], [0], [1], [0, 0, 1, 1], [], []>, transpose_lhs_hint = false} : vector<1x256xbf16>, vector<256x256xbf16>, vector<1x256xf32> -> vector<1x256xf32>
    %add3A_603 = arith.addf %add3A_546, %dot_general3A_602 : vector<1x256xf32>
    %get3A_604 = arith.constant 768 : index
    %get3A_605 = arith.constant 0 : index
    %get3A_606 = vector.load %arg3[%get3A_604, %get3A_605] : memref<2048x4xf32, #tpu.memory_space<vmem>>, vector<256x1xf32>
    %get3A_607 = arith.constant 768 : index
    %get3A_608 = arith.constant 1 : index
    %get3A_609 = vector.load %arg3[%get3A_607, %get3A_608] : memref<2048x4xf32, #tpu.memory_space<vmem>>, vector<256x1xf32>
    %get3A_610 = arith.constant 768 : index
    %get3A_611 = arith.constant 2 : index
    %get3A_612 = vector.load %arg3[%get3A_610, %get3A_611] : memref<2048x4xf32, #tpu.memory_space<vmem>>, vector<256x1xf32>
    %get3A_613 = arith.constant 768 : index
    %get3A_614 = arith.constant 3 : index
    %get3A_615 = vector.load %arg3[%get3A_613, %get3A_614] : memref<2048x4xf32, #tpu.memory_space<vmem>>, vector<256x1xf32>
    %sub3A_616 = arith.subf %get3A_612, %get3A_606 : vector<256x1xf32>
    %sub3A_617 = arith.subf %get3A_615, %get3A_609 : vector<256x1xf32>
    %mul3A_618 = arith.mulf %sub3A_616, %sub3A_617 : vector<256x1xf32>
    %sub3A_619 = arith.subf %get3A_427, %get3A_421 : vector<1x256xf32>
    %sub3A_620 = arith.subf %get3A_430, %get3A_424 : vector<1x256xf32>
    %mul3A_621 = arith.mulf %sub3A_619, %sub3A_620 : vector<1x256xf32>
    %min3A_622 = vector.broadcast %get3A_612 : vector<256x1xf32> to vector<256x256xf32>
    %min3A_623 = vector.broadcast %get3A_427 : vector<1x256xf32> to vector<256x256xf32>
    %min3A_624 = arith.minimumf %min3A_622, %min3A_623 : vector<256x256xf32>
    %max3A_625 = vector.broadcast %get3A_606 : vector<256x1xf32> to vector<256x256xf32>
    %max3A_626 = vector.broadcast %get3A_421 : vector<1x256xf32> to vector<256x256xf32>
    %max3A_627 = arith.maximumf %max3A_625, %max3A_626 : vector<256x256xf32>
    %sub3A_628 = arith.subf %min3A_624, %max3A_627 : vector<256x256xf32>
    %jit3A_629 = arith.constant 0.000000e+00 : f32
    %max3A_630 = vector.broadcast %jit3A_629 : f32 to vector<256x256xf32>
    %max3A_631 = arith.maximumf %max3A_630, %sub3A_628 : vector<256x256xf32>
    %min3A_632 = vector.broadcast %get3A_615 : vector<256x1xf32> to vector<256x256xf32>
    %min3A_633 = vector.broadcast %get3A_430 : vector<1x256xf32> to vector<256x256xf32>
    %min3A_634 = arith.minimumf %min3A_632, %min3A_633 : vector<256x256xf32>
    %max3A_635 = vector.broadcast %get3A_609 : vector<256x1xf32> to vector<256x256xf32>
    %max3A_636 = vector.broadcast %get3A_424 : vector<1x256xf32> to vector<256x256xf32>
    %max3A_637 = arith.maximumf %max3A_635, %max3A_636 : vector<256x256xf32>
    %sub3A_638 = arith.subf %min3A_634, %max3A_637 : vector<256x256xf32>
    %jit3A_639 = arith.constant 0.000000e+00 : f32
    %max3A_640 = vector.broadcast %jit3A_639 : f32 to vector<256x256xf32>
    %max3A_641 = arith.maximumf %max3A_640, %sub3A_638 : vector<256x256xf32>
    %mul3A_642 = arith.mulf %max3A_631, %max3A_641 : vector<256x256xf32>
    %add3A_643 = vector.broadcast %mul3A_618 : vector<256x1xf32> to vector<256x256xf32>
    %add3A_644 = vector.broadcast %mul3A_621 : vector<1x256xf32> to vector<256x256xf32>
    %add3A_645 = arith.addf %add3A_643, %add3A_644 : vector<256x256xf32>
    %sub3A_646 = arith.subf %add3A_645, %mul3A_642 : vector<256x256xf32>
    %max3A_647 = arith.constant 9.99999971E-10 : f32
    %max3A_648 = vector.broadcast %max3A_647 : f32 to vector<256x256xf32>
    %max3A_649 = arith.maximumf %sub3A_646, %max3A_648 : vector<256x256xf32>
    %div3A_650 = arith.divf %mul3A_642, %max3A_649 : vector<256x256xf32>
    %gt3A_651 = arith.constant 0.699999988 : f32
    %gt3A_652 = vector.broadcast %gt3A_651 : f32 to vector<256x256xf32>
    %gt3A_653 = arith.cmpf ogt, %div3A_650, %gt3A_652 : vector<256x256xf32>
    %gt3A_654 = arith.constant 5.000000e-01 : f32
    %gt3A_655 = vector.broadcast %gt3A_654 : f32 to vector<256x256xf32>
    %gt3A_656 = arith.cmpf ogt, %convert_element_type3A_15, %gt3A_655 : vector<256x256xf32>
    %and3A_657 = arith.andi %gt3A_653, %gt3A_656 : vector<256x256xi1>
    %convert_element_type3A_658 = arith.extui %and3A_657 : vector<256x256xi1> to vector<256x256xi32>
    %convert_element_type3A_659 = arith.sitofp %convert_element_type3A_658 : vector<256x256xi32> to vector<256x256xf32>
    %convert_element_type3A_660 = arith.truncf %convert_element_type3A_659 : vector<256x256xf32> to vector<256x256xbf16>
    %swap3A_661 = arith.constant 0 : index
    %swap3A_662 = arith.constant 0 : index
    %swap3A_663 = vector.load %arg5[%swap3A_661, %swap3A_662] : memref<256x256xbf16, #tpu.memory_space<vmem>>, vector<256x256xbf16>
    tpu.vector_store %arg5[%swap3A_661, %swap3A_662], %convert_element_type3A_660 {strides = array<i32>} : memref<256x256xbf16, #tpu.memory_space<vmem>>, vector<256x256xbf16>,
    %lt3A_664 = arith.constant 5.000000e-01 : f32
    %lt3A_665 = vector.broadcast %lt3A_664 : f32 to vector<1x256xf32>
    %lt3A_666 = arith.cmpf olt, %add3A_603, %lt3A_665 : vector<1x256xf32>
    %convert_element_type3A_667 = arith.extui %lt3A_666 : vector<1x256xi1> to vector<1x256xi32>
    %convert_element_type3A_668 = arith.sitofp %convert_element_type3A_667 : vector<1x256xi32> to vector<1x256xf32>
    %while3A_669 = arith.constant true
    %while3A_670:2 = scf.while (%while3A_2535 = %convert_element_type3A_668, %while3A_2536 = %while3A_669) : (vector<1x256xf32>, i1) -> (vector<1x256xf32>, i1) {
      scf.condition(%while3A_2536) %while3A_2535, %while3A_2536 : vector<1x256xf32>, i1
    } do {
    ^bb0(%while3A_2535: vector<1x256xf32>, %while3A_2536: i1):
      %convert_element_type3A_2537 = arith.truncf %while3A_2535 : vector<1x256xf32> to vector<1x256xbf16>
      %get3A_2538 = arith.constant 0 : index
      %get3A_2539 = arith.constant 0 : index
      %get3A_2540 = vector.load %arg5[%get3A_2538, %get3A_2539] : memref<256x256xbf16, #tpu.memory_space<vmem>>, vector<256x256xbf16>
      %dot_general3A_2541 = arith.constant dense<0.000000e+00> : vector<1x256xf32>
      %dot_general3A_2542 = tpu.matmul %convert_element_type3A_2537, %get3A_2540, %dot_general3A_2541 {dimension_numbers = #tpu.dot_dimension_numbers<[1], [0], [0], [1], [0, 0, 1, 1], [], []>, transpose_lhs_hint = false} : vector<1x256xbf16>, vector<256x256xbf16>, vector<1x256xf32> -> vector<1x256xf32>
      %add3A_2543 = arith.addf %add3A_603, %dot_general3A_2542 : vector<1x256xf32>
      %lt3A_2544 = arith.constant 5.000000e-01 : f32
      %lt3A_2545 = vector.broadcast %lt3A_2544 : f32 to vector<1x256xf32>
      %lt3A_2546 = arith.cmpf olt, %add3A_2543, %lt3A_2545 : vector<1x256xf32>
      %convert_element_type3A_2547 = arith.extui %lt3A_2546 : vector<1x256xi1> to vector<1x256xi32>
      %convert_element_type3A_2548 = arith.sitofp %convert_element_type3A_2547 : vector<1x256xi32> to vector<1x256xf32>
      %ne3A = arith.cmpf one, %convert_element_type3A_2548, %while3A_2535 : vector<1x256xf32>
      %reduce_or3A = arith.constant 1.000000e+00 : f32
      %reduce_or3A_2549 = arith.constant 0.000000e+00 : f32
      %reduce_or3A_2550 = vector.broadcast %reduce_or3A : f32 to vector<1x256xf32>
      %reduce_or3A_2551 = vector.broadcast %reduce_or3A_2549 : f32 to vector<1x256xf32>
      %reduce_or3A_2552 = arith.select %ne3A, %reduce_or3A_2550, %reduce_or3A_2551 : vector<1x256xi1>, vector<1x256xf32>
      %reduce_or3A_2553 = vector.shape_cast %reduce_or3A_2552 : vector<1x256xf32> to vector<1x1x256xf32>
      %reduce_or3A_2554 = arith.constant dense<0xFF800000> : vector<1xf32>
      %reduce_or3A_2555 = vector.multi_reduction <maximumf>, %reduce_or3A_2553, %reduce_or3A_2554 [1, 2] : vector<1x1x256xf32> to vector<1xf32>
      %reduce_or3A_2556 = vector.shape_cast %reduce_or3A_2555 : vector<1xf32> to vector<1x1x1xf32>
      %reduce_or3A_2557 = vector.extract %reduce_or3A_2556[0, 0, 0] : f32 from vector<1x1x1xf32>
      %reduce_or3A_2558 = arith.constant 0.000000e+00 : f32
      %reduce_or3A_2559 = arith.cmpf ogt, %reduce_or3A_2557, %reduce_or3A_2558 : f32
      scf.yield %convert_element_type3A_2548, %reduce_or3A_2559 : vector<1x256xf32>, i1
    }
    %get3A_671 = arith.constant 0 : index
    %get3A_672 = arith.constant 1024 : index
    %get3A_673 = vector.load %arg4[%get3A_671, %get3A_672] : memref<4x2048xf32, #tpu.memory_space<vmem>>, vector<1x256xf32>
    %get3A_674 = arith.constant 1 : index
    %get3A_675 = arith.constant 1024 : index
    %get3A_676 = vector.load %arg4[%get3A_674, %get3A_675] : memref<4x2048xf32, #tpu.memory_space<vmem>>, vector<1x256xf32>
    %get3A_677 = arith.constant 2 : index
    %get3A_678 = arith.constant 1024 : index
    %get3A_679 = vector.load %arg4[%get3A_677, %get3A_678] : memref<4x2048xf32, #tpu.memory_space<vmem>>, vector<1x256xf32>
    %get3A_680 = arith.constant 3 : index
    %get3A_681 = arith.constant 1024 : index
    %get3A_682 = vector.load %arg4[%get3A_680, %get3A_681] : memref<4x2048xf32, #tpu.memory_space<vmem>>, vector<1x256xf32>
    %broadcast_in_dim3A_683 = arith.constant 0.000000e+00 : f32
    %broadcast_in_dim3A_684 = vector.broadcast %broadcast_in_dim3A_683 : f32 to vector<1x256xf32>
    %get3A_685 = arith.constant 0 : index
    %get3A_686 = arith.constant 0 : index
    %get3A_687 = vector.load %arg3[%get3A_685, %get3A_686] : memref<2048x4xf32, #tpu.memory_space<vmem>>, vector<256x1xf32>
    %get3A_688 = arith.constant 0 : index
    %get3A_689 = arith.constant 1 : index
    %get3A_690 = vector.load %arg3[%get3A_688, %get3A_689] : memref<2048x4xf32, #tpu.memory_space<vmem>>, vector<256x1xf32>
    %get3A_691 = arith.constant 0 : index
    %get3A_692 = arith.constant 2 : index
    %get3A_693 = vector.load %arg3[%get3A_691, %get3A_692] : memref<2048x4xf32, #tpu.memory_space<vmem>>, vector<256x1xf32>
    %get3A_694 = arith.constant 0 : index
    %get3A_695 = arith.constant 3 : index
    %get3A_696 = vector.load %arg3[%get3A_694, %get3A_695] : memref<2048x4xf32, #tpu.memory_space<vmem>>, vector<256x1xf32>
    %sub3A_697 = arith.subf %get3A_693, %get3A_687 : vector<256x1xf32>
    %sub3A_698 = arith.subf %get3A_696, %get3A_690 : vector<256x1xf32>
    %mul3A_699 = arith.mulf %sub3A_697, %sub3A_698 : vector<256x1xf32>
    %sub3A_700 = arith.subf %get3A_679, %get3A_673 : vector<1x256xf32>
    %sub3A_701 = arith.subf %get3A_682, %get3A_676 : vector<1x256xf32>
    %mul3A_702 = arith.mulf %sub3A_700, %sub3A_701 : vector<1x256xf32>
    %min3A_703 = vector.broadcast %get3A_693 : vector<256x1xf32> to vector<256x256xf32>
    %min3A_704 = vector.broadcast %get3A_679 : vector<1x256xf32> to vector<256x256xf32>
    %min3A_705 = arith.minimumf %min3A_703, %min3A_704 : vector<256x256xf32>
    %max3A_706 = vector.broadcast %get3A_687 : vector<256x1xf32> to vector<256x256xf32>
    %max3A_707 = vector.broadcast %get3A_673 : vector<1x256xf32> to vector<256x256xf32>
    %max3A_708 = arith.maximumf %max3A_706, %max3A_707 : vector<256x256xf32>
    %sub3A_709 = arith.subf %min3A_705, %max3A_708 : vector<256x256xf32>
    %jit3A_710 = arith.constant 0.000000e+00 : f32
    %max3A_711 = vector.broadcast %jit3A_710 : f32 to vector<256x256xf32>
    %max3A_712 = arith.maximumf %max3A_711, %sub3A_709 : vector<256x256xf32>
    %min3A_713 = vector.broadcast %get3A_696 : vector<256x1xf32> to vector<256x256xf32>
    %min3A_714 = vector.broadcast %get3A_682 : vector<1x256xf32> to vector<256x256xf32>
    %min3A_715 = arith.minimumf %min3A_713, %min3A_714 : vector<256x256xf32>
    %max3A_716 = vector.broadcast %get3A_690 : vector<256x1xf32> to vector<256x256xf32>
    %max3A_717 = vector.broadcast %get3A_676 : vector<1x256xf32> to vector<256x256xf32>
    %max3A_718 = arith.maximumf %max3A_716, %max3A_717 : vector<256x256xf32>
    %sub3A_719 = arith.subf %min3A_715, %max3A_718 : vector<256x256xf32>
    %jit3A_720 = arith.constant 0.000000e+00 : f32
    %max3A_721 = vector.broadcast %jit3A_720 : f32 to vector<256x256xf32>
    %max3A_722 = arith.maximumf %max3A_721, %sub3A_719 : vector<256x256xf32>
    %mul3A_723 = arith.mulf %max3A_712, %max3A_722 : vector<256x256xf32>
    %add3A_724 = vector.broadcast %mul3A_699 : vector<256x1xf32> to vector<256x256xf32>
    %add3A_725 = vector.broadcast %mul3A_702 : vector<1x256xf32> to vector<256x256xf32>
    %add3A_726 = arith.addf %add3A_724, %add3A_725 : vector<256x256xf32>
    %sub3A_727 = arith.subf %add3A_726, %mul3A_723 : vector<256x256xf32>
    %max3A_728 = arith.constant 9.99999971E-10 : f32
    %max3A_729 = vector.broadcast %max3A_728 : f32 to vector<256x256xf32>
    %max3A_730 = arith.maximumf %sub3A_727, %max3A_729 : vector<256x256xf32>
    %div3A_731 = arith.divf %mul3A_723, %max3A_730 : vector<256x256xf32>
    %gt3A_732 = arith.constant 0.699999988 : f32
    %gt3A_733 = vector.broadcast %gt3A_732 : f32 to vector<256x256xf32>
    %gt3A_734 = arith.cmpf ogt, %div3A_731, %gt3A_733 : vector<256x256xf32>
    %convert_element_type3A_735 = arith.extui %gt3A_734 : vector<256x256xi1> to vector<256x256xi32>
    %convert_element_type3A_736 = arith.sitofp %convert_element_type3A_735 : vector<256x256xi32> to vector<256x256xf32>
    %convert_element_type3A_737 = arith.truncf %convert_element_type3A_736 : vector<256x256xf32> to vector<256x256xbf16>
    %convert_element_type3A_738 = arith.truncf %while3A_86#0 : vector<1x256xf32> to vector<1x256xbf16>
    %dot_general3A_739 = arith.constant dense<0.000000e+00> : vector<1x256xf32>
    %dot_general3A_740 = tpu.matmul %convert_element_type3A_738, %convert_element_type3A_737, %dot_general3A_739 {dimension_numbers = #tpu.dot_dimension_numbers<[1], [0], [0], [1], [0, 0, 1, 1], [], []>, transpose_lhs_hint = false} : vector<1x256xbf16>, vector<256x256xbf16>, vector<1x256xf32> -> vector<1x256xf32>
    %add3A_741 = arith.addf %broadcast_in_dim3A_684, %dot_general3A_740 : vector<1x256xf32>
    %get3A_742 = arith.constant 256 : index
    %get3A_743 = arith.constant 0 : index
    %get3A_744 = vector.load %arg3[%get3A_742, %get3A_743] : memref<2048x4xf32, #tpu.memory_space<vmem>>, vector<256x1xf32>
    %get3A_745 = arith.constant 256 : index
    %get3A_746 = arith.constant 1 : index
    %get3A_747 = vector.load %arg3[%get3A_745, %get3A_746] : memref<2048x4xf32, #tpu.memory_space<vmem>>, vector<256x1xf32>
    %get3A_748 = arith.constant 256 : index
    %get3A_749 = arith.constant 2 : index
    %get3A_750 = vector.load %arg3[%get3A_748, %get3A_749] : memref<2048x4xf32, #tpu.memory_space<vmem>>, vector<256x1xf32>
    %get3A_751 = arith.constant 256 : index
    %get3A_752 = arith.constant 3 : index
    %get3A_753 = vector.load %arg3[%get3A_751, %get3A_752] : memref<2048x4xf32, #tpu.memory_space<vmem>>, vector<256x1xf32>
    %sub3A_754 = arith.subf %get3A_750, %get3A_744 : vector<256x1xf32>
    %sub3A_755 = arith.subf %get3A_753, %get3A_747 : vector<256x1xf32>
    %mul3A_756 = arith.mulf %sub3A_754, %sub3A_755 : vector<256x1xf32>
    %sub3A_757 = arith.subf %get3A_679, %get3A_673 : vector<1x256xf32>
    %sub3A_758 = arith.subf %get3A_682, %get3A_676 : vector<1x256xf32>
    %mul3A_759 = arith.mulf %sub3A_757, %sub3A_758 : vector<1x256xf32>
    %min3A_760 = vector.broadcast %get3A_750 : vector<256x1xf32> to vector<256x256xf32>
    %min3A_761 = vector.broadcast %get3A_679 : vector<1x256xf32> to vector<256x256xf32>
    %min3A_762 = arith.minimumf %min3A_760, %min3A_761 : vector<256x256xf32>
    %max3A_763 = vector.broadcast %get3A_744 : vector<256x1xf32> to vector<256x256xf32>
    %max3A_764 = vector.broadcast %get3A_673 : vector<1x256xf32> to vector<256x256xf32>
    %max3A_765 = arith.maximumf %max3A_763, %max3A_764 : vector<256x256xf32>
    %sub3A_766 = arith.subf %min3A_762, %max3A_765 : vector<256x256xf32>
    %jit3A_767 = arith.constant 0.000000e+00 : f32
    %max3A_768 = vector.broadcast %jit3A_767 : f32 to vector<256x256xf32>
    %max3A_769 = arith.maximumf %max3A_768, %sub3A_766 : vector<256x256xf32>
    %min3A_770 = vector.broadcast %get3A_753 : vector<256x1xf32> to vector<256x256xf32>
    %min3A_771 = vector.broadcast %get3A_682 : vector<1x256xf32> to vector<256x256xf32>
    %min3A_772 = arith.minimumf %min3A_770, %min3A_771 : vector<256x256xf32>
    %max3A_773 = vector.broadcast %get3A_747 : vector<256x1xf32> to vector<256x256xf32>
    %max3A_774 = vector.broadcast %get3A_676 : vector<1x256xf32> to vector<256x256xf32>
    %max3A_775 = arith.maximumf %max3A_773, %max3A_774 : vector<256x256xf32>
    %sub3A_776 = arith.subf %min3A_772, %max3A_775 : vector<256x256xf32>
    %jit3A_777 = arith.constant 0.000000e+00 : f32
    %max3A_778 = vector.broadcast %jit3A_777 : f32 to vector<256x256xf32>
    %max3A_779 = arith.maximumf %max3A_778, %sub3A_776 : vector<256x256xf32>
    %mul3A_780 = arith.mulf %max3A_769, %max3A_779 : vector<256x256xf32>
    %add3A_781 = vector.broadcast %mul3A_756 : vector<256x1xf32> to vector<256x256xf32>
    %add3A_782 = vector.broadcast %mul3A_759 : vector<1x256xf32> to vector<256x256xf32>
    %add3A_783 = arith.addf %add3A_781, %add3A_782 : vector<256x256xf32>
    %sub3A_784 = arith.subf %add3A_783, %mul3A_780 : vector<256x256xf32>
    %max3A_785 = arith.constant 9.99999971E-10 : f32
    %max3A_786 = vector.broadcast %max3A_785 : f32 to vector<256x256xf32>
    %max3A_787 = arith.maximumf %sub3A_784, %max3A_786 : vector<256x256xf32>
    %div3A_788 = arith.divf %mul3A_780, %max3A_787 : vector<256x256xf32>
    %gt3A_789 = arith.constant 0.699999988 : f32
    %gt3A_790 = vector.broadcast %gt3A_789 : f32 to vector<256x256xf32>
    %gt3A_791 = arith.cmpf ogt, %div3A_788, %gt3A_790 : vector<256x256xf32>
    %convert_element_type3A_792 = arith.extui %gt3A_791 : vector<256x256xi1> to vector<256x256xi32>
    %convert_element_type3A_793 = arith.sitofp %convert_element_type3A_792 : vector<256x256xi32> to vector<256x256xf32>
    %convert_element_type3A_794 = arith.truncf %convert_element_type3A_793 : vector<256x256xf32> to vector<256x256xbf16>
    %convert_element_type3A_795 = arith.truncf %while3A_223#0 : vector<1x256xf32> to vector<1x256xbf16>
    %dot_general3A_796 = arith.constant dense<0.000000e+00> : vector<1x256xf32>
    %dot_general3A_797 = tpu.matmul %convert_element_type3A_795, %convert_element_type3A_794, %dot_general3A_796 {dimension_numbers = #tpu.dot_dimension_numbers<[1], [0], [0], [1], [0, 0, 1, 1], [], []>, transpose_lhs_hint = false} : vector<1x256xbf16>, vector<256x256xbf16>, vector<1x256xf32> -> vector<1x256xf32>
    %add3A_798 = arith.addf %add3A_741, %dot_general3A_797 : vector<1x256xf32>
    %get3A_799 = arith.constant 512 : index
    %get3A_800 = arith.constant 0 : index
    %get3A_801 = vector.load %arg3[%get3A_799, %get3A_800] : memref<2048x4xf32, #tpu.memory_space<vmem>>, vector<256x1xf32>
    %get3A_802 = arith.constant 512 : index
    %get3A_803 = arith.constant 1 : index
    %get3A_804 = vector.load %arg3[%get3A_802, %get3A_803] : memref<2048x4xf32, #tpu.memory_space<vmem>>, vector<256x1xf32>
    %get3A_805 = arith.constant 512 : index
    %get3A_806 = arith.constant 2 : index
    %get3A_807 = vector.load %arg3[%get3A_805, %get3A_806] : memref<2048x4xf32, #tpu.memory_space<vmem>>, vector<256x1xf32>
    %get3A_808 = arith.constant 512 : index
    %get3A_809 = arith.constant 3 : index
    %get3A_810 = vector.load %arg3[%get3A_808, %get3A_809] : memref<2048x4xf32, #tpu.memory_space<vmem>>, vector<256x1xf32>
    %sub3A_811 = arith.subf %get3A_807, %get3A_801 : vector<256x1xf32>
    %sub3A_812 = arith.subf %get3A_810, %get3A_804 : vector<256x1xf32>
    %mul3A_813 = arith.mulf %sub3A_811, %sub3A_812 : vector<256x1xf32>
    %sub3A_814 = arith.subf %get3A_679, %get3A_673 : vector<1x256xf32>
    %sub3A_815 = arith.subf %get3A_682, %get3A_676 : vector<1x256xf32>
    %mul3A_816 = arith.mulf %sub3A_814, %sub3A_815 : vector<1x256xf32>
    %min3A_817 = vector.broadcast %get3A_807 : vector<256x1xf32> to vector<256x256xf32>
    %min3A_818 = vector.broadcast %get3A_679 : vector<1x256xf32> to vector<256x256xf32>
    %min3A_819 = arith.minimumf %min3A_817, %min3A_818 : vector<256x256xf32>
    %max3A_820 = vector.broadcast %get3A_801 : vector<256x1xf32> to vector<256x256xf32>
    %max3A_821 = vector.broadcast %get3A_673 : vector<1x256xf32> to vector<256x256xf32>
    %max3A_822 = arith.maximumf %max3A_820, %max3A_821 : vector<256x256xf32>
    %sub3A_823 = arith.subf %min3A_819, %max3A_822 : vector<256x256xf32>
    %jit3A_824 = arith.constant 0.000000e+00 : f32
    %max3A_825 = vector.broadcast %jit3A_824 : f32 to vector<256x256xf32>
    %max3A_826 = arith.maximumf %max3A_825, %sub3A_823 : vector<256x256xf32>
    %min3A_827 = vector.broadcast %get3A_810 : vector<256x1xf32> to vector<256x256xf32>
    %min3A_828 = vector.broadcast %get3A_682 : vector<1x256xf32> to vector<256x256xf32>
    %min3A_829 = arith.minimumf %min3A_827, %min3A_828 : vector<256x256xf32>
    %max3A_830 = vector.broadcast %get3A_804 : vector<256x1xf32> to vector<256x256xf32>
    %max3A_831 = vector.broadcast %get3A_676 : vector<1x256xf32> to vector<256x256xf32>
    %max3A_832 = arith.maximumf %max3A_830, %max3A_831 : vector<256x256xf32>
    %sub3A_833 = arith.subf %min3A_829, %max3A_832 : vector<256x256xf32>
    %jit3A_834 = arith.constant 0.000000e+00 : f32
    %max3A_835 = vector.broadcast %jit3A_834 : f32 to vector<256x256xf32>
    %max3A_836 = arith.maximumf %max3A_835, %sub3A_833 : vector<256x256xf32>
    %mul3A_837 = arith.mulf %max3A_826, %max3A_836 : vector<256x256xf32>
    %add3A_838 = vector.broadcast %mul3A_813 : vector<256x1xf32> to vector<256x256xf32>
    %add3A_839 = vector.broadcast %mul3A_816 : vector<1x256xf32> to vector<256x256xf32>
    %add3A_840 = arith.addf %add3A_838, %add3A_839 : vector<256x256xf32>
    %sub3A_841 = arith.subf %add3A_840, %mul3A_837 : vector<256x256xf32>
    %max3A_842 = arith.constant 9.99999971E-10 : f32
    %max3A_843 = vector.broadcast %max3A_842 : f32 to vector<256x256xf32>
    %max3A_844 = arith.maximumf %sub3A_841, %max3A_843 : vector<256x256xf32>
    %div3A_845 = arith.divf %mul3A_837, %max3A_844 : vector<256x256xf32>
    %gt3A_846 = arith.constant 0.699999988 : f32
    %gt3A_847 = vector.broadcast %gt3A_846 : f32 to vector<256x256xf32>
    %gt3A_848 = arith.cmpf ogt, %div3A_845, %gt3A_847 : vector<256x256xf32>
    %convert_element_type3A_849 = arith.extui %gt3A_848 : vector<256x256xi1> to vector<256x256xi32>
    %convert_element_type3A_850 = arith.sitofp %convert_element_type3A_849 : vector<256x256xi32> to vector<256x256xf32>
    %convert_element_type3A_851 = arith.truncf %convert_element_type3A_850 : vector<256x256xf32> to vector<256x256xbf16>
    %convert_element_type3A_852 = arith.truncf %while3A_418#0 : vector<1x256xf32> to vector<1x256xbf16>
    %dot_general3A_853 = arith.constant dense<0.000000e+00> : vector<1x256xf32>
    %dot_general3A_854 = tpu.matmul %convert_element_type3A_852, %convert_element_type3A_851, %dot_general3A_853 {dimension_numbers = #tpu.dot_dimension_numbers<[1], [0], [0], [1], [0, 0, 1, 1], [], []>, transpose_lhs_hint = false} : vector<1x256xbf16>, vector<256x256xbf16>, vector<1x256xf32> -> vector<1x256xf32>
    %add3A_855 = arith.addf %add3A_798, %dot_general3A_854 : vector<1x256xf32>
    %get3A_856 = arith.constant 768 : index
    %get3A_857 = arith.constant 0 : index
    %get3A_858 = vector.load %arg3[%get3A_856, %get3A_857] : memref<2048x4xf32, #tpu.memory_space<vmem>>, vector<256x1xf32>
    %get3A_859 = arith.constant 768 : index
    %get3A_860 = arith.constant 1 : index
    %get3A_861 = vector.load %arg3[%get3A_859, %get3A_860] : memref<2048x4xf32, #tpu.memory_space<vmem>>, vector<256x1xf32>
    %get3A_862 = arith.constant 768 : index
    %get3A_863 = arith.constant 2 : index
    %get3A_864 = vector.load %arg3[%get3A_862, %get3A_863] : memref<2048x4xf32, #tpu.memory_space<vmem>>, vector<256x1xf32>
    %get3A_865 = arith.constant 768 : index
    %get3A_866 = arith.constant 3 : index
    %get3A_867 = vector.load %arg3[%get3A_865, %get3A_866] : memref<2048x4xf32, #tpu.memory_space<vmem>>, vector<256x1xf32>
    %sub3A_868 = arith.subf %get3A_864, %get3A_858 : vector<256x1xf32>
    %sub3A_869 = arith.subf %get3A_867, %get3A_861 : vector<256x1xf32>
    %mul3A_870 = arith.mulf %sub3A_868, %sub3A_869 : vector<256x1xf32>
    %sub3A_871 = arith.subf %get3A_679, %get3A_673 : vector<1x256xf32>
    %sub3A_872 = arith.subf %get3A_682, %get3A_676 : vector<1x256xf32>
    %mul3A_873 = arith.mulf %sub3A_871, %sub3A_872 : vector<1x256xf32>
    %min3A_874 = vector.broadcast %get3A_864 : vector<256x1xf32> to vector<256x256xf32>
    %min3A_875 = vector.broadcast %get3A_679 : vector<1x256xf32> to vector<256x256xf32>
    %min3A_876 = arith.minimumf %min3A_874, %min3A_875 : vector<256x256xf32>
    %max3A_877 = vector.broadcast %get3A_858 : vector<256x1xf32> to vector<256x256xf32>
    %max3A_878 = vector.broadcast %get3A_673 : vector<1x256xf32> to vector<256x256xf32>
    %max3A_879 = arith.maximumf %max3A_877, %max3A_878 : vector<256x256xf32>
    %sub3A_880 = arith.subf %min3A_876, %max3A_879 : vector<256x256xf32>
    %jit3A_881 = arith.constant 0.000000e+00 : f32
    %max3A_882 = vector.broadcast %jit3A_881 : f32 to vector<256x256xf32>
    %max3A_883 = arith.maximumf %max3A_882, %sub3A_880 : vector<256x256xf32>
    %min3A_884 = vector.broadcast %get3A_867 : vector<256x1xf32> to vector<256x256xf32>
    %min3A_885 = vector.broadcast %get3A_682 : vector<1x256xf32> to vector<256x256xf32>
    %min3A_886 = arith.minimumf %min3A_884, %min3A_885 : vector<256x256xf32>
    %max3A_887 = vector.broadcast %get3A_861 : vector<256x1xf32> to vector<256x256xf32>
    %max3A_888 = vector.broadcast %get3A_676 : vector<1x256xf32> to vector<256x256xf32>
    %max3A_889 = arith.maximumf %max3A_887, %max3A_888 : vector<256x256xf32>
    %sub3A_890 = arith.subf %min3A_886, %max3A_889 : vector<256x256xf32>
    %jit3A_891 = arith.constant 0.000000e+00 : f32
    %max3A_892 = vector.broadcast %jit3A_891 : f32 to vector<256x256xf32>
    %max3A_893 = arith.maximumf %max3A_892, %sub3A_890 : vector<256x256xf32>
    %mul3A_894 = arith.mulf %max3A_883, %max3A_893 : vector<256x256xf32>
    %add3A_895 = vector.broadcast %mul3A_870 : vector<256x1xf32> to vector<256x256xf32>
    %add3A_896 = vector.broadcast %mul3A_873 : vector<1x256xf32> to vector<256x256xf32>
    %add3A_897 = arith.addf %add3A_895, %add3A_896 : vector<256x256xf32>
    %sub3A_898 = arith.subf %add3A_897, %mul3A_894 : vector<256x256xf32>
    %max3A_899 = arith.constant 9.99999971E-10 : f32
    %max3A_900 = vector.broadcast %max3A_899 : f32 to vector<256x256xf32>
    %max3A_901 = arith.maximumf %sub3A_898, %max3A_900 : vector<256x256xf32>
    %div3A_902 = arith.divf %mul3A_894, %max3A_901 : vector<256x256xf32>
    %gt3A_903 = arith.constant 0.699999988 : f32
    %gt3A_904 = vector.broadcast %gt3A_903 : f32 to vector<256x256xf32>
    %gt3A_905 = arith.cmpf ogt, %div3A_902, %gt3A_904 : vector<256x256xf32>
    %convert_element_type3A_906 = arith.extui %gt3A_905 : vector<256x256xi1> to vector<256x256xi32>
    %convert_element_type3A_907 = arith.sitofp %convert_element_type3A_906 : vector<256x256xi32> to vector<256x256xf32>
    %convert_element_type3A_908 = arith.truncf %convert_element_type3A_907 : vector<256x256xf32> to vector<256x256xbf16>
    %convert_element_type3A_909 = arith.truncf %while3A_670#0 : vector<1x256xf32> to vector<1x256xbf16>
    %dot_general3A_910 = arith.constant dense<0.000000e+00> : vector<1x256xf32>
    %dot_general3A_911 = tpu.matmul %convert_element_type3A_909, %convert_element_type3A_908, %dot_general3A_910 {dimension_numbers = #tpu.dot_dimension_numbers<[1], [0], [0], [1], [0, 0, 1, 1], [], []>, transpose_lhs_hint = false} : vector<1x256xbf16>, vector<256x256xbf16>, vector<1x256xf32> -> vector<1x256xf32>
    %add3A_912 = arith.addf %add3A_855, %dot_general3A_911 : vector<1x256xf32>
    %get3A_913 = arith.constant 1024 : index
    %get3A_914 = arith.constant 0 : index
    %get3A_915 = vector.load %arg3[%get3A_913, %get3A_914] : memref<2048x4xf32, #tpu.memory_space<vmem>>, vector<256x1xf32>
    %get3A_916 = arith.constant 1024 : index
    %get3A_917 = arith.constant 1 : index
    %get3A_918 = vector.load %arg3[%get3A_916, %get3A_917] : memref<2048x4xf32, #tpu.memory_space<vmem>>, vector<256x1xf32>
    %get3A_919 = arith.constant 1024 : index
    %get3A_920 = arith.constant 2 : index
    %get3A_921 = vector.load %arg3[%get3A_919, %get3A_920] : memref<2048x4xf32, #tpu.memory_space<vmem>>, vector<256x1xf32>
    %get3A_922 = arith.constant 1024 : index
    %get3A_923 = arith.constant 3 : index
    %get3A_924 = vector.load %arg3[%get3A_922, %get3A_923] : memref<2048x4xf32, #tpu.memory_space<vmem>>, vector<256x1xf32>
    %sub3A_925 = arith.subf %get3A_921, %get3A_915 : vector<256x1xf32>
    %sub3A_926 = arith.subf %get3A_924, %get3A_918 : vector<256x1xf32>
    %mul3A_927 = arith.mulf %sub3A_925, %sub3A_926 : vector<256x1xf32>
    %sub3A_928 = arith.subf %get3A_679, %get3A_673 : vector<1x256xf32>
    %sub3A_929 = arith.subf %get3A_682, %get3A_676 : vector<1x256xf32>
    %mul3A_930 = arith.mulf %sub3A_928, %sub3A_929 : vector<1x256xf32>
    %min3A_931 = vector.broadcast %get3A_921 : vector<256x1xf32> to vector<256x256xf32>
    %min3A_932 = vector.broadcast %get3A_679 : vector<1x256xf32> to vector<256x256xf32>
    %min3A_933 = arith.minimumf %min3A_931, %min3A_932 : vector<256x256xf32>
    %max3A_934 = vector.broadcast %get3A_915 : vector<256x1xf32> to vector<256x256xf32>
    %max3A_935 = vector.broadcast %get3A_673 : vector<1x256xf32> to vector<256x256xf32>
    %max3A_936 = arith.maximumf %max3A_934, %max3A_935 : vector<256x256xf32>
    %sub3A_937 = arith.subf %min3A_933, %max3A_936 : vector<256x256xf32>
    %jit3A_938 = arith.constant 0.000000e+00 : f32
    %max3A_939 = vector.broadcast %jit3A_938 : f32 to vector<256x256xf32>
    %max3A_940 = arith.maximumf %max3A_939, %sub3A_937 : vector<256x256xf32>
    %min3A_941 = vector.broadcast %get3A_924 : vector<256x1xf32> to vector<256x256xf32>
    %min3A_942 = vector.broadcast %get3A_682 : vector<1x256xf32> to vector<256x256xf32>
    %min3A_943 = arith.minimumf %min3A_941, %min3A_942 : vector<256x256xf32>
    %max3A_944 = vector.broadcast %get3A_918 : vector<256x1xf32> to vector<256x256xf32>
    %max3A_945 = vector.broadcast %get3A_676 : vector<1x256xf32> to vector<256x256xf32>
    %max3A_946 = arith.maximumf %max3A_944, %max3A_945 : vector<256x256xf32>
    %sub3A_947 = arith.subf %min3A_943, %max3A_946 : vector<256x256xf32>
    %jit3A_948 = arith.constant 0.000000e+00 : f32
    %max3A_949 = vector.broadcast %jit3A_948 : f32 to vector<256x256xf32>
    %max3A_950 = arith.maximumf %max3A_949, %sub3A_947 : vector<256x256xf32>
    %mul3A_951 = arith.mulf %max3A_940, %max3A_950 : vector<256x256xf32>
    %add3A_952 = vector.broadcast %mul3A_927 : vector<256x1xf32> to vector<256x256xf32>
    %add3A_953 = vector.broadcast %mul3A_930 : vector<1x256xf32> to vector<256x256xf32>
    %add3A_954 = arith.addf %add3A_952, %add3A_953 : vector<256x256xf32>
    %sub3A_955 = arith.subf %add3A_954, %mul3A_951 : vector<256x256xf32>
    %max3A_956 = arith.constant 9.99999971E-10 : f32
    %max3A_957 = vector.broadcast %max3A_956 : f32 to vector<256x256xf32>
    %max3A_958 = arith.maximumf %sub3A_955, %max3A_957 : vector<256x256xf32>
    %div3A_959 = arith.divf %mul3A_951, %max3A_958 : vector<256x256xf32>
    %gt3A_960 = arith.constant 0.699999988 : f32
    %gt3A_961 = vector.broadcast %gt3A_960 : f32 to vector<256x256xf32>
    %gt3A_962 = arith.cmpf ogt, %div3A_959, %gt3A_961 : vector<256x256xf32>
    %gt3A_963 = arith.constant 5.000000e-01 : f32
    %gt3A_964 = vector.broadcast %gt3A_963 : f32 to vector<256x256xf32>
    %gt3A_965 = arith.cmpf ogt, %convert_element_type3A_15, %gt3A_964 : vector<256x256xf32>
    %and3A_966 = arith.andi %gt3A_962, %gt3A_965 : vector<256x256xi1>
    %convert_element_type3A_967 = arith.extui %and3A_966 : vector<256x256xi1> to vector<256x256xi32>
    %convert_element_type3A_968 = arith.sitofp %convert_element_type3A_967 : vector<256x256xi32> to vector<256x256xf32>
    %convert_element_type3A_969 = arith.truncf %convert_element_type3A_968 : vector<256x256xf32> to vector<256x256xbf16>
    %swap3A_970 = arith.constant 0 : index
    %swap3A_971 = arith.constant 0 : index
    %swap3A_972 = vector.load %arg5[%swap3A_970, %swap3A_971] : memref<256x256xbf16, #tpu.memory_space<vmem>>, vector<256x256xbf16>
    tpu.vector_store %arg5[%swap3A_970, %swap3A_971], %convert_element_type3A_969 {strides = array<i32>} : memref<256x256xbf16, #tpu.memory_space<vmem>>, vector<256x256xbf16>,
    %lt3A_973 = arith.constant 5.000000e-01 : f32
    %lt3A_974 = vector.broadcast %lt3A_973 : f32 to vector<1x256xf32>
    %lt3A_975 = arith.cmpf olt, %add3A_912, %lt3A_974 : vector<1x256xf32>
    %convert_element_type3A_976 = arith.extui %lt3A_975 : vector<1x256xi1> to vector<1x256xi32>
    %convert_element_type3A_977 = arith.sitofp %convert_element_type3A_976 : vector<1x256xi32> to vector<1x256xf32>
    %while3A_978 = arith.constant true
    %while3A_979:2 = scf.while (%while3A_2535 = %convert_element_type3A_977, %while3A_2536 = %while3A_978) : (vector<1x256xf32>, i1) -> (vector<1x256xf32>, i1) {
      scf.condition(%while3A_2536) %while3A_2535, %while3A_2536 : vector<1x256xf32>, i1
    } do {
    ^bb0(%while3A_2535: vector<1x256xf32>, %while3A_2536: i1):
      %convert_element_type3A_2537 = arith.truncf %while3A_2535 : vector<1x256xf32> to vector<1x256xbf16>
      %get3A_2538 = arith.constant 0 : index
      %get3A_2539 = arith.constant 0 : index
      %get3A_2540 = vector.load %arg5[%get3A_2538, %get3A_2539] : memref<256x256xbf16, #tpu.memory_space<vmem>>, vector<256x256xbf16>
      %dot_general3A_2541 = arith.constant dense<0.000000e+00> : vector<1x256xf32>
      %dot_general3A_2542 = tpu.matmul %convert_element_type3A_2537, %get3A_2540, %dot_general3A_2541 {dimension_numbers = #tpu.dot_dimension_numbers<[1], [0], [0], [1], [0, 0, 1, 1], [], []>, transpose_lhs_hint = false} : vector<1x256xbf16>, vector<256x256xbf16>, vector<1x256xf32> -> vector<1x256xf32>
      %add3A_2543 = arith.addf %add3A_912, %dot_general3A_2542 : vector<1x256xf32>
      %lt3A_2544 = arith.constant 5.000000e-01 : f32
      %lt3A_2545 = vector.broadcast %lt3A_2544 : f32 to vector<1x256xf32>
      %lt3A_2546 = arith.cmpf olt, %add3A_2543, %lt3A_2545 : vector<1x256xf32>
      %convert_element_type3A_2547 = arith.extui %lt3A_2546 : vector<1x256xi1> to vector<1x256xi32>
      %convert_element_type3A_2548 = arith.sitofp %convert_element_type3A_2547 : vector<1x256xi32> to vector<1x256xf32>
      %ne3A = arith.cmpf one, %convert_element_type3A_2548, %while3A_2535 : vector<1x256xf32>
      %reduce_or3A = arith.constant 1.000000e+00 : f32
      %reduce_or3A_2549 = arith.constant 0.000000e+00 : f32
      %reduce_or3A_2550 = vector.broadcast %reduce_or3A : f32 to vector<1x256xf32>
      %reduce_or3A_2551 = vector.broadcast %reduce_or3A_2549 : f32 to vector<1x256xf32>
      %reduce_or3A_2552 = arith.select %ne3A, %reduce_or3A_2550, %reduce_or3A_2551 : vector<1x256xi1>, vector<1x256xf32>
      %reduce_or3A_2553 = vector.shape_cast %reduce_or3A_2552 : vector<1x256xf32> to vector<1x1x256xf32>
      %reduce_or3A_2554 = arith.constant dense<0xFF800000> : vector<1xf32>
      %reduce_or3A_2555 = vector.multi_reduction <maximumf>, %reduce_or3A_2553, %reduce_or3A_2554 [1, 2] : vector<1x1x256xf32> to vector<1xf32>
      %reduce_or3A_2556 = vector.shape_cast %reduce_or3A_2555 : vector<1xf32> to vector<1x1x1xf32>
      %reduce_or3A_2557 = vector.extract %reduce_or3A_2556[0, 0, 0] : f32 from vector<1x1x1xf32>
      %reduce_or3A_2558 = arith.constant 0.000000e+00 : f32
      %reduce_or3A_2559 = arith.cmpf ogt, %reduce_or3A_2557, %reduce_or3A_2558 : f32
      scf.yield %convert_element_type3A_2548, %reduce_or3A_2559 : vector<1x256xf32>, i1
    }
    %get3A_980 = arith.constant 0 : index
    %get3A_981 = arith.constant 1280 : index
    %get3A_982 = vector.load %arg4[%get3A_980, %get3A_981] : memref<4x2048xf32, #tpu.memory_space<vmem>>, vector<1x256xf32>
    %get3A_983 = arith.constant 1 : index
    %get3A_984 = arith.constant 1280 : index
    %get3A_985 = vector.load %arg4[%get3A_983, %get3A_984] : memref<4x2048xf32, #tpu.memory_space<vmem>>, vector<1x256xf32>
    %get3A_986 = arith.constant 2 : index
    %get3A_987 = arith.constant 1280 : index
    %get3A_988 = vector.load %arg4[%get3A_986, %get3A_987] : memref<4x2048xf32, #tpu.memory_space<vmem>>, vector<1x256xf32>
    %get3A_989 = arith.constant 3 : index
    %get3A_990 = arith.constant 1280 : index
    %get3A_991 = vector.load %arg4[%get3A_989, %get3A_990] : memref<4x2048xf32, #tpu.memory_space<vmem>>, vector<1x256xf32>
    %broadcast_in_dim3A_992 = arith.constant 0.000000e+00 : f32
    %broadcast_in_dim3A_993 = vector.broadcast %broadcast_in_dim3A_992 : f32 to vector<1x256xf32>
    %get3A_994 = arith.constant 0 : index
    %get3A_995 = arith.constant 0 : index
    %get3A_996 = vector.load %arg3[%get3A_994, %get3A_995] : memref<2048x4xf32, #tpu.memory_space<vmem>>, vector<256x1xf32>
    %get3A_997 = arith.constant 0 : index
    %get3A_998 = arith.constant 1 : index
    %get3A_999 = vector.load %arg3[%get3A_997, %get3A_998] : memref<2048x4xf32, #tpu.memory_space<vmem>>, vector<256x1xf32>
    %get3A_1000 = arith.constant 0 : index
    %get3A_1001 = arith.constant 2 : index
    %get3A_1002 = vector.load %arg3[%get3A_1000, %get3A_1001] : memref<2048x4xf32, #tpu.memory_space<vmem>>, vector<256x1xf32>
    %get3A_1003 = arith.constant 0 : index
    %get3A_1004 = arith.constant 3 : index
    %get3A_1005 = vector.load %arg3[%get3A_1003, %get3A_1004] : memref<2048x4xf32, #tpu.memory_space<vmem>>, vector<256x1xf32>
    %sub3A_1006 = arith.subf %get3A_1002, %get3A_996 : vector<256x1xf32>
    %sub3A_1007 = arith.subf %get3A_1005, %get3A_999 : vector<256x1xf32>
    %mul3A_1008 = arith.mulf %sub3A_1006, %sub3A_1007 : vector<256x1xf32>
    %sub3A_1009 = arith.subf %get3A_988, %get3A_982 : vector<1x256xf32>
    %sub3A_1010 = arith.subf %get3A_991, %get3A_985 : vector<1x256xf32>
    %mul3A_1011 = arith.mulf %sub3A_1009, %sub3A_1010 : vector<1x256xf32>
    %min3A_1012 = vector.broadcast %get3A_1002 : vector<256x1xf32> to vector<256x256xf32>
    %min3A_1013 = vector.broadcast %get3A_988 : vector<1x256xf32> to vector<256x256xf32>
    %min3A_1014 = arith.minimumf %min3A_1012, %min3A_1013 : vector<256x256xf32>
    %max3A_1015 = vector.broadcast %get3A_996 : vector<256x1xf32> to vector<256x256xf32>
    %max3A_1016 = vector.broadcast %get3A_982 : vector<1x256xf32> to vector<256x256xf32>
    %max3A_1017 = arith.maximumf %max3A_1015, %max3A_1016 : vector<256x256xf32>
    %sub3A_1018 = arith.subf %min3A_1014, %max3A_1017 : vector<256x256xf32>
    %jit3A_1019 = arith.constant 0.000000e+00 : f32
    %max3A_1020 = vector.broadcast %jit3A_1019 : f32 to vector<256x256xf32>
    %max3A_1021 = arith.maximumf %max3A_1020, %sub3A_1018 : vector<256x256xf32>
    %min3A_1022 = vector.broadcast %get3A_1005 : vector<256x1xf32> to vector<256x256xf32>
    %min3A_1023 = vector.broadcast %get3A_991 : vector<1x256xf32> to vector<256x256xf32>
    %min3A_1024 = arith.minimumf %min3A_1022, %min3A_1023 : vector<256x256xf32>
    %max3A_1025 = vector.broadcast %get3A_999 : vector<256x1xf32> to vector<256x256xf32>
    %max3A_1026 = vector.broadcast %get3A_985 : vector<1x256xf32> to vector<256x256xf32>
    %max3A_1027 = arith.maximumf %max3A_1025, %max3A_1026 : vector<256x256xf32>
    %sub3A_1028 = arith.subf %min3A_1024, %max3A_1027 : vector<256x256xf32>
    %jit3A_1029 = arith.constant 0.000000e+00 : f32
    %max3A_1030 = vector.broadcast %jit3A_1029 : f32 to vector<256x256xf32>
    %max3A_1031 = arith.maximumf %max3A_1030, %sub3A_1028 : vector<256x256xf32>
    %mul3A_1032 = arith.mulf %max3A_1021, %max3A_1031 : vector<256x256xf32>
    %add3A_1033 = vector.broadcast %mul3A_1008 : vector<256x1xf32> to vector<256x256xf32>
    %add3A_1034 = vector.broadcast %mul3A_1011 : vector<1x256xf32> to vector<256x256xf32>
    %add3A_1035 = arith.addf %add3A_1033, %add3A_1034 : vector<256x256xf32>
    %sub3A_1036 = arith.subf %add3A_1035, %mul3A_1032 : vector<256x256xf32>
    %max3A_1037 = arith.constant 9.99999971E-10 : f32
    %max3A_1038 = vector.broadcast %max3A_1037 : f32 to vector<256x256xf32>
    %max3A_1039 = arith.maximumf %sub3A_1036, %max3A_1038 : vector<256x256xf32>
    %div3A_1040 = arith.divf %mul3A_1032, %max3A_1039 : vector<256x256xf32>
    %gt3A_1041 = arith.constant 0.699999988 : f32
    %gt3A_1042 = vector.broadcast %gt3A_1041 : f32 to vector<256x256xf32>
    %gt3A_1043 = arith.cmpf ogt, %div3A_1040, %gt3A_1042 : vector<256x256xf32>
    %convert_element_type3A_1044 = arith.extui %gt3A_1043 : vector<256x256xi1> to vector<256x256xi32>
    %convert_element_type3A_1045 = arith.sitofp %convert_element_type3A_1044 : vector<256x256xi32> to vector<256x256xf32>
    %convert_element_type3A_1046 = arith.truncf %convert_element_type3A_1045 : vector<256x256xf32> to vector<256x256xbf16>
    %convert_element_type3A_1047 = arith.truncf %while3A_86#0 : vector<1x256xf32> to vector<1x256xbf16>
    %dot_general3A_1048 = arith.constant dense<0.000000e+00> : vector<1x256xf32>
    %dot_general3A_1049 = tpu.matmul %convert_element_type3A_1047, %convert_element_type3A_1046, %dot_general3A_1048 {dimension_numbers = #tpu.dot_dimension_numbers<[1], [0], [0], [1], [0, 0, 1, 1], [], []>, transpose_lhs_hint = false} : vector<1x256xbf16>, vector<256x256xbf16>, vector<1x256xf32> -> vector<1x256xf32>
    %add3A_1050 = arith.addf %broadcast_in_dim3A_993, %dot_general3A_1049 : vector<1x256xf32>
    %get3A_1051 = arith.constant 256 : index
    %get3A_1052 = arith.constant 0 : index
    %get3A_1053 = vector.load %arg3[%get3A_1051, %get3A_1052] : memref<2048x4xf32, #tpu.memory_space<vmem>>, vector<256x1xf32>
    %get3A_1054 = arith.constant 256 : index
    %get3A_1055 = arith.constant 1 : index
    %get3A_1056 = vector.load %arg3[%get3A_1054, %get3A_1055] : memref<2048x4xf32, #tpu.memory_space<vmem>>, vector<256x1xf32>
    %get3A_1057 = arith.constant 256 : index
    %get3A_1058 = arith.constant 2 : index
    %get3A_1059 = vector.load %arg3[%get3A_1057, %get3A_1058] : memref<2048x4xf32, #tpu.memory_space<vmem>>, vector<256x1xf32>
    %get3A_1060 = arith.constant 256 : index
    %get3A_1061 = arith.constant 3 : index
    %get3A_1062 = vector.load %arg3[%get3A_1060, %get3A_1061] : memref<2048x4xf32, #tpu.memory_space<vmem>>, vector<256x1xf32>
    %sub3A_1063 = arith.subf %get3A_1059, %get3A_1053 : vector<256x1xf32>
    %sub3A_1064 = arith.subf %get3A_1062, %get3A_1056 : vector<256x1xf32>
    %mul3A_1065 = arith.mulf %sub3A_1063, %sub3A_1064 : vector<256x1xf32>
    %sub3A_1066 = arith.subf %get3A_988, %get3A_982 : vector<1x256xf32>
    %sub3A_1067 = arith.subf %get3A_991, %get3A_985 : vector<1x256xf32>
    %mul3A_1068 = arith.mulf %sub3A_1066, %sub3A_1067 : vector<1x256xf32>
    %min3A_1069 = vector.broadcast %get3A_1059 : vector<256x1xf32> to vector<256x256xf32>
    %min3A_1070 = vector.broadcast %get3A_988 : vector<1x256xf32> to vector<256x256xf32>
    %min3A_1071 = arith.minimumf %min3A_1069, %min3A_1070 : vector<256x256xf32>
    %max3A_1072 = vector.broadcast %get3A_1053 : vector<256x1xf32> to vector<256x256xf32>
    %max3A_1073 = vector.broadcast %get3A_982 : vector<1x256xf32> to vector<256x256xf32>
    %max3A_1074 = arith.maximumf %max3A_1072, %max3A_1073 : vector<256x256xf32>
    %sub3A_1075 = arith.subf %min3A_1071, %max3A_1074 : vector<256x256xf32>
    %jit3A_1076 = arith.constant 0.000000e+00 : f32
    %max3A_1077 = vector.broadcast %jit3A_1076 : f32 to vector<256x256xf32>
    %max3A_1078 = arith.maximumf %max3A_1077, %sub3A_1075 : vector<256x256xf32>
    %min3A_1079 = vector.broadcast %get3A_1062 : vector<256x1xf32> to vector<256x256xf32>
    %min3A_1080 = vector.broadcast %get3A_991 : vector<1x256xf32> to vector<256x256xf32>
    %min3A_1081 = arith.minimumf %min3A_1079, %min3A_1080 : vector<256x256xf32>
    %max3A_1082 = vector.broadcast %get3A_1056 : vector<256x1xf32> to vector<256x256xf32>
    %max3A_1083 = vector.broadcast %get3A_985 : vector<1x256xf32> to vector<256x256xf32>
    %max3A_1084 = arith.maximumf %max3A_1082, %max3A_1083 : vector<256x256xf32>
    %sub3A_1085 = arith.subf %min3A_1081, %max3A_1084 : vector<256x256xf32>
    %jit3A_1086 = arith.constant 0.000000e+00 : f32
    %max3A_1087 = vector.broadcast %jit3A_1086 : f32 to vector<256x256xf32>
    %max3A_1088 = arith.maximumf %max3A_1087, %sub3A_1085 : vector<256x256xf32>
    %mul3A_1089 = arith.mulf %max3A_1078, %max3A_1088 : vector<256x256xf32>
    %add3A_1090 = vector.broadcast %mul3A_1065 : vector<256x1xf32> to vector<256x256xf32>
    %add3A_1091 = vector.broadcast %mul3A_1068 : vector<1x256xf32> to vector<256x256xf32>
    %add3A_1092 = arith.addf %add3A_1090, %add3A_1091 : vector<256x256xf32>
    %sub3A_1093 = arith.subf %add3A_1092, %mul3A_1089 : vector<256x256xf32>
    %max3A_1094 = arith.constant 9.99999971E-10 : f32
    %max3A_1095 = vector.broadcast %max3A_1094 : f32 to vector<256x256xf32>
    %max3A_1096 = arith.maximumf %sub3A_1093, %max3A_1095 : vector<256x256xf32>
    %div3A_1097 = arith.divf %mul3A_1089, %max3A_1096 : vector<256x256xf32>
    %gt3A_1098 = arith.constant 0.699999988 : f32
    %gt3A_1099 = vector.broadcast %gt3A_1098 : f32 to vector<256x256xf32>
    %gt3A_1100 = arith.cmpf ogt, %div3A_1097, %gt3A_1099 : vector<256x256xf32>
    %convert_element_type3A_1101 = arith.extui %gt3A_1100 : vector<256x256xi1> to vector<256x256xi32>
    %convert_element_type3A_1102 = arith.sitofp %convert_element_type3A_1101 : vector<256x256xi32> to vector<256x256xf32>
    %convert_element_type3A_1103 = arith.truncf %convert_element_type3A_1102 : vector<256x256xf32> to vector<256x256xbf16>
    %convert_element_type3A_1104 = arith.truncf %while3A_223#0 : vector<1x256xf32> to vector<1x256xbf16>
    %dot_general3A_1105 = arith.constant dense<0.000000e+00> : vector<1x256xf32>
    %dot_general3A_1106 = tpu.matmul %convert_element_type3A_1104, %convert_element_type3A_1103, %dot_general3A_1105 {dimension_numbers = #tpu.dot_dimension_numbers<[1], [0], [0], [1], [0, 0, 1, 1], [], []>, transpose_lhs_hint = false} : vector<1x256xbf16>, vector<256x256xbf16>, vector<1x256xf32> -> vector<1x256xf32>
    %add3A_1107 = arith.addf %add3A_1050, %dot_general3A_1106 : vector<1x256xf32>
    %get3A_1108 = arith.constant 512 : index
    %get3A_1109 = arith.constant 0 : index
    %get3A_1110 = vector.load %arg3[%get3A_1108, %get3A_1109] : memref<2048x4xf32, #tpu.memory_space<vmem>>, vector<256x1xf32>
    %get3A_1111 = arith.constant 512 : index
    %get3A_1112 = arith.constant 1 : index
    %get3A_1113 = vector.load %arg3[%get3A_1111, %get3A_1112] : memref<2048x4xf32, #tpu.memory_space<vmem>>, vector<256x1xf32>
    %get3A_1114 = arith.constant 512 : index
    %get3A_1115 = arith.constant 2 : index
    %get3A_1116 = vector.load %arg3[%get3A_1114, %get3A_1115] : memref<2048x4xf32, #tpu.memory_space<vmem>>, vector<256x1xf32>
    %get3A_1117 = arith.constant 512 : index
    %get3A_1118 = arith.constant 3 : index
    %get3A_1119 = vector.load %arg3[%get3A_1117, %get3A_1118] : memref<2048x4xf32, #tpu.memory_space<vmem>>, vector<256x1xf32>
    %sub3A_1120 = arith.subf %get3A_1116, %get3A_1110 : vector<256x1xf32>
    %sub3A_1121 = arith.subf %get3A_1119, %get3A_1113 : vector<256x1xf32>
    %mul3A_1122 = arith.mulf %sub3A_1120, %sub3A_1121 : vector<256x1xf32>
    %sub3A_1123 = arith.subf %get3A_988, %get3A_982 : vector<1x256xf32>
    %sub3A_1124 = arith.subf %get3A_991, %get3A_985 : vector<1x256xf32>
    %mul3A_1125 = arith.mulf %sub3A_1123, %sub3A_1124 : vector<1x256xf32>
    %min3A_1126 = vector.broadcast %get3A_1116 : vector<256x1xf32> to vector<256x256xf32>
    %min3A_1127 = vector.broadcast %get3A_988 : vector<1x256xf32> to vector<256x256xf32>
    %min3A_1128 = arith.minimumf %min3A_1126, %min3A_1127 : vector<256x256xf32>
    %max3A_1129 = vector.broadcast %get3A_1110 : vector<256x1xf32> to vector<256x256xf32>
    %max3A_1130 = vector.broadcast %get3A_982 : vector<1x256xf32> to vector<256x256xf32>
    %max3A_1131 = arith.maximumf %max3A_1129, %max3A_1130 : vector<256x256xf32>
    %sub3A_1132 = arith.subf %min3A_1128, %max3A_1131 : vector<256x256xf32>
    %jit3A_1133 = arith.constant 0.000000e+00 : f32
    %max3A_1134 = vector.broadcast %jit3A_1133 : f32 to vector<256x256xf32>
    %max3A_1135 = arith.maximumf %max3A_1134, %sub3A_1132 : vector<256x256xf32>
    %min3A_1136 = vector.broadcast %get3A_1119 : vector<256x1xf32> to vector<256x256xf32>
    %min3A_1137 = vector.broadcast %get3A_991 : vector<1x256xf32> to vector<256x256xf32>
    %min3A_1138 = arith.minimumf %min3A_1136, %min3A_1137 : vector<256x256xf32>
    %max3A_1139 = vector.broadcast %get3A_1113 : vector<256x1xf32> to vector<256x256xf32>
    %max3A_1140 = vector.broadcast %get3A_985 : vector<1x256xf32> to vector<256x256xf32>
    %max3A_1141 = arith.maximumf %max3A_1139, %max3A_1140 : vector<256x256xf32>
    %sub3A_1142 = arith.subf %min3A_1138, %max3A_1141 : vector<256x256xf32>
    %jit3A_1143 = arith.constant 0.000000e+00 : f32
    %max3A_1144 = vector.broadcast %jit3A_1143 : f32 to vector<256x256xf32>
    %max3A_1145 = arith.maximumf %max3A_1144, %sub3A_1142 : vector<256x256xf32>
    %mul3A_1146 = arith.mulf %max3A_1135, %max3A_1145 : vector<256x256xf32>
    %add3A_1147 = vector.broadcast %mul3A_1122 : vector<256x1xf32> to vector<256x256xf32>
    %add3A_1148 = vector.broadcast %mul3A_1125 : vector<1x256xf32> to vector<256x256xf32>
    %add3A_1149 = arith.addf %add3A_1147, %add3A_1148 : vector<256x256xf32>
    %sub3A_1150 = arith.subf %add3A_1149, %mul3A_1146 : vector<256x256xf32>
    %max3A_1151 = arith.constant 9.99999971E-10 : f32
    %max3A_1152 = vector.broadcast %max3A_1151 : f32 to vector<256x256xf32>
    %max3A_1153 = arith.maximumf %sub3A_1150, %max3A_1152 : vector<256x256xf32>
    %div3A_1154 = arith.divf %mul3A_1146, %max3A_1153 : vector<256x256xf32>
    %gt3A_1155 = arith.constant 0.699999988 : f32
    %gt3A_1156 = vector.broadcast %gt3A_1155 : f32 to vector<256x256xf32>
    %gt3A_1157 = arith.cmpf ogt, %div3A_1154, %gt3A_1156 : vector<256x256xf32>
    %convert_element_type3A_1158 = arith.extui %gt3A_1157 : vector<256x256xi1> to vector<256x256xi32>
    %convert_element_type3A_1159 = arith.sitofp %convert_element_type3A_1158 : vector<256x256xi32> to vector<256x256xf32>
    %convert_element_type3A_1160 = arith.truncf %convert_element_type3A_1159 : vector<256x256xf32> to vector<256x256xbf16>
    %convert_element_type3A_1161 = arith.truncf %while3A_418#0 : vector<1x256xf32> to vector<1x256xbf16>
    %dot_general3A_1162 = arith.constant dense<0.000000e+00> : vector<1x256xf32>
    %dot_general3A_1163 = tpu.matmul %convert_element_type3A_1161, %convert_element_type3A_1160, %dot_general3A_1162 {dimension_numbers = #tpu.dot_dimension_numbers<[1], [0], [0], [1], [0, 0, 1, 1], [], []>, transpose_lhs_hint = false} : vector<1x256xbf16>, vector<256x256xbf16>, vector<1x256xf32> -> vector<1x256xf32>
    %add3A_1164 = arith.addf %add3A_1107, %dot_general3A_1163 : vector<1x256xf32>
    %get3A_1165 = arith.constant 768 : index
    %get3A_1166 = arith.constant 0 : index
    %get3A_1167 = vector.load %arg3[%get3A_1165, %get3A_1166] : memref<2048x4xf32, #tpu.memory_space<vmem>>, vector<256x1xf32>
    %get3A_1168 = arith.constant 768 : index
    %get3A_1169 = arith.constant 1 : index
    %get3A_1170 = vector.load %arg3[%get3A_1168, %get3A_1169] : memref<2048x4xf32, #tpu.memory_space<vmem>>, vector<256x1xf32>
    %get3A_1171 = arith.constant 768 : index
    %get3A_1172 = arith.constant 2 : index
    %get3A_1173 = vector.load %arg3[%get3A_1171, %get3A_1172] : memref<2048x4xf32, #tpu.memory_space<vmem>>, vector<256x1xf32>
    %get3A_1174 = arith.constant 768 : index
    %get3A_1175 = arith.constant 3 : index
    %get3A_1176 = vector.load %arg3[%get3A_1174, %get3A_1175] : memref<2048x4xf32, #tpu.memory_space<vmem>>, vector<256x1xf32>
    %sub3A_1177 = arith.subf %get3A_1173, %get3A_1167 : vector<256x1xf32>
    %sub3A_1178 = arith.subf %get3A_1176, %get3A_1170 : vector<256x1xf32>
    %mul3A_1179 = arith.mulf %sub3A_1177, %sub3A_1178 : vector<256x1xf32>
    %sub3A_1180 = arith.subf %get3A_988, %get3A_982 : vector<1x256xf32>
    %sub3A_1181 = arith.subf %get3A_991, %get3A_985 : vector<1x256xf32>
    %mul3A_1182 = arith.mulf %sub3A_1180, %sub3A_1181 : vector<1x256xf32>
    %min3A_1183 = vector.broadcast %get3A_1173 : vector<256x1xf32> to vector<256x256xf32>
    %min3A_1184 = vector.broadcast %get3A_988 : vector<1x256xf32> to vector<256x256xf32>
    %min3A_1185 = arith.minimumf %min3A_1183, %min3A_1184 : vector<256x256xf32>
    %max3A_1186 = vector.broadcast %get3A_1167 : vector<256x1xf32> to vector<256x256xf32>
    %max3A_1187 = vector.broadcast %get3A_982 : vector<1x256xf32> to vector<256x256xf32>
    %max3A_1188 = arith.maximumf %max3A_1186, %max3A_1187 : vector<256x256xf32>
    %sub3A_1189 = arith.subf %min3A_1185, %max3A_1188 : vector<256x256xf32>
    %jit3A_1190 = arith.constant 0.000000e+00 : f32
    %max3A_1191 = vector.broadcast %jit3A_1190 : f32 to vector<256x256xf32>
    %max3A_1192 = arith.maximumf %max3A_1191, %sub3A_1189 : vector<256x256xf32>
    %min3A_1193 = vector.broadcast %get3A_1176 : vector<256x1xf32> to vector<256x256xf32>
    %min3A_1194 = vector.broadcast %get3A_991 : vector<1x256xf32> to vector<256x256xf32>
    %min3A_1195 = arith.minimumf %min3A_1193, %min3A_1194 : vector<256x256xf32>
    %max3A_1196 = vector.broadcast %get3A_1170 : vector<256x1xf32> to vector<256x256xf32>
    %max3A_1197 = vector.broadcast %get3A_985 : vector<1x256xf32> to vector<256x256xf32>
    %max3A_1198 = arith.maximumf %max3A_1196, %max3A_1197 : vector<256x256xf32>
    %sub3A_1199 = arith.subf %min3A_1195, %max3A_1198 : vector<256x256xf32>
    %jit3A_1200 = arith.constant 0.000000e+00 : f32
    %max3A_1201 = vector.broadcast %jit3A_1200 : f32 to vector<256x256xf32>
    %max3A_1202 = arith.maximumf %max3A_1201, %sub3A_1199 : vector<256x256xf32>
    %mul3A_1203 = arith.mulf %max3A_1192, %max3A_1202 : vector<256x256xf32>
    %add3A_1204 = vector.broadcast %mul3A_1179 : vector<256x1xf32> to vector<256x256xf32>
    %add3A_1205 = vector.broadcast %mul3A_1182 : vector<1x256xf32> to vector<256x256xf32>
    %add3A_1206 = arith.addf %add3A_1204, %add3A_1205 : vector<256x256xf32>
    %sub3A_1207 = arith.subf %add3A_1206, %mul3A_1203 : vector<256x256xf32>
    %max3A_1208 = arith.constant 9.99999971E-10 : f32
    %max3A_1209 = vector.broadcast %max3A_1208 : f32 to vector<256x256xf32>
    %max3A_1210 = arith.maximumf %sub3A_1207, %max3A_1209 : vector<256x256xf32>
    %div3A_1211 = arith.divf %mul3A_1203, %max3A_1210 : vector<256x256xf32>
    %gt3A_1212 = arith.constant 0.699999988 : f32
    %gt3A_1213 = vector.broadcast %gt3A_1212 : f32 to vector<256x256xf32>
    %gt3A_1214 = arith.cmpf ogt, %div3A_1211, %gt3A_1213 : vector<256x256xf32>
    %convert_element_type3A_1215 = arith.extui %gt3A_1214 : vector<256x256xi1> to vector<256x256xi32>
    %convert_element_type3A_1216 = arith.sitofp %convert_element_type3A_1215 : vector<256x256xi32> to vector<256x256xf32>
    %convert_element_type3A_1217 = arith.truncf %convert_element_type3A_1216 : vector<256x256xf32> to vector<256x256xbf16>
    %convert_element_type3A_1218 = arith.truncf %while3A_670#0 : vector<1x256xf32> to vector<1x256xbf16>
    %dot_general3A_1219 = arith.constant dense<0.000000e+00> : vector<1x256xf32>
    %dot_general3A_1220 = tpu.matmul %convert_element_type3A_1218, %convert_element_type3A_1217, %dot_general3A_1219 {dimension_numbers = #tpu.dot_dimension_numbers<[1], [0], [0], [1], [0, 0, 1, 1], [], []>, transpose_lhs_hint = false} : vector<1x256xbf16>, vector<256x256xbf16>, vector<1x256xf32> -> vector<1x256xf32>
    %add3A_1221 = arith.addf %add3A_1164, %dot_general3A_1220 : vector<1x256xf32>
    %get3A_1222 = arith.constant 1024 : index
    %get3A_1223 = arith.constant 0 : index
    %get3A_1224 = vector.load %arg3[%get3A_1222, %get3A_1223] : memref<2048x4xf32, #tpu.memory_space<vmem>>, vector<256x1xf32>
    %get3A_1225 = arith.constant 1024 : index
    %get3A_1226 = arith.constant 1 : index
    %get3A_1227 = vector.load %arg3[%get3A_1225, %get3A_1226] : memref<2048x4xf32, #tpu.memory_space<vmem>>, vector<256x1xf32>
    %get3A_1228 = arith.constant 1024 : index
    %get3A_1229 = arith.constant 2 : index
    %get3A_1230 = vector.load %arg3[%get3A_1228, %get3A_1229] : memref<2048x4xf32, #tpu.memory_space<vmem>>, vector<256x1xf32>
    %get3A_1231 = arith.constant 1024 : index
    %get3A_1232 = arith.constant 3 : index
    %get3A_1233 = vector.load %arg3[%get3A_1231, %get3A_1232] : memref<2048x4xf32, #tpu.memory_space<vmem>>, vector<256x1xf32>
    %sub3A_1234 = arith.subf %get3A_1230, %get3A_1224 : vector<256x1xf32>
    %sub3A_1235 = arith.subf %get3A_1233, %get3A_1227 : vector<256x1xf32>
    %mul3A_1236 = arith.mulf %sub3A_1234, %sub3A_1235 : vector<256x1xf32>
    %sub3A_1237 = arith.subf %get3A_988, %get3A_982 : vector<1x256xf32>
    %sub3A_1238 = arith.subf %get3A_991, %get3A_985 : vector<1x256xf32>
    %mul3A_1239 = arith.mulf %sub3A_1237, %sub3A_1238 : vector<1x256xf32>
    %min3A_1240 = vector.broadcast %get3A_1230 : vector<256x1xf32> to vector<256x256xf32>
    %min3A_1241 = vector.broadcast %get3A_988 : vector<1x256xf32> to vector<256x256xf32>
    %min3A_1242 = arith.minimumf %min3A_1240, %min3A_1241 : vector<256x256xf32>
    %max3A_1243 = vector.broadcast %get3A_1224 : vector<256x1xf32> to vector<256x256xf32>
    %max3A_1244 = vector.broadcast %get3A_982 : vector<1x256xf32> to vector<256x256xf32>
    %max3A_1245 = arith.maximumf %max3A_1243, %max3A_1244 : vector<256x256xf32>
    %sub3A_1246 = arith.subf %min3A_1242, %max3A_1245 : vector<256x256xf32>
    %jit3A_1247 = arith.constant 0.000000e+00 : f32
    %max3A_1248 = vector.broadcast %jit3A_1247 : f32 to vector<256x256xf32>
    %max3A_1249 = arith.maximumf %max3A_1248, %sub3A_1246 : vector<256x256xf32>
    %min3A_1250 = vector.broadcast %get3A_1233 : vector<256x1xf32> to vector<256x256xf32>
    %min3A_1251 = vector.broadcast %get3A_991 : vector<1x256xf32> to vector<256x256xf32>
    %min3A_1252 = arith.minimumf %min3A_1250, %min3A_1251 : vector<256x256xf32>
    %max3A_1253 = vector.broadcast %get3A_1227 : vector<256x1xf32> to vector<256x256xf32>
    %max3A_1254 = vector.broadcast %get3A_985 : vector<1x256xf32> to vector<256x256xf32>
    %max3A_1255 = arith.maximumf %max3A_1253, %max3A_1254 : vector<256x256xf32>
    %sub3A_1256 = arith.subf %min3A_1252, %max3A_1255 : vector<256x256xf32>
    %jit3A_1257 = arith.constant 0.000000e+00 : f32
    %max3A_1258 = vector.broadcast %jit3A_1257 : f32 to vector<256x256xf32>
    %max3A_1259 = arith.maximumf %max3A_1258, %sub3A_1256 : vector<256x256xf32>
    %mul3A_1260 = arith.mulf %max3A_1249, %max3A_1259 : vector<256x256xf32>
    %add3A_1261 = vector.broadcast %mul3A_1236 : vector<256x1xf32> to vector<256x256xf32>
    %add3A_1262 = vector.broadcast %mul3A_1239 : vector<1x256xf32> to vector<256x256xf32>
    %add3A_1263 = arith.addf %add3A_1261, %add3A_1262 : vector<256x256xf32>
    %sub3A_1264 = arith.subf %add3A_1263, %mul3A_1260 : vector<256x256xf32>
    %max3A_1265 = arith.constant 9.99999971E-10 : f32
    %max3A_1266 = vector.broadcast %max3A_1265 : f32 to vector<256x256xf32>
    %max3A_1267 = arith.maximumf %sub3A_1264, %max3A_1266 : vector<256x256xf32>
    %div3A_1268 = arith.divf %mul3A_1260, %max3A_1267 : vector<256x256xf32>
    %gt3A_1269 = arith.constant 0.699999988 : f32
    %gt3A_1270 = vector.broadcast %gt3A_1269 : f32 to vector<256x256xf32>
    %gt3A_1271 = arith.cmpf ogt, %div3A_1268, %gt3A_1270 : vector<256x256xf32>
    %convert_element_type3A_1272 = arith.extui %gt3A_1271 : vector<256x256xi1> to vector<256x256xi32>
    %convert_element_type3A_1273 = arith.sitofp %convert_element_type3A_1272 : vector<256x256xi32> to vector<256x256xf32>
    %convert_element_type3A_1274 = arith.truncf %convert_element_type3A_1273 : vector<256x256xf32> to vector<256x256xbf16>
    %convert_element_type3A_1275 = arith.truncf %while3A_979#0 : vector<1x256xf32> to vector<1x256xbf16>
    %dot_general3A_1276 = arith.constant dense<0.000000e+00> : vector<1x256xf32>
    %dot_general3A_1277 = tpu.matmul %convert_element_type3A_1275, %convert_element_type3A_1274, %dot_general3A_1276 {dimension_numbers = #tpu.dot_dimension_numbers<[1], [0], [0], [1], [0, 0, 1, 1], [], []>, transpose_lhs_hint = false} : vector<1x256xbf16>, vector<256x256xbf16>, vector<1x256xf32> -> vector<1x256xf32>
    %add3A_1278 = arith.addf %add3A_1221, %dot_general3A_1277 : vector<1x256xf32>
    %get3A_1279 = arith.constant 1280 : index
    %get3A_1280 = arith.constant 0 : index
    %get3A_1281 = vector.load %arg3[%get3A_1279, %get3A_1280] : memref<2048x4xf32, #tpu.memory_space<vmem>>, vector<256x1xf32>
    %get3A_1282 = arith.constant 1280 : index
    %get3A_1283 = arith.constant 1 : index
    %get3A_1284 = vector.load %arg3[%get3A_1282, %get3A_1283] : memref<2048x4xf32, #tpu.memory_space<vmem>>, vector<256x1xf32>
    %get3A_1285 = arith.constant 1280 : index
    %get3A_1286 = arith.constant 2 : index
    %get3A_1287 = vector.load %arg3[%get3A_1285, %get3A_1286] : memref<2048x4xf32, #tpu.memory_space<vmem>>, vector<256x1xf32>
    %get3A_1288 = arith.constant 1280 : index
    %get3A_1289 = arith.constant 3 : index
    %get3A_1290 = vector.load %arg3[%get3A_1288, %get3A_1289] : memref<2048x4xf32, #tpu.memory_space<vmem>>, vector<256x1xf32>
    %sub3A_1291 = arith.subf %get3A_1287, %get3A_1281 : vector<256x1xf32>
    %sub3A_1292 = arith.subf %get3A_1290, %get3A_1284 : vector<256x1xf32>
    %mul3A_1293 = arith.mulf %sub3A_1291, %sub3A_1292 : vector<256x1xf32>
    %sub3A_1294 = arith.subf %get3A_988, %get3A_982 : vector<1x256xf32>
    %sub3A_1295 = arith.subf %get3A_991, %get3A_985 : vector<1x256xf32>
    %mul3A_1296 = arith.mulf %sub3A_1294, %sub3A_1295 : vector<1x256xf32>
    %min3A_1297 = vector.broadcast %get3A_1287 : vector<256x1xf32> to vector<256x256xf32>
    %min3A_1298 = vector.broadcast %get3A_988 : vector<1x256xf32> to vector<256x256xf32>
    %min3A_1299 = arith.minimumf %min3A_1297, %min3A_1298 : vector<256x256xf32>
    %max3A_1300 = vector.broadcast %get3A_1281 : vector<256x1xf32> to vector<256x256xf32>
    %max3A_1301 = vector.broadcast %get3A_982 : vector<1x256xf32> to vector<256x256xf32>
    %max3A_1302 = arith.maximumf %max3A_1300, %max3A_1301 : vector<256x256xf32>
    %sub3A_1303 = arith.subf %min3A_1299, %max3A_1302 : vector<256x256xf32>
    %jit3A_1304 = arith.constant 0.000000e+00 : f32
    %max3A_1305 = vector.broadcast %jit3A_1304 : f32 to vector<256x256xf32>
    %max3A_1306 = arith.maximumf %max3A_1305, %sub3A_1303 : vector<256x256xf32>
    %min3A_1307 = vector.broadcast %get3A_1290 : vector<256x1xf32> to vector<256x256xf32>
    %min3A_1308 = vector.broadcast %get3A_991 : vector<1x256xf32> to vector<256x256xf32>
    %min3A_1309 = arith.minimumf %min3A_1307, %min3A_1308 : vector<256x256xf32>
    %max3A_1310 = vector.broadcast %get3A_1284 : vector<256x1xf32> to vector<256x256xf32>
    %max3A_1311 = vector.broadcast %get3A_985 : vector<1x256xf32> to vector<256x256xf32>
    %max3A_1312 = arith.maximumf %max3A_1310, %max3A_1311 : vector<256x256xf32>
    %sub3A_1313 = arith.subf %min3A_1309, %max3A_1312 : vector<256x256xf32>
    %jit3A_1314 = arith.constant 0.000000e+00 : f32
    %max3A_1315 = vector.broadcast %jit3A_1314 : f32 to vector<256x256xf32>
    %max3A_1316 = arith.maximumf %max3A_1315, %sub3A_1313 : vector<256x256xf32>
    %mul3A_1317 = arith.mulf %max3A_1306, %max3A_1316 : vector<256x256xf32>
    %add3A_1318 = vector.broadcast %mul3A_1293 : vector<256x1xf32> to vector<256x256xf32>
    %add3A_1319 = vector.broadcast %mul3A_1296 : vector<1x256xf32> to vector<256x256xf32>
    %add3A_1320 = arith.addf %add3A_1318, %add3A_1319 : vector<256x256xf32>
    %sub3A_1321 = arith.subf %add3A_1320, %mul3A_1317 : vector<256x256xf32>
    %max3A_1322 = arith.constant 9.99999971E-10 : f32
    %max3A_1323 = vector.broadcast %max3A_1322 : f32 to vector<256x256xf32>
    %max3A_1324 = arith.maximumf %sub3A_1321, %max3A_1323 : vector<256x256xf32>
    %div3A_1325 = arith.divf %mul3A_1317, %max3A_1324 : vector<256x256xf32>
    %gt3A_1326 = arith.constant 0.699999988 : f32
    %gt3A_1327 = vector.broadcast %gt3A_1326 : f32 to vector<256x256xf32>
    %gt3A_1328 = arith.cmpf ogt, %div3A_1325, %gt3A_1327 : vector<256x256xf32>
    %gt3A_1329 = arith.constant 5.000000e-01 : f32
    %gt3A_1330 = vector.broadcast %gt3A_1329 : f32 to vector<256x256xf32>
    %gt3A_1331 = arith.cmpf ogt, %convert_element_type3A_15, %gt3A_1330 : vector<256x256xf32>
    %and3A_1332 = arith.andi %gt3A_1328, %gt3A_1331 : vector<256x256xi1>
    %convert_element_type3A_1333 = arith.extui %and3A_1332 : vector<256x256xi1> to vector<256x256xi32>
    %convert_element_type3A_1334 = arith.sitofp %convert_element_type3A_1333 : vector<256x256xi32> to vector<256x256xf32>
    %convert_element_type3A_1335 = arith.truncf %convert_element_type3A_1334 : vector<256x256xf32> to vector<256x256xbf16>
    %swap3A_1336 = arith.constant 0 : index
    %swap3A_1337 = arith.constant 0 : index
    %swap3A_1338 = vector.load %arg5[%swap3A_1336, %swap3A_1337] : memref<256x256xbf16, #tpu.memory_space<vmem>>, vector<256x256xbf16>
    tpu.vector_store %arg5[%swap3A_1336, %swap3A_1337], %convert_element_type3A_1335 {strides = array<i32>} : memref<256x256xbf16, #tpu.memory_space<vmem>>, vector<256x256xbf16>,
    %lt3A_1339 = arith.constant 5.000000e-01 : f32
    %lt3A_1340 = vector.broadcast %lt3A_1339 : f32 to vector<1x256xf32>
    %lt3A_1341 = arith.cmpf olt, %add3A_1278, %lt3A_1340 : vector<1x256xf32>
    %convert_element_type3A_1342 = arith.extui %lt3A_1341 : vector<1x256xi1> to vector<1x256xi32>
    %convert_element_type3A_1343 = arith.sitofp %convert_element_type3A_1342 : vector<1x256xi32> to vector<1x256xf32>
    %while3A_1344 = arith.constant true
    %while3A_1345:2 = scf.while (%while3A_2535 = %convert_element_type3A_1343, %while3A_2536 = %while3A_1344) : (vector<1x256xf32>, i1) -> (vector<1x256xf32>, i1) {
      scf.condition(%while3A_2536) %while3A_2535, %while3A_2536 : vector<1x256xf32>, i1
    } do {
    ^bb0(%while3A_2535: vector<1x256xf32>, %while3A_2536: i1):
      %convert_element_type3A_2537 = arith.truncf %while3A_2535 : vector<1x256xf32> to vector<1x256xbf16>
      %get3A_2538 = arith.constant 0 : index
      %get3A_2539 = arith.constant 0 : index
      %get3A_2540 = vector.load %arg5[%get3A_2538, %get3A_2539] : memref<256x256xbf16, #tpu.memory_space<vmem>>, vector<256x256xbf16>
      %dot_general3A_2541 = arith.constant dense<0.000000e+00> : vector<1x256xf32>
      %dot_general3A_2542 = tpu.matmul %convert_element_type3A_2537, %get3A_2540, %dot_general3A_2541 {dimension_numbers = #tpu.dot_dimension_numbers<[1], [0], [0], [1], [0, 0, 1, 1], [], []>, transpose_lhs_hint = false} : vector<1x256xbf16>, vector<256x256xbf16>, vector<1x256xf32> -> vector<1x256xf32>
      %add3A_2543 = arith.addf %add3A_1278, %dot_general3A_2542 : vector<1x256xf32>
      %lt3A_2544 = arith.constant 5.000000e-01 : f32
      %lt3A_2545 = vector.broadcast %lt3A_2544 : f32 to vector<1x256xf32>
      %lt3A_2546 = arith.cmpf olt, %add3A_2543, %lt3A_2545 : vector<1x256xf32>
      %convert_element_type3A_2547 = arith.extui %lt3A_2546 : vector<1x256xi1> to vector<1x256xi32>
      %convert_element_type3A_2548 = arith.sitofp %convert_element_type3A_2547 : vector<1x256xi32> to vector<1x256xf32>
      %ne3A = arith.cmpf one, %convert_element_type3A_2548, %while3A_2535 : vector<1x256xf32>
      %reduce_or3A = arith.constant 1.000000e+00 : f32
      %reduce_or3A_2549 = arith.constant 0.000000e+00 : f32
      %reduce_or3A_2550 = vector.broadcast %reduce_or3A : f32 to vector<1x256xf32>
      %reduce_or3A_2551 = vector.broadcast %reduce_or3A_2549 : f32 to vector<1x256xf32>
      %reduce_or3A_2552 = arith.select %ne3A, %reduce_or3A_2550, %reduce_or3A_2551 : vector<1x256xi1>, vector<1x256xf32>
      %reduce_or3A_2553 = vector.shape_cast %reduce_or3A_2552 : vector<1x256xf32> to vector<1x1x256xf32>
      %reduce_or3A_2554 = arith.constant dense<0xFF800000> : vector<1xf32>
      %reduce_or3A_2555 = vector.multi_reduction <maximumf>, %reduce_or3A_2553, %reduce_or3A_2554 [1, 2] : vector<1x1x256xf32> to vector<1xf32>
      %reduce_or3A_2556 = vector.shape_cast %reduce_or3A_2555 : vector<1xf32> to vector<1x1x1xf32>
      %reduce_or3A_2557 = vector.extract %reduce_or3A_2556[0, 0, 0] : f32 from vector<1x1x1xf32>
      %reduce_or3A_2558 = arith.constant 0.000000e+00 : f32
      %reduce_or3A_2559 = arith.cmpf ogt, %reduce_or3A_2557, %reduce_or3A_2558 : f32
      scf.yield %convert_element_type3A_2548, %reduce_or3A_2559 : vector<1x256xf32>, i1
    }
    %get3A_1346 = arith.constant 0 : index
    %get3A_1347 = arith.constant 1536 : index
    %get3A_1348 = vector.load %arg4[%get3A_1346, %get3A_1347] : memref<4x2048xf32, #tpu.memory_space<vmem>>, vector<1x256xf32>
    %get3A_1349 = arith.constant 1 : index
    %get3A_1350 = arith.constant 1536 : index
    %get3A_1351 = vector.load %arg4[%get3A_1349, %get3A_1350] : memref<4x2048xf32, #tpu.memory_space<vmem>>, vector<1x256xf32>
    %get3A_1352 = arith.constant 2 : index
    %get3A_1353 = arith.constant 1536 : index
    %get3A_1354 = vector.load %arg4[%get3A_1352, %get3A_1353] : memref<4x2048xf32, #tpu.memory_space<vmem>>, vector<1x256xf32>
    %get3A_1355 = arith.constant 3 : index
    %get3A_1356 = arith.constant 1536 : index
    %get3A_1357 = vector.load %arg4[%get3A_1355, %get3A_1356] : memref<4x2048xf32, #tpu.memory_space<vmem>>, vector<1x256xf32>
    %broadcast_in_dim3A_1358 = arith.constant 0.000000e+00 : f32
    %broadcast_in_dim3A_1359 = vector.broadcast %broadcast_in_dim3A_1358 : f32 to vector<1x256xf32>
    %get3A_1360 = arith.constant 0 : index
    %get3A_1361 = arith.constant 0 : index
    %get3A_1362 = vector.load %arg3[%get3A_1360, %get3A_1361] : memref<2048x4xf32, #tpu.memory_space<vmem>>, vector<256x1xf32>
    %get3A_1363 = arith.constant 0 : index
    %get3A_1364 = arith.constant 1 : index
    %get3A_1365 = vector.load %arg3[%get3A_1363, %get3A_1364] : memref<2048x4xf32, #tpu.memory_space<vmem>>, vector<256x1xf32>
    %get3A_1366 = arith.constant 0 : index
    %get3A_1367 = arith.constant 2 : index
    %get3A_1368 = vector.load %arg3[%get3A_1366, %get3A_1367] : memref<2048x4xf32, #tpu.memory_space<vmem>>, vector<256x1xf32>
    %get3A_1369 = arith.constant 0 : index
    %get3A_1370 = arith.constant 3 : index
    %get3A_1371 = vector.load %arg3[%get3A_1369, %get3A_1370] : memref<2048x4xf32, #tpu.memory_space<vmem>>, vector<256x1xf32>
    %sub3A_1372 = arith.subf %get3A_1368, %get3A_1362 : vector<256x1xf32>
    %sub3A_1373 = arith.subf %get3A_1371, %get3A_1365 : vector<256x1xf32>
    %mul3A_1374 = arith.mulf %sub3A_1372, %sub3A_1373 : vector<256x1xf32>
    %sub3A_1375 = arith.subf %get3A_1354, %get3A_1348 : vector<1x256xf32>
    %sub3A_1376 = arith.subf %get3A_1357, %get3A_1351 : vector<1x256xf32>
    %mul3A_1377 = arith.mulf %sub3A_1375, %sub3A_1376 : vector<1x256xf32>
    %min3A_1378 = vector.broadcast %get3A_1368 : vector<256x1xf32> to vector<256x256xf32>
    %min3A_1379 = vector.broadcast %get3A_1354 : vector<1x256xf32> to vector<256x256xf32>
    %min3A_1380 = arith.minimumf %min3A_1378, %min3A_1379 : vector<256x256xf32>
    %max3A_1381 = vector.broadcast %get3A_1362 : vector<256x1xf32> to vector<256x256xf32>
    %max3A_1382 = vector.broadcast %get3A_1348 : vector<1x256xf32> to vector<256x256xf32>
    %max3A_1383 = arith.maximumf %max3A_1381, %max3A_1382 : vector<256x256xf32>
    %sub3A_1384 = arith.subf %min3A_1380, %max3A_1383 : vector<256x256xf32>
    %jit3A_1385 = arith.constant 0.000000e+00 : f32
    %max3A_1386 = vector.broadcast %jit3A_1385 : f32 to vector<256x256xf32>
    %max3A_1387 = arith.maximumf %max3A_1386, %sub3A_1384 : vector<256x256xf32>
    %min3A_1388 = vector.broadcast %get3A_1371 : vector<256x1xf32> to vector<256x256xf32>
    %min3A_1389 = vector.broadcast %get3A_1357 : vector<1x256xf32> to vector<256x256xf32>
    %min3A_1390 = arith.minimumf %min3A_1388, %min3A_1389 : vector<256x256xf32>
    %max3A_1391 = vector.broadcast %get3A_1365 : vector<256x1xf32> to vector<256x256xf32>
    %max3A_1392 = vector.broadcast %get3A_1351 : vector<1x256xf32> to vector<256x256xf32>
    %max3A_1393 = arith.maximumf %max3A_1391, %max3A_1392 : vector<256x256xf32>
    %sub3A_1394 = arith.subf %min3A_1390, %max3A_1393 : vector<256x256xf32>
    %jit3A_1395 = arith.constant 0.000000e+00 : f32
    %max3A_1396 = vector.broadcast %jit3A_1395 : f32 to vector<256x256xf32>
    %max3A_1397 = arith.maximumf %max3A_1396, %sub3A_1394 : vector<256x256xf32>
    %mul3A_1398 = arith.mulf %max3A_1387, %max3A_1397 : vector<256x256xf32>
    %add3A_1399 = vector.broadcast %mul3A_1374 : vector<256x1xf32> to vector<256x256xf32>
    %add3A_1400 = vector.broadcast %mul3A_1377 : vector<1x256xf32> to vector<256x256xf32>
    %add3A_1401 = arith.addf %add3A_1399, %add3A_1400 : vector<256x256xf32>
    %sub3A_1402 = arith.subf %add3A_1401, %mul3A_1398 : vector<256x256xf32>
    %max3A_1403 = arith.constant 9.99999971E-10 : f32
    %max3A_1404 = vector.broadcast %max3A_1403 : f32 to vector<256x256xf32>
    %max3A_1405 = arith.maximumf %sub3A_1402, %max3A_1404 : vector<256x256xf32>
    %div3A_1406 = arith.divf %mul3A_1398, %max3A_1405 : vector<256x256xf32>
    %gt3A_1407 = arith.constant 0.699999988 : f32
    %gt3A_1408 = vector.broadcast %gt3A_1407 : f32 to vector<256x256xf32>
    %gt3A_1409 = arith.cmpf ogt, %div3A_1406, %gt3A_1408 : vector<256x256xf32>
    %convert_element_type3A_1410 = arith.extui %gt3A_1409 : vector<256x256xi1> to vector<256x256xi32>
    %convert_element_type3A_1411 = arith.sitofp %convert_element_type3A_1410 : vector<256x256xi32> to vector<256x256xf32>
    %convert_element_type3A_1412 = arith.truncf %convert_element_type3A_1411 : vector<256x256xf32> to vector<256x256xbf16>
    %convert_element_type3A_1413 = arith.truncf %while3A_86#0 : vector<1x256xf32> to vector<1x256xbf16>
    %dot_general3A_1414 = arith.constant dense<0.000000e+00> : vector<1x256xf32>
    %dot_general3A_1415 = tpu.matmul %convert_element_type3A_1413, %convert_element_type3A_1412, %dot_general3A_1414 {dimension_numbers = #tpu.dot_dimension_numbers<[1], [0], [0], [1], [0, 0, 1, 1], [], []>, transpose_lhs_hint = false} : vector<1x256xbf16>, vector<256x256xbf16>, vector<1x256xf32> -> vector<1x256xf32>
    %add3A_1416 = arith.addf %broadcast_in_dim3A_1359, %dot_general3A_1415 : vector<1x256xf32>
    %get3A_1417 = arith.constant 256 : index
    %get3A_1418 = arith.constant 0 : index
    %get3A_1419 = vector.load %arg3[%get3A_1417, %get3A_1418] : memref<2048x4xf32, #tpu.memory_space<vmem>>, vector<256x1xf32>
    %get3A_1420 = arith.constant 256 : index
    %get3A_1421 = arith.constant 1 : index
    %get3A_1422 = vector.load %arg3[%get3A_1420, %get3A_1421] : memref<2048x4xf32, #tpu.memory_space<vmem>>, vector<256x1xf32>
    %get3A_1423 = arith.constant 256 : index
    %get3A_1424 = arith.constant 2 : index
    %get3A_1425 = vector.load %arg3[%get3A_1423, %get3A_1424] : memref<2048x4xf32, #tpu.memory_space<vmem>>, vector<256x1xf32>
    %get3A_1426 = arith.constant 256 : index
    %get3A_1427 = arith.constant 3 : index
    %get3A_1428 = vector.load %arg3[%get3A_1426, %get3A_1427] : memref<2048x4xf32, #tpu.memory_space<vmem>>, vector<256x1xf32>
    %sub3A_1429 = arith.subf %get3A_1425, %get3A_1419 : vector<256x1xf32>
    %sub3A_1430 = arith.subf %get3A_1428, %get3A_1422 : vector<256x1xf32>
    %mul3A_1431 = arith.mulf %sub3A_1429, %sub3A_1430 : vector<256x1xf32>
    %sub3A_1432 = arith.subf %get3A_1354, %get3A_1348 : vector<1x256xf32>
    %sub3A_1433 = arith.subf %get3A_1357, %get3A_1351 : vector<1x256xf32>
    %mul3A_1434 = arith.mulf %sub3A_1432, %sub3A_1433 : vector<1x256xf32>
    %min3A_1435 = vector.broadcast %get3A_1425 : vector<256x1xf32> to vector<256x256xf32>
    %min3A_1436 = vector.broadcast %get3A_1354 : vector<1x256xf32> to vector<256x256xf32>
    %min3A_1437 = arith.minimumf %min3A_1435, %min3A_1436 : vector<256x256xf32>
    %max3A_1438 = vector.broadcast %get3A_1419 : vector<256x1xf32> to vector<256x256xf32>
    %max3A_1439 = vector.broadcast %get3A_1348 : vector<1x256xf32> to vector<256x256xf32>
    %max3A_1440 = arith.maximumf %max3A_1438, %max3A_1439 : vector<256x256xf32>
    %sub3A_1441 = arith.subf %min3A_1437, %max3A_1440 : vector<256x256xf32>
    %jit3A_1442 = arith.constant 0.000000e+00 : f32
    %max3A_1443 = vector.broadcast %jit3A_1442 : f32 to vector<256x256xf32>
    %max3A_1444 = arith.maximumf %max3A_1443, %sub3A_1441 : vector<256x256xf32>
    %min3A_1445 = vector.broadcast %get3A_1428 : vector<256x1xf32> to vector<256x256xf32>
    %min3A_1446 = vector.broadcast %get3A_1357 : vector<1x256xf32> to vector<256x256xf32>
    %min3A_1447 = arith.minimumf %min3A_1445, %min3A_1446 : vector<256x256xf32>
    %max3A_1448 = vector.broadcast %get3A_1422 : vector<256x1xf32> to vector<256x256xf32>
    %max3A_1449 = vector.broadcast %get3A_1351 : vector<1x256xf32> to vector<256x256xf32>
    %max3A_1450 = arith.maximumf %max3A_1448, %max3A_1449 : vector<256x256xf32>
    %sub3A_1451 = arith.subf %min3A_1447, %max3A_1450 : vector<256x256xf32>
    %jit3A_1452 = arith.constant 0.000000e+00 : f32
    %max3A_1453 = vector.broadcast %jit3A_1452 : f32 to vector<256x256xf32>
    %max3A_1454 = arith.maximumf %max3A_1453, %sub3A_1451 : vector<256x256xf32>
    %mul3A_1455 = arith.mulf %max3A_1444, %max3A_1454 : vector<256x256xf32>
    %add3A_1456 = vector.broadcast %mul3A_1431 : vector<256x1xf32> to vector<256x256xf32>
    %add3A_1457 = vector.broadcast %mul3A_1434 : vector<1x256xf32> to vector<256x256xf32>
    %add3A_1458 = arith.addf %add3A_1456, %add3A_1457 : vector<256x256xf32>
    %sub3A_1459 = arith.subf %add3A_1458, %mul3A_1455 : vector<256x256xf32>
    %max3A_1460 = arith.constant 9.99999971E-10 : f32
    %max3A_1461 = vector.broadcast %max3A_1460 : f32 to vector<256x256xf32>
    %max3A_1462 = arith.maximumf %sub3A_1459, %max3A_1461 : vector<256x256xf32>
    %div3A_1463 = arith.divf %mul3A_1455, %max3A_1462 : vector<256x256xf32>
    %gt3A_1464 = arith.constant 0.699999988 : f32
    %gt3A_1465 = vector.broadcast %gt3A_1464 : f32 to vector<256x256xf32>
    %gt3A_1466 = arith.cmpf ogt, %div3A_1463, %gt3A_1465 : vector<256x256xf32>
    %convert_element_type3A_1467 = arith.extui %gt3A_1466 : vector<256x256xi1> to vector<256x256xi32>
    %convert_element_type3A_1468 = arith.sitofp %convert_element_type3A_1467 : vector<256x256xi32> to vector<256x256xf32>
    %convert_element_type3A_1469 = arith.truncf %convert_element_type3A_1468 : vector<256x256xf32> to vector<256x256xbf16>
    %convert_element_type3A_1470 = arith.truncf %while3A_223#0 : vector<1x256xf32> to vector<1x256xbf16>
    %dot_general3A_1471 = arith.constant dense<0.000000e+00> : vector<1x256xf32>
    %dot_general3A_1472 = tpu.matmul %convert_element_type3A_1470, %convert_element_type3A_1469, %dot_general3A_1471 {dimension_numbers = #tpu.dot_dimension_numbers<[1], [0], [0], [1], [0, 0, 1, 1], [], []>, transpose_lhs_hint = false} : vector<1x256xbf16>, vector<256x256xbf16>, vector<1x256xf32> -> vector<1x256xf32>
    %add3A_1473 = arith.addf %add3A_1416, %dot_general3A_1472 : vector<1x256xf32>
    %get3A_1474 = arith.constant 512 : index
    %get3A_1475 = arith.constant 0 : index
    %get3A_1476 = vector.load %arg3[%get3A_1474, %get3A_1475] : memref<2048x4xf32, #tpu.memory_space<vmem>>, vector<256x1xf32>
    %get3A_1477 = arith.constant 512 : index
    %get3A_1478 = arith.constant 1 : index
    %get3A_1479 = vector.load %arg3[%get3A_1477, %get3A_1478] : memref<2048x4xf32, #tpu.memory_space<vmem>>, vector<256x1xf32>
    %get3A_1480 = arith.constant 512 : index
    %get3A_1481 = arith.constant 2 : index
    %get3A_1482 = vector.load %arg3[%get3A_1480, %get3A_1481] : memref<2048x4xf32, #tpu.memory_space<vmem>>, vector<256x1xf32>
    %get3A_1483 = arith.constant 512 : index
    %get3A_1484 = arith.constant 3 : index
    %get3A_1485 = vector.load %arg3[%get3A_1483, %get3A_1484] : memref<2048x4xf32, #tpu.memory_space<vmem>>, vector<256x1xf32>
    %sub3A_1486 = arith.subf %get3A_1482, %get3A_1476 : vector<256x1xf32>
    %sub3A_1487 = arith.subf %get3A_1485, %get3A_1479 : vector<256x1xf32>
    %mul3A_1488 = arith.mulf %sub3A_1486, %sub3A_1487 : vector<256x1xf32>
    %sub3A_1489 = arith.subf %get3A_1354, %get3A_1348 : vector<1x256xf32>
    %sub3A_1490 = arith.subf %get3A_1357, %get3A_1351 : vector<1x256xf32>
    %mul3A_1491 = arith.mulf %sub3A_1489, %sub3A_1490 : vector<1x256xf32>
    %min3A_1492 = vector.broadcast %get3A_1482 : vector<256x1xf32> to vector<256x256xf32>
    %min3A_1493 = vector.broadcast %get3A_1354 : vector<1x256xf32> to vector<256x256xf32>
    %min3A_1494 = arith.minimumf %min3A_1492, %min3A_1493 : vector<256x256xf32>
    %max3A_1495 = vector.broadcast %get3A_1476 : vector<256x1xf32> to vector<256x256xf32>
    %max3A_1496 = vector.broadcast %get3A_1348 : vector<1x256xf32> to vector<256x256xf32>
    %max3A_1497 = arith.maximumf %max3A_1495, %max3A_1496 : vector<256x256xf32>
    %sub3A_1498 = arith.subf %min3A_1494, %max3A_1497 : vector<256x256xf32>
    %jit3A_1499 = arith.constant 0.000000e+00 : f32
    %max3A_1500 = vector.broadcast %jit3A_1499 : f32 to vector<256x256xf32>
    %max3A_1501 = arith.maximumf %max3A_1500, %sub3A_1498 : vector<256x256xf32>
    %min3A_1502 = vector.broadcast %get3A_1485 : vector<256x1xf32> to vector<256x256xf32>
    %min3A_1503 = vector.broadcast %get3A_1357 : vector<1x256xf32> to vector<256x256xf32>
    %min3A_1504 = arith.minimumf %min3A_1502, %min3A_1503 : vector<256x256xf32>
    %max3A_1505 = vector.broadcast %get3A_1479 : vector<256x1xf32> to vector<256x256xf32>
    %max3A_1506 = vector.broadcast %get3A_1351 : vector<1x256xf32> to vector<256x256xf32>
    %max3A_1507 = arith.maximumf %max3A_1505, %max3A_1506 : vector<256x256xf32>
    %sub3A_1508 = arith.subf %min3A_1504, %max3A_1507 : vector<256x256xf32>
    %jit3A_1509 = arith.constant 0.000000e+00 : f32
    %max3A_1510 = vector.broadcast %jit3A_1509 : f32 to vector<256x256xf32>
    %max3A_1511 = arith.maximumf %max3A_1510, %sub3A_1508 : vector<256x256xf32>
    %mul3A_1512 = arith.mulf %max3A_1501, %max3A_1511 : vector<256x256xf32>
    %add3A_1513 = vector.broadcast %mul3A_1488 : vector<256x1xf32> to vector<256x256xf32>
    %add3A_1514 = vector.broadcast %mul3A_1491 : vector<1x256xf32> to vector<256x256xf32>
    %add3A_1515 = arith.addf %add3A_1513, %add3A_1514 : vector<256x256xf32>
    %sub3A_1516 = arith.subf %add3A_1515, %mul3A_1512 : vector<256x256xf32>
    %max3A_1517 = arith.constant 9.99999971E-10 : f32
    %max3A_1518 = vector.broadcast %max3A_1517 : f32 to vector<256x256xf32>
    %max3A_1519 = arith.maximumf %sub3A_1516, %max3A_1518 : vector<256x256xf32>
    %div3A_1520 = arith.divf %mul3A_1512, %max3A_1519 : vector<256x256xf32>
    %gt3A_1521 = arith.constant 0.699999988 : f32
    %gt3A_1522 = vector.broadcast %gt3A_1521 : f32 to vector<256x256xf32>
    %gt3A_1523 = arith.cmpf ogt, %div3A_1520, %gt3A_1522 : vector<256x256xf32>
    %convert_element_type3A_1524 = arith.extui %gt3A_1523 : vector<256x256xi1> to vector<256x256xi32>
    %convert_element_type3A_1525 = arith.sitofp %convert_element_type3A_1524 : vector<256x256xi32> to vector<256x256xf32>
    %convert_element_type3A_1526 = arith.truncf %convert_element_type3A_1525 : vector<256x256xf32> to vector<256x256xbf16>
    %convert_element_type3A_1527 = arith.truncf %while3A_418#0 : vector<1x256xf32> to vector<1x256xbf16>
    %dot_general3A_1528 = arith.constant dense<0.000000e+00> : vector<1x256xf32>
    %dot_general3A_1529 = tpu.matmul %convert_element_type3A_1527, %convert_element_type3A_1526, %dot_general3A_1528 {dimension_numbers = #tpu.dot_dimension_numbers<[1], [0], [0], [1], [0, 0, 1, 1], [], []>, transpose_lhs_hint = false} : vector<1x256xbf16>, vector<256x256xbf16>, vector<1x256xf32> -> vector<1x256xf32>
    %add3A_1530 = arith.addf %add3A_1473, %dot_general3A_1529 : vector<1x256xf32>
    %get3A_1531 = arith.constant 768 : index
    %get3A_1532 = arith.constant 0 : index
    %get3A_1533 = vector.load %arg3[%get3A_1531, %get3A_1532] : memref<2048x4xf32, #tpu.memory_space<vmem>>, vector<256x1xf32>
    %get3A_1534 = arith.constant 768 : index
    %get3A_1535 = arith.constant 1 : index
    %get3A_1536 = vector.load %arg3[%get3A_1534, %get3A_1535] : memref<2048x4xf32, #tpu.memory_space<vmem>>, vector<256x1xf32>
    %get3A_1537 = arith.constant 768 : index
    %get3A_1538 = arith.constant 2 : index
    %get3A_1539 = vector.load %arg3[%get3A_1537, %get3A_1538] : memref<2048x4xf32, #tpu.memory_space<vmem>>, vector<256x1xf32>
    %get3A_1540 = arith.constant 768 : index
    %get3A_1541 = arith.constant 3 : index
    %get3A_1542 = vector.load %arg3[%get3A_1540, %get3A_1541] : memref<2048x4xf32, #tpu.memory_space<vmem>>, vector<256x1xf32>
    %sub3A_1543 = arith.subf %get3A_1539, %get3A_1533 : vector<256x1xf32>
    %sub3A_1544 = arith.subf %get3A_1542, %get3A_1536 : vector<256x1xf32>
    %mul3A_1545 = arith.mulf %sub3A_1543, %sub3A_1544 : vector<256x1xf32>
    %sub3A_1546 = arith.subf %get3A_1354, %get3A_1348 : vector<1x256xf32>
    %sub3A_1547 = arith.subf %get3A_1357, %get3A_1351 : vector<1x256xf32>
    %mul3A_1548 = arith.mulf %sub3A_1546, %sub3A_1547 : vector<1x256xf32>
    %min3A_1549 = vector.broadcast %get3A_1539 : vector<256x1xf32> to vector<256x256xf32>
    %min3A_1550 = vector.broadcast %get3A_1354 : vector<1x256xf32> to vector<256x256xf32>
    %min3A_1551 = arith.minimumf %min3A_1549, %min3A_1550 : vector<256x256xf32>
    %max3A_1552 = vector.broadcast %get3A_1533 : vector<256x1xf32> to vector<256x256xf32>
    %max3A_1553 = vector.broadcast %get3A_1348 : vector<1x256xf32> to vector<256x256xf32>
    %max3A_1554 = arith.maximumf %max3A_1552, %max3A_1553 : vector<256x256xf32>
    %sub3A_1555 = arith.subf %min3A_1551, %max3A_1554 : vector<256x256xf32>
    %jit3A_1556 = arith.constant 0.000000e+00 : f32
    %max3A_1557 = vector.broadcast %jit3A_1556 : f32 to vector<256x256xf32>
    %max3A_1558 = arith.maximumf %max3A_1557, %sub3A_1555 : vector<256x256xf32>
    %min3A_1559 = vector.broadcast %get3A_1542 : vector<256x1xf32> to vector<256x256xf32>
    %min3A_1560 = vector.broadcast %get3A_1357 : vector<1x256xf32> to vector<256x256xf32>
    %min3A_1561 = arith.minimumf %min3A_1559, %min3A_1560 : vector<256x256xf32>
    %max3A_1562 = vector.broadcast %get3A_1536 : vector<256x1xf32> to vector<256x256xf32>
    %max3A_1563 = vector.broadcast %get3A_1351 : vector<1x256xf32> to vector<256x256xf32>
    %max3A_1564 = arith.maximumf %max3A_1562, %max3A_1563 : vector<256x256xf32>
    %sub3A_1565 = arith.subf %min3A_1561, %max3A_1564 : vector<256x256xf32>
    %jit3A_1566 = arith.constant 0.000000e+00 : f32
    %max3A_1567 = vector.broadcast %jit3A_1566 : f32 to vector<256x256xf32>
    %max3A_1568 = arith.maximumf %max3A_1567, %sub3A_1565 : vector<256x256xf32>
    %mul3A_1569 = arith.mulf %max3A_1558, %max3A_1568 : vector<256x256xf32>
    %add3A_1570 = vector.broadcast %mul3A_1545 : vector<256x1xf32> to vector<256x256xf32>
    %add3A_1571 = vector.broadcast %mul3A_1548 : vector<1x256xf32> to vector<256x256xf32>
    %add3A_1572 = arith.addf %add3A_1570, %add3A_1571 : vector<256x256xf32>
    %sub3A_1573 = arith.subf %add3A_1572, %mul3A_1569 : vector<256x256xf32>
    %max3A_1574 = arith.constant 9.99999971E-10 : f32
    %max3A_1575 = vector.broadcast %max3A_1574 : f32 to vector<256x256xf32>
    %max3A_1576 = arith.maximumf %sub3A_1573, %max3A_1575 : vector<256x256xf32>
    %div3A_1577 = arith.divf %mul3A_1569, %max3A_1576 : vector<256x256xf32>
    %gt3A_1578 = arith.constant 0.699999988 : f32
    %gt3A_1579 = vector.broadcast %gt3A_1578 : f32 to vector<256x256xf32>
    %gt3A_1580 = arith.cmpf ogt, %div3A_1577, %gt3A_1579 : vector<256x256xf32>
    %convert_element_type3A_1581 = arith.extui %gt3A_1580 : vector<256x256xi1> to vector<256x256xi32>
    %convert_element_type3A_1582 = arith.sitofp %convert_element_type3A_1581 : vector<256x256xi32> to vector<256x256xf32>
    %convert_element_type3A_1583 = arith.truncf %convert_element_type3A_1582 : vector<256x256xf32> to vector<256x256xbf16>
    %convert_element_type3A_1584 = arith.truncf %while3A_670#0 : vector<1x256xf32> to vector<1x256xbf16>
    %dot_general3A_1585 = arith.constant dense<0.000000e+00> : vector<1x256xf32>
    %dot_general3A_1586 = tpu.matmul %convert_element_type3A_1584, %convert_element_type3A_1583, %dot_general3A_1585 {dimension_numbers = #tpu.dot_dimension_numbers<[1], [0], [0], [1], [0, 0, 1, 1], [], []>, transpose_lhs_hint = false} : vector<1x256xbf16>, vector<256x256xbf16>, vector<1x256xf32> -> vector<1x256xf32>
    %add3A_1587 = arith.addf %add3A_1530, %dot_general3A_1586 : vector<1x256xf32>
    %get3A_1588 = arith.constant 1024 : index
    %get3A_1589 = arith.constant 0 : index
    %get3A_1590 = vector.load %arg3[%get3A_1588, %get3A_1589] : memref<2048x4xf32, #tpu.memory_space<vmem>>, vector<256x1xf32>
    %get3A_1591 = arith.constant 1024 : index
    %get3A_1592 = arith.constant 1 : index
    %get3A_1593 = vector.load %arg3[%get3A_1591, %get3A_1592] : memref<2048x4xf32, #tpu.memory_space<vmem>>, vector<256x1xf32>
    %get3A_1594 = arith.constant 1024 : index
    %get3A_1595 = arith.constant 2 : index
    %get3A_1596 = vector.load %arg3[%get3A_1594, %get3A_1595] : memref<2048x4xf32, #tpu.memory_space<vmem>>, vector<256x1xf32>
    %get3A_1597 = arith.constant 1024 : index
    %get3A_1598 = arith.constant 3 : index
    %get3A_1599 = vector.load %arg3[%get3A_1597, %get3A_1598] : memref<2048x4xf32, #tpu.memory_space<vmem>>, vector<256x1xf32>
    %sub3A_1600 = arith.subf %get3A_1596, %get3A_1590 : vector<256x1xf32>
    %sub3A_1601 = arith.subf %get3A_1599, %get3A_1593 : vector<256x1xf32>
    %mul3A_1602 = arith.mulf %sub3A_1600, %sub3A_1601 : vector<256x1xf32>
    %sub3A_1603 = arith.subf %get3A_1354, %get3A_1348 : vector<1x256xf32>
    %sub3A_1604 = arith.subf %get3A_1357, %get3A_1351 : vector<1x256xf32>
    %mul3A_1605 = arith.mulf %sub3A_1603, %sub3A_1604 : vector<1x256xf32>
    %min3A_1606 = vector.broadcast %get3A_1596 : vector<256x1xf32> to vector<256x256xf32>
    %min3A_1607 = vector.broadcast %get3A_1354 : vector<1x256xf32> to vector<256x256xf32>
    %min3A_1608 = arith.minimumf %min3A_1606, %min3A_1607 : vector<256x256xf32>
    %max3A_1609 = vector.broadcast %get3A_1590 : vector<256x1xf32> to vector<256x256xf32>
    %max3A_1610 = vector.broadcast %get3A_1348 : vector<1x256xf32> to vector<256x256xf32>
    %max3A_1611 = arith.maximumf %max3A_1609, %max3A_1610 : vector<256x256xf32>
    %sub3A_1612 = arith.subf %min3A_1608, %max3A_1611 : vector<256x256xf32>
    %jit3A_1613 = arith.constant 0.000000e+00 : f32
    %max3A_1614 = vector.broadcast %jit3A_1613 : f32 to vector<256x256xf32>
    %max3A_1615 = arith.maximumf %max3A_1614, %sub3A_1612 : vector<256x256xf32>
    %min3A_1616 = vector.broadcast %get3A_1599 : vector<256x1xf32> to vector<256x256xf32>
    %min3A_1617 = vector.broadcast %get3A_1357 : vector<1x256xf32> to vector<256x256xf32>
    %min3A_1618 = arith.minimumf %min3A_1616, %min3A_1617 : vector<256x256xf32>
    %max3A_1619 = vector.broadcast %get3A_1593 : vector<256x1xf32> to vector<256x256xf32>
    %max3A_1620 = vector.broadcast %get3A_1351 : vector<1x256xf32> to vector<256x256xf32>
    %max3A_1621 = arith.maximumf %max3A_1619, %max3A_1620 : vector<256x256xf32>
    %sub3A_1622 = arith.subf %min3A_1618, %max3A_1621 : vector<256x256xf32>
    %jit3A_1623 = arith.constant 0.000000e+00 : f32
    %max3A_1624 = vector.broadcast %jit3A_1623 : f32 to vector<256x256xf32>
    %max3A_1625 = arith.maximumf %max3A_1624, %sub3A_1622 : vector<256x256xf32>
    %mul3A_1626 = arith.mulf %max3A_1615, %max3A_1625 : vector<256x256xf32>
    %add3A_1627 = vector.broadcast %mul3A_1602 : vector<256x1xf32> to vector<256x256xf32>
    %add3A_1628 = vector.broadcast %mul3A_1605 : vector<1x256xf32> to vector<256x256xf32>
    %add3A_1629 = arith.addf %add3A_1627, %add3A_1628 : vector<256x256xf32>
    %sub3A_1630 = arith.subf %add3A_1629, %mul3A_1626 : vector<256x256xf32>
    %max3A_1631 = arith.constant 9.99999971E-10 : f32
    %max3A_1632 = vector.broadcast %max3A_1631 : f32 to vector<256x256xf32>
    %max3A_1633 = arith.maximumf %sub3A_1630, %max3A_1632 : vector<256x256xf32>
    %div3A_1634 = arith.divf %mul3A_1626, %max3A_1633 : vector<256x256xf32>
    %gt3A_1635 = arith.constant 0.699999988 : f32
    %gt3A_1636 = vector.broadcast %gt3A_1635 : f32 to vector<256x256xf32>
    %gt3A_1637 = arith.cmpf ogt, %div3A_1634, %gt3A_1636 : vector<256x256xf32>
    %convert_element_type3A_1638 = arith.extui %gt3A_1637 : vector<256x256xi1> to vector<256x256xi32>
    %convert_element_type3A_1639 = arith.sitofp %convert_element_type3A_1638 : vector<256x256xi32> to vector<256x256xf32>
    %convert_element_type3A_1640 = arith.truncf %convert_element_type3A_1639 : vector<256x256xf32> to vector<256x256xbf16>
    %convert_element_type3A_1641 = arith.truncf %while3A_979#0 : vector<1x256xf32> to vector<1x256xbf16>
    %dot_general3A_1642 = arith.constant dense<0.000000e+00> : vector<1x256xf32>
    %dot_general3A_1643 = tpu.matmul %convert_element_type3A_1641, %convert_element_type3A_1640, %dot_general3A_1642 {dimension_numbers = #tpu.dot_dimension_numbers<[1], [0], [0], [1], [0, 0, 1, 1], [], []>, transpose_lhs_hint = false} : vector<1x256xbf16>, vector<256x256xbf16>, vector<1x256xf32> -> vector<1x256xf32>
    %add3A_1644 = arith.addf %add3A_1587, %dot_general3A_1643 : vector<1x256xf32>
    %get3A_1645 = arith.constant 1280 : index
    %get3A_1646 = arith.constant 0 : index
    %get3A_1647 = vector.load %arg3[%get3A_1645, %get3A_1646] : memref<2048x4xf32, #tpu.memory_space<vmem>>, vector<256x1xf32>
    %get3A_1648 = arith.constant 1280 : index
    %get3A_1649 = arith.constant 1 : index
    %get3A_1650 = vector.load %arg3[%get3A_1648, %get3A_1649] : memref<2048x4xf32, #tpu.memory_space<vmem>>, vector<256x1xf32>
    %get3A_1651 = arith.constant 1280 : index
    %get3A_1652 = arith.constant 2 : index
    %get3A_1653 = vector.load %arg3[%get3A_1651, %get3A_1652] : memref<2048x4xf32, #tpu.memory_space<vmem>>, vector<256x1xf32>
    %get3A_1654 = arith.constant 1280 : index
    %get3A_1655 = arith.constant 3 : index
    %get3A_1656 = vector.load %arg3[%get3A_1654, %get3A_1655] : memref<2048x4xf32, #tpu.memory_space<vmem>>, vector<256x1xf32>
    %sub3A_1657 = arith.subf %get3A_1653, %get3A_1647 : vector<256x1xf32>
    %sub3A_1658 = arith.subf %get3A_1656, %get3A_1650 : vector<256x1xf32>
    %mul3A_1659 = arith.mulf %sub3A_1657, %sub3A_1658 : vector<256x1xf32>
    %sub3A_1660 = arith.subf %get3A_1354, %get3A_1348 : vector<1x256xf32>
    %sub3A_1661 = arith.subf %get3A_1357, %get3A_1351 : vector<1x256xf32>
    %mul3A_1662 = arith.mulf %sub3A_1660, %sub3A_1661 : vector<1x256xf32>
    %min3A_1663 = vector.broadcast %get3A_1653 : vector<256x1xf32> to vector<256x256xf32>
    %min3A_1664 = vector.broadcast %get3A_1354 : vector<1x256xf32> to vector<256x256xf32>
    %min3A_1665 = arith.minimumf %min3A_1663, %min3A_1664 : vector<256x256xf32>
    %max3A_1666 = vector.broadcast %get3A_1647 : vector<256x1xf32> to vector<256x256xf32>
    %max3A_1667 = vector.broadcast %get3A_1348 : vector<1x256xf32> to vector<256x256xf32>
    %max3A_1668 = arith.maximumf %max3A_1666, %max3A_1667 : vector<256x256xf32>
    %sub3A_1669 = arith.subf %min3A_1665, %max3A_1668 : vector<256x256xf32>
    %jit3A_1670 = arith.constant 0.000000e+00 : f32
    %max3A_1671 = vector.broadcast %jit3A_1670 : f32 to vector<256x256xf32>
    %max3A_1672 = arith.maximumf %max3A_1671, %sub3A_1669 : vector<256x256xf32>
    %min3A_1673 = vector.broadcast %get3A_1656 : vector<256x1xf32> to vector<256x256xf32>
    %min3A_1674 = vector.broadcast %get3A_1357 : vector<1x256xf32> to vector<256x256xf32>
    %min3A_1675 = arith.minimumf %min3A_1673, %min3A_1674 : vector<256x256xf32>
    %max3A_1676 = vector.broadcast %get3A_1650 : vector<256x1xf32> to vector<256x256xf32>
    %max3A_1677 = vector.broadcast %get3A_1351 : vector<1x256xf32> to vector<256x256xf32>
    %max3A_1678 = arith.maximumf %max3A_1676, %max3A_1677 : vector<256x256xf32>
    %sub3A_1679 = arith.subf %min3A_1675, %max3A_1678 : vector<256x256xf32>
    %jit3A_1680 = arith.constant 0.000000e+00 : f32
    %max3A_1681 = vector.broadcast %jit3A_1680 : f32 to vector<256x256xf32>
    %max3A_1682 = arith.maximumf %max3A_1681, %sub3A_1679 : vector<256x256xf32>
    %mul3A_1683 = arith.mulf %max3A_1672, %max3A_1682 : vector<256x256xf32>
    %add3A_1684 = vector.broadcast %mul3A_1659 : vector<256x1xf32> to vector<256x256xf32>
    %add3A_1685 = vector.broadcast %mul3A_1662 : vector<1x256xf32> to vector<256x256xf32>
    %add3A_1686 = arith.addf %add3A_1684, %add3A_1685 : vector<256x256xf32>
    %sub3A_1687 = arith.subf %add3A_1686, %mul3A_1683 : vector<256x256xf32>
    %max3A_1688 = arith.constant 9.99999971E-10 : f32
    %max3A_1689 = vector.broadcast %max3A_1688 : f32 to vector<256x256xf32>
    %max3A_1690 = arith.maximumf %sub3A_1687, %max3A_1689 : vector<256x256xf32>
    %div3A_1691 = arith.divf %mul3A_1683, %max3A_1690 : vector<256x256xf32>
    %gt3A_1692 = arith.constant 0.699999988 : f32
    %gt3A_1693 = vector.broadcast %gt3A_1692 : f32 to vector<256x256xf32>
    %gt3A_1694 = arith.cmpf ogt, %div3A_1691, %gt3A_1693 : vector<256x256xf32>
    %convert_element_type3A_1695 = arith.extui %gt3A_1694 : vector<256x256xi1> to vector<256x256xi32>
    %convert_element_type3A_1696 = arith.sitofp %convert_element_type3A_1695 : vector<256x256xi32> to vector<256x256xf32>
    %convert_element_type3A_1697 = arith.truncf %convert_element_type3A_1696 : vector<256x256xf32> to vector<256x256xbf16>
    %convert_element_type3A_1698 = arith.truncf %while3A_1345#0 : vector<1x256xf32> to vector<1x256xbf16>
    %dot_general3A_1699 = arith.constant dense<0.000000e+00> : vector<1x256xf32>
    %dot_general3A_1700 = tpu.matmul %convert_element_type3A_1698, %convert_element_type3A_1697, %dot_general3A_1699 {dimension_numbers = #tpu.dot_dimension_numbers<[1], [0], [0], [1], [0, 0, 1, 1], [], []>, transpose_lhs_hint = false} : vector<1x256xbf16>, vector<256x256xbf16>, vector<1x256xf32> -> vector<1x256xf32>
    %add3A_1701 = arith.addf %add3A_1644, %dot_general3A_1700 : vector<1x256xf32>
    %get3A_1702 = arith.constant 1536 : index
    %get3A_1703 = arith.constant 0 : index
    %get3A_1704 = vector.load %arg3[%get3A_1702, %get3A_1703] : memref<2048x4xf32, #tpu.memory_space<vmem>>, vector<256x1xf32>
    %get3A_1705 = arith.constant 1536 : index
    %get3A_1706 = arith.constant 1 : index
    %get3A_1707 = vector.load %arg3[%get3A_1705, %get3A_1706] : memref<2048x4xf32, #tpu.memory_space<vmem>>, vector<256x1xf32>
    %get3A_1708 = arith.constant 1536 : index
    %get3A_1709 = arith.constant 2 : index
    %get3A_1710 = vector.load %arg3[%get3A_1708, %get3A_1709] : memref<2048x4xf32, #tpu.memory_space<vmem>>, vector<256x1xf32>
    %get3A_1711 = arith.constant 1536 : index
    %get3A_1712 = arith.constant 3 : index
    %get3A_1713 = vector.load %arg3[%get3A_1711, %get3A_1712] : memref<2048x4xf32, #tpu.memory_space<vmem>>, vector<256x1xf32>
    %sub3A_1714 = arith.subf %get3A_1710, %get3A_1704 : vector<256x1xf32>
    %sub3A_1715 = arith.subf %get3A_1713, %get3A_1707 : vector<256x1xf32>
    %mul3A_1716 = arith.mulf %sub3A_1714, %sub3A_1715 : vector<256x1xf32>
    %sub3A_1717 = arith.subf %get3A_1354, %get3A_1348 : vector<1x256xf32>
    %sub3A_1718 = arith.subf %get3A_1357, %get3A_1351 : vector<1x256xf32>
    %mul3A_1719 = arith.mulf %sub3A_1717, %sub3A_1718 : vector<1x256xf32>
    %min3A_1720 = vector.broadcast %get3A_1710 : vector<256x1xf32> to vector<256x256xf32>
    %min3A_1721 = vector.broadcast %get3A_1354 : vector<1x256xf32> to vector<256x256xf32>
    %min3A_1722 = arith.minimumf %min3A_1720, %min3A_1721 : vector<256x256xf32>
    %max3A_1723 = vector.broadcast %get3A_1704 : vector<256x1xf32> to vector<256x256xf32>
    %max3A_1724 = vector.broadcast %get3A_1348 : vector<1x256xf32> to vector<256x256xf32>
    %max3A_1725 = arith.maximumf %max3A_1723, %max3A_1724 : vector<256x256xf32>
    %sub3A_1726 = arith.subf %min3A_1722, %max3A_1725 : vector<256x256xf32>
    %jit3A_1727 = arith.constant 0.000000e+00 : f32
    %max3A_1728 = vector.broadcast %jit3A_1727 : f32 to vector<256x256xf32>
    %max3A_1729 = arith.maximumf %max3A_1728, %sub3A_1726 : vector<256x256xf32>
    %min3A_1730 = vector.broadcast %get3A_1713 : vector<256x1xf32> to vector<256x256xf32>
    %min3A_1731 = vector.broadcast %get3A_1357 : vector<1x256xf32> to vector<256x256xf32>
    %min3A_1732 = arith.minimumf %min3A_1730, %min3A_1731 : vector<256x256xf32>
    %max3A_1733 = vector.broadcast %get3A_1707 : vector<256x1xf32> to vector<256x256xf32>
    %max3A_1734 = vector.broadcast %get3A_1351 : vector<1x256xf32> to vector<256x256xf32>
    %max3A_1735 = arith.maximumf %max3A_1733, %max3A_1734 : vector<256x256xf32>
    %sub3A_1736 = arith.subf %min3A_1732, %max3A_1735 : vector<256x256xf32>
    %jit3A_1737 = arith.constant 0.000000e+00 : f32
    %max3A_1738 = vector.broadcast %jit3A_1737 : f32 to vector<256x256xf32>
    %max3A_1739 = arith.maximumf %max3A_1738, %sub3A_1736 : vector<256x256xf32>
    %mul3A_1740 = arith.mulf %max3A_1729, %max3A_1739 : vector<256x256xf32>
    %add3A_1741 = vector.broadcast %mul3A_1716 : vector<256x1xf32> to vector<256x256xf32>
    %add3A_1742 = vector.broadcast %mul3A_1719 : vector<1x256xf32> to vector<256x256xf32>
    %add3A_1743 = arith.addf %add3A_1741, %add3A_1742 : vector<256x256xf32>
    %sub3A_1744 = arith.subf %add3A_1743, %mul3A_1740 : vector<256x256xf32>
    %max3A_1745 = arith.constant 9.99999971E-10 : f32
    %max3A_1746 = vector.broadcast %max3A_1745 : f32 to vector<256x256xf32>
    %max3A_1747 = arith.maximumf %sub3A_1744, %max3A_1746 : vector<256x256xf32>
    %div3A_1748 = arith.divf %mul3A_1740, %max3A_1747 : vector<256x256xf32>
    %gt3A_1749 = arith.constant 0.699999988 : f32
    %gt3A_1750 = vector.broadcast %gt3A_1749 : f32 to vector<256x256xf32>
    %gt3A_1751 = arith.cmpf ogt, %div3A_1748, %gt3A_1750 : vector<256x256xf32>
    %gt3A_1752 = arith.constant 5.000000e-01 : f32
    %gt3A_1753 = vector.broadcast %gt3A_1752 : f32 to vector<256x256xf32>
    %gt3A_1754 = arith.cmpf ogt, %convert_element_type3A_15, %gt3A_1753 : vector<256x256xf32>
    %and3A_1755 = arith.andi %gt3A_1751, %gt3A_1754 : vector<256x256xi1>
    %convert_element_type3A_1756 = arith.extui %and3A_1755 : vector<256x256xi1> to vector<256x256xi32>
    %convert_element_type3A_1757 = arith.sitofp %convert_element_type3A_1756 : vector<256x256xi32> to vector<256x256xf32>
    %convert_element_type3A_1758 = arith.truncf %convert_element_type3A_1757 : vector<256x256xf32> to vector<256x256xbf16>
    %swap3A_1759 = arith.constant 0 : index
    %swap3A_1760 = arith.constant 0 : index
    %swap3A_1761 = vector.load %arg5[%swap3A_1759, %swap3A_1760] : memref<256x256xbf16, #tpu.memory_space<vmem>>, vector<256x256xbf16>
    tpu.vector_store %arg5[%swap3A_1759, %swap3A_1760], %convert_element_type3A_1758 {strides = array<i32>} : memref<256x256xbf16, #tpu.memory_space<vmem>>, vector<256x256xbf16>,
    %lt3A_1762 = arith.constant 5.000000e-01 : f32
    %lt3A_1763 = vector.broadcast %lt3A_1762 : f32 to vector<1x256xf32>
    %lt3A_1764 = arith.cmpf olt, %add3A_1701, %lt3A_1763 : vector<1x256xf32>
    %convert_element_type3A_1765 = arith.extui %lt3A_1764 : vector<1x256xi1> to vector<1x256xi32>
    %convert_element_type3A_1766 = arith.sitofp %convert_element_type3A_1765 : vector<1x256xi32> to vector<1x256xf32>
    %while3A_1767 = arith.constant true
    %while3A_1768:2 = scf.while (%while3A_2535 = %convert_element_type3A_1766, %while3A_2536 = %while3A_1767) : (vector<1x256xf32>, i1) -> (vector<1x256xf32>, i1) {
      scf.condition(%while3A_2536) %while3A_2535, %while3A_2536 : vector<1x256xf32>, i1
    } do {
    ^bb0(%while3A_2535: vector<1x256xf32>, %while3A_2536: i1):
      %convert_element_type3A_2537 = arith.truncf %while3A_2535 : vector<1x256xf32> to vector<1x256xbf16>
      %get3A_2538 = arith.constant 0 : index
      %get3A_2539 = arith.constant 0 : index
      %get3A_2540 = vector.load %arg5[%get3A_2538, %get3A_2539] : memref<256x256xbf16, #tpu.memory_space<vmem>>, vector<256x256xbf16>
      %dot_general3A_2541 = arith.constant dense<0.000000e+00> : vector<1x256xf32>
      %dot_general3A_2542 = tpu.matmul %convert_element_type3A_2537, %get3A_2540, %dot_general3A_2541 {dimension_numbers = #tpu.dot_dimension_numbers<[1], [0], [0], [1], [0, 0, 1, 1], [], []>, transpose_lhs_hint = false} : vector<1x256xbf16>, vector<256x256xbf16>, vector<1x256xf32> -> vector<1x256xf32>
      %add3A_2543 = arith.addf %add3A_1701, %dot_general3A_2542 : vector<1x256xf32>
      %lt3A_2544 = arith.constant 5.000000e-01 : f32
      %lt3A_2545 = vector.broadcast %lt3A_2544 : f32 to vector<1x256xf32>
      %lt3A_2546 = arith.cmpf olt, %add3A_2543, %lt3A_2545 : vector<1x256xf32>
      %convert_element_type3A_2547 = arith.extui %lt3A_2546 : vector<1x256xi1> to vector<1x256xi32>
      %convert_element_type3A_2548 = arith.sitofp %convert_element_type3A_2547 : vector<1x256xi32> to vector<1x256xf32>
      %ne3A = arith.cmpf one, %convert_element_type3A_2548, %while3A_2535 : vector<1x256xf32>
      %reduce_or3A = arith.constant 1.000000e+00 : f32
      %reduce_or3A_2549 = arith.constant 0.000000e+00 : f32
      %reduce_or3A_2550 = vector.broadcast %reduce_or3A : f32 to vector<1x256xf32>
      %reduce_or3A_2551 = vector.broadcast %reduce_or3A_2549 : f32 to vector<1x256xf32>
      %reduce_or3A_2552 = arith.select %ne3A, %reduce_or3A_2550, %reduce_or3A_2551 : vector<1x256xi1>, vector<1x256xf32>
      %reduce_or3A_2553 = vector.shape_cast %reduce_or3A_2552 : vector<1x256xf32> to vector<1x1x256xf32>
      %reduce_or3A_2554 = arith.constant dense<0xFF800000> : vector<1xf32>
      %reduce_or3A_2555 = vector.multi_reduction <maximumf>, %reduce_or3A_2553, %reduce_or3A_2554 [1, 2] : vector<1x1x256xf32> to vector<1xf32>
      %reduce_or3A_2556 = vector.shape_cast %reduce_or3A_2555 : vector<1xf32> to vector<1x1x1xf32>
      %reduce_or3A_2557 = vector.extract %reduce_or3A_2556[0, 0, 0] : f32 from vector<1x1x1xf32>
      %reduce_or3A_2558 = arith.constant 0.000000e+00 : f32
      %reduce_or3A_2559 = arith.cmpf ogt, %reduce_or3A_2557, %reduce_or3A_2558 : f32
      scf.yield %convert_element_type3A_2548, %reduce_or3A_2559 : vector<1x256xf32>, i1
    }
    %get3A_1769 = arith.constant 0 : index
    %get3A_1770 = arith.constant 1792 : index
    %get3A_1771 = vector.load %arg4[%get3A_1769, %get3A_1770] : memref<4x2048xf32, #tpu.memory_space<vmem>>, vector<1x256xf32>
    %get3A_1772 = arith.constant 1 : index
    %get3A_1773 = arith.constant 1792 : index
    %get3A_1774 = vector.load %arg4[%get3A_1772, %get3A_1773] : memref<4x2048xf32, #tpu.memory_space<vmem>>, vector<1x256xf32>
    %get3A_1775 = arith.constant 2 : index
    %get3A_1776 = arith.constant 1792 : index
    %get3A_1777 = vector.load %arg4[%get3A_1775, %get3A_1776] : memref<4x2048xf32, #tpu.memory_space<vmem>>, vector<1x256xf32>
    %get3A_1778 = arith.constant 3 : index
    %get3A_1779 = arith.constant 1792 : index
    %get3A_1780 = vector.load %arg4[%get3A_1778, %get3A_1779] : memref<4x2048xf32, #tpu.memory_space<vmem>>, vector<1x256xf32>
    %broadcast_in_dim3A_1781 = arith.constant 0.000000e+00 : f32
    %broadcast_in_dim3A_1782 = vector.broadcast %broadcast_in_dim3A_1781 : f32 to vector<1x256xf32>
    %get3A_1783 = arith.constant 0 : index
    %get3A_1784 = arith.constant 0 : index
    %get3A_1785 = vector.load %arg3[%get3A_1783, %get3A_1784] : memref<2048x4xf32, #tpu.memory_space<vmem>>, vector<256x1xf32>
    %get3A_1786 = arith.constant 0 : index
    %get3A_1787 = arith.constant 1 : index
    %get3A_1788 = vector.load %arg3[%get3A_1786, %get3A_1787] : memref<2048x4xf32, #tpu.memory_space<vmem>>, vector<256x1xf32>
    %get3A_1789 = arith.constant 0 : index
    %get3A_1790 = arith.constant 2 : index
    %get3A_1791 = vector.load %arg3[%get3A_1789, %get3A_1790] : memref<2048x4xf32, #tpu.memory_space<vmem>>, vector<256x1xf32>
    %get3A_1792 = arith.constant 0 : index
    %get3A_1793 = arith.constant 3 : index
    %get3A_1794 = vector.load %arg3[%get3A_1792, %get3A_1793] : memref<2048x4xf32, #tpu.memory_space<vmem>>, vector<256x1xf32>
    %sub3A_1795 = arith.subf %get3A_1791, %get3A_1785 : vector<256x1xf32>
    %sub3A_1796 = arith.subf %get3A_1794, %get3A_1788 : vector<256x1xf32>
    %mul3A_1797 = arith.mulf %sub3A_1795, %sub3A_1796 : vector<256x1xf32>
    %sub3A_1798 = arith.subf %get3A_1777, %get3A_1771 : vector<1x256xf32>
    %sub3A_1799 = arith.subf %get3A_1780, %get3A_1774 : vector<1x256xf32>
    %mul3A_1800 = arith.mulf %sub3A_1798, %sub3A_1799 : vector<1x256xf32>
    %min3A_1801 = vector.broadcast %get3A_1791 : vector<256x1xf32> to vector<256x256xf32>
    %min3A_1802 = vector.broadcast %get3A_1777 : vector<1x256xf32> to vector<256x256xf32>
    %min3A_1803 = arith.minimumf %min3A_1801, %min3A_1802 : vector<256x256xf32>
    %max3A_1804 = vector.broadcast %get3A_1785 : vector<256x1xf32> to vector<256x256xf32>
    %max3A_1805 = vector.broadcast %get3A_1771 : vector<1x256xf32> to vector<256x256xf32>
    %max3A_1806 = arith.maximumf %max3A_1804, %max3A_1805 : vector<256x256xf32>
    %sub3A_1807 = arith.subf %min3A_1803, %max3A_1806 : vector<256x256xf32>
    %jit3A_1808 = arith.constant 0.000000e+00 : f32
    %max3A_1809 = vector.broadcast %jit3A_1808 : f32 to vector<256x256xf32>
    %max3A_1810 = arith.maximumf %max3A_1809, %sub3A_1807 : vector<256x256xf32>
    %min3A_1811 = vector.broadcast %get3A_1794 : vector<256x1xf32> to vector<256x256xf32>
    %min3A_1812 = vector.broadcast %get3A_1780 : vector<1x256xf32> to vector<256x256xf32>
    %min3A_1813 = arith.minimumf %min3A_1811, %min3A_1812 : vector<256x256xf32>
    %max3A_1814 = vector.broadcast %get3A_1788 : vector<256x1xf32> to vector<256x256xf32>
    %max3A_1815 = vector.broadcast %get3A_1774 : vector<1x256xf32> to vector<256x256xf32>
    %max3A_1816 = arith.maximumf %max3A_1814, %max3A_1815 : vector<256x256xf32>
    %sub3A_1817 = arith.subf %min3A_1813, %max3A_1816 : vector<256x256xf32>
    %jit3A_1818 = arith.constant 0.000000e+00 : f32
    %max3A_1819 = vector.broadcast %jit3A_1818 : f32 to vector<256x256xf32>
    %max3A_1820 = arith.maximumf %max3A_1819, %sub3A_1817 : vector<256x256xf32>
    %mul3A_1821 = arith.mulf %max3A_1810, %max3A_1820 : vector<256x256xf32>
    %add3A_1822 = vector.broadcast %mul3A_1797 : vector<256x1xf32> to vector<256x256xf32>
    %add3A_1823 = vector.broadcast %mul3A_1800 : vector<1x256xf32> to vector<256x256xf32>
    %add3A_1824 = arith.addf %add3A_1822, %add3A_1823 : vector<256x256xf32>
    %sub3A_1825 = arith.subf %add3A_1824, %mul3A_1821 : vector<256x256xf32>
    %max3A_1826 = arith.constant 9.99999971E-10 : f32
    %max3A_1827 = vector.broadcast %max3A_1826 : f32 to vector<256x256xf32>
    %max3A_1828 = arith.maximumf %sub3A_1825, %max3A_1827 : vector<256x256xf32>
    %div3A_1829 = arith.divf %mul3A_1821, %max3A_1828 : vector<256x256xf32>
    %gt3A_1830 = arith.constant 0.699999988 : f32
    %gt3A_1831 = vector.broadcast %gt3A_1830 : f32 to vector<256x256xf32>
    %gt3A_1832 = arith.cmpf ogt, %div3A_1829, %gt3A_1831 : vector<256x256xf32>
    %convert_element_type3A_1833 = arith.extui %gt3A_1832 : vector<256x256xi1> to vector<256x256xi32>
    %convert_element_type3A_1834 = arith.sitofp %convert_element_type3A_1833 : vector<256x256xi32> to vector<256x256xf32>
    %convert_element_type3A_1835 = arith.truncf %convert_element_type3A_1834 : vector<256x256xf32> to vector<256x256xbf16>
    %convert_element_type3A_1836 = arith.truncf %while3A_86#0 : vector<1x256xf32> to vector<1x256xbf16>
    %dot_general3A_1837 = arith.constant dense<0.000000e+00> : vector<1x256xf32>
    %dot_general3A_1838 = tpu.matmul %convert_element_type3A_1836, %convert_element_type3A_1835, %dot_general3A_1837 {dimension_numbers = #tpu.dot_dimension_numbers<[1], [0], [0], [1], [0, 0, 1, 1], [], []>, transpose_lhs_hint = false} : vector<1x256xbf16>, vector<256x256xbf16>, vector<1x256xf32> -> vector<1x256xf32>
    %add3A_1839 = arith.addf %broadcast_in_dim3A_1782, %dot_general3A_1838 : vector<1x256xf32>
    %get3A_1840 = arith.constant 256 : index
    %get3A_1841 = arith.constant 0 : index
    %get3A_1842 = vector.load %arg3[%get3A_1840, %get3A_1841] : memref<2048x4xf32, #tpu.memory_space<vmem>>, vector<256x1xf32>
    %get3A_1843 = arith.constant 256 : index
    %get3A_1844 = arith.constant 1 : index
    %get3A_1845 = vector.load %arg3[%get3A_1843, %get3A_1844] : memref<2048x4xf32, #tpu.memory_space<vmem>>, vector<256x1xf32>
    %get3A_1846 = arith.constant 256 : index
    %get3A_1847 = arith.constant 2 : index
    %get3A_1848 = vector.load %arg3[%get3A_1846, %get3A_1847] : memref<2048x4xf32, #tpu.memory_space<vmem>>, vector<256x1xf32>
    %get3A_1849 = arith.constant 256 : index
    %get3A_1850 = arith.constant 3 : index
    %get3A_1851 = vector.load %arg3[%get3A_1849, %get3A_1850] : memref<2048x4xf32, #tpu.memory_space<vmem>>, vector<256x1xf32>
    %sub3A_1852 = arith.subf %get3A_1848, %get3A_1842 : vector<256x1xf32>
    %sub3A_1853 = arith.subf %get3A_1851, %get3A_1845 : vector<256x1xf32>
    %mul3A_1854 = arith.mulf %sub3A_1852, %sub3A_1853 : vector<256x1xf32>
    %sub3A_1855 = arith.subf %get3A_1777, %get3A_1771 : vector<1x256xf32>
    %sub3A_1856 = arith.subf %get3A_1780, %get3A_1774 : vector<1x256xf32>
    %mul3A_1857 = arith.mulf %sub3A_1855, %sub3A_1856 : vector<1x256xf32>
    %min3A_1858 = vector.broadcast %get3A_1848 : vector<256x1xf32> to vector<256x256xf32>
    %min3A_1859 = vector.broadcast %get3A_1777 : vector<1x256xf32> to vector<256x256xf32>
    %min3A_1860 = arith.minimumf %min3A_1858, %min3A_1859 : vector<256x256xf32>
    %max3A_1861 = vector.broadcast %get3A_1842 : vector<256x1xf32> to vector<256x256xf32>
    %max3A_1862 = vector.broadcast %get3A_1771 : vector<1x256xf32> to vector<256x256xf32>
    %max3A_1863 = arith.maximumf %max3A_1861, %max3A_1862 : vector<256x256xf32>
    %sub3A_1864 = arith.subf %min3A_1860, %max3A_1863 : vector<256x256xf32>
    %jit3A_1865 = arith.constant 0.000000e+00 : f32
    %max3A_1866 = vector.broadcast %jit3A_1865 : f32 to vector<256x256xf32>
    %max3A_1867 = arith.maximumf %max3A_1866, %sub3A_1864 : vector<256x256xf32>
    %min3A_1868 = vector.broadcast %get3A_1851 : vector<256x1xf32> to vector<256x256xf32>
    %min3A_1869 = vector.broadcast %get3A_1780 : vector<1x256xf32> to vector<256x256xf32>
    %min3A_1870 = arith.minimumf %min3A_1868, %min3A_1869 : vector<256x256xf32>
    %max3A_1871 = vector.broadcast %get3A_1845 : vector<256x1xf32> to vector<256x256xf32>
    %max3A_1872 = vector.broadcast %get3A_1774 : vector<1x256xf32> to vector<256x256xf32>
    %max3A_1873 = arith.maximumf %max3A_1871, %max3A_1872 : vector<256x256xf32>
    %sub3A_1874 = arith.subf %min3A_1870, %max3A_1873 : vector<256x256xf32>
    %jit3A_1875 = arith.constant 0.000000e+00 : f32
    %max3A_1876 = vector.broadcast %jit3A_1875 : f32 to vector<256x256xf32>
    %max3A_1877 = arith.maximumf %max3A_1876, %sub3A_1874 : vector<256x256xf32>
    %mul3A_1878 = arith.mulf %max3A_1867, %max3A_1877 : vector<256x256xf32>
    %add3A_1879 = vector.broadcast %mul3A_1854 : vector<256x1xf32> to vector<256x256xf32>
    %add3A_1880 = vector.broadcast %mul3A_1857 : vector<1x256xf32> to vector<256x256xf32>
    %add3A_1881 = arith.addf %add3A_1879, %add3A_1880 : vector<256x256xf32>
    %sub3A_1882 = arith.subf %add3A_1881, %mul3A_1878 : vector<256x256xf32>
    %max3A_1883 = arith.constant 9.99999971E-10 : f32
    %max3A_1884 = vector.broadcast %max3A_1883 : f32 to vector<256x256xf32>
    %max3A_1885 = arith.maximumf %sub3A_1882, %max3A_1884 : vector<256x256xf32>
    %div3A_1886 = arith.divf %mul3A_1878, %max3A_1885 : vector<256x256xf32>
    %gt3A_1887 = arith.constant 0.699999988 : f32
    %gt3A_1888 = vector.broadcast %gt3A_1887 : f32 to vector<256x256xf32>
    %gt3A_1889 = arith.cmpf ogt, %div3A_1886, %gt3A_1888 : vector<256x256xf32>
    %convert_element_type3A_1890 = arith.extui %gt3A_1889 : vector<256x256xi1> to vector<256x256xi32>
    %convert_element_type3A_1891 = arith.sitofp %convert_element_type3A_1890 : vector<256x256xi32> to vector<256x256xf32>
    %convert_element_type3A_1892 = arith.truncf %convert_element_type3A_1891 : vector<256x256xf32> to vector<256x256xbf16>
    %convert_element_type3A_1893 = arith.truncf %while3A_223#0 : vector<1x256xf32> to vector<1x256xbf16>
    %dot_general3A_1894 = arith.constant dense<0.000000e+00> : vector<1x256xf32>
    %dot_general3A_1895 = tpu.matmul %convert_element_type3A_1893, %convert_element_type3A_1892, %dot_general3A_1894 {dimension_numbers = #tpu.dot_dimension_numbers<[1], [0], [0], [1], [0, 0, 1, 1], [], []>, transpose_lhs_hint = false} : vector<1x256xbf16>, vector<256x256xbf16>, vector<1x256xf32> -> vector<1x256xf32>
    %add3A_1896 = arith.addf %add3A_1839, %dot_general3A_1895 : vector<1x256xf32>
    %get3A_1897 = arith.constant 512 : index
    %get3A_1898 = arith.constant 0 : index
    %get3A_1899 = vector.load %arg3[%get3A_1897, %get3A_1898] : memref<2048x4xf32, #tpu.memory_space<vmem>>, vector<256x1xf32>
    %get3A_1900 = arith.constant 512 : index
    %get3A_1901 = arith.constant 1 : index
    %get3A_1902 = vector.load %arg3[%get3A_1900, %get3A_1901] : memref<2048x4xf32, #tpu.memory_space<vmem>>, vector<256x1xf32>
    %get3A_1903 = arith.constant 512 : index
    %get3A_1904 = arith.constant 2 : index
    %get3A_1905 = vector.load %arg3[%get3A_1903, %get3A_1904] : memref<2048x4xf32, #tpu.memory_space<vmem>>, vector<256x1xf32>
    %get3A_1906 = arith.constant 512 : index
    %get3A_1907 = arith.constant 3 : index
    %get3A_1908 = vector.load %arg3[%get3A_1906, %get3A_1907] : memref<2048x4xf32, #tpu.memory_space<vmem>>, vector<256x1xf32>
    %sub3A_1909 = arith.subf %get3A_1905, %get3A_1899 : vector<256x1xf32>
    %sub3A_1910 = arith.subf %get3A_1908, %get3A_1902 : vector<256x1xf32>
    %mul3A_1911 = arith.mulf %sub3A_1909, %sub3A_1910 : vector<256x1xf32>
    %sub3A_1912 = arith.subf %get3A_1777, %get3A_1771 : vector<1x256xf32>
    %sub3A_1913 = arith.subf %get3A_1780, %get3A_1774 : vector<1x256xf32>
    %mul3A_1914 = arith.mulf %sub3A_1912, %sub3A_1913 : vector<1x256xf32>
    %min3A_1915 = vector.broadcast %get3A_1905 : vector<256x1xf32> to vector<256x256xf32>
    %min3A_1916 = vector.broadcast %get3A_1777 : vector<1x256xf32> to vector<256x256xf32>
    %min3A_1917 = arith.minimumf %min3A_1915, %min3A_1916 : vector<256x256xf32>
    %max3A_1918 = vector.broadcast %get3A_1899 : vector<256x1xf32> to vector<256x256xf32>
    %max3A_1919 = vector.broadcast %get3A_1771 : vector<1x256xf32> to vector<256x256xf32>
    %max3A_1920 = arith.maximumf %max3A_1918, %max3A_1919 : vector<256x256xf32>
    %sub3A_1921 = arith.subf %min3A_1917, %max3A_1920 : vector<256x256xf32>
    %jit3A_1922 = arith.constant 0.000000e+00 : f32
    %max3A_1923 = vector.broadcast %jit3A_1922 : f32 to vector<256x256xf32>
    %max3A_1924 = arith.maximumf %max3A_1923, %sub3A_1921 : vector<256x256xf32>
    %min3A_1925 = vector.broadcast %get3A_1908 : vector<256x1xf32> to vector<256x256xf32>
    %min3A_1926 = vector.broadcast %get3A_1780 : vector<1x256xf32> to vector<256x256xf32>
    %min3A_1927 = arith.minimumf %min3A_1925, %min3A_1926 : vector<256x256xf32>
    %max3A_1928 = vector.broadcast %get3A_1902 : vector<256x1xf32> to vector<256x256xf32>
    %max3A_1929 = vector.broadcast %get3A_1774 : vector<1x256xf32> to vector<256x256xf32>
    %max3A_1930 = arith.maximumf %max3A_1928, %max3A_1929 : vector<256x256xf32>
    %sub3A_1931 = arith.subf %min3A_1927, %max3A_1930 : vector<256x256xf32>
    %jit3A_1932 = arith.constant 0.000000e+00 : f32
    %max3A_1933 = vector.broadcast %jit3A_1932 : f32 to vector<256x256xf32>
    %max3A_1934 = arith.maximumf %max3A_1933, %sub3A_1931 : vector<256x256xf32>
    %mul3A_1935 = arith.mulf %max3A_1924, %max3A_1934 : vector<256x256xf32>
    %add3A_1936 = vector.broadcast %mul3A_1911 : vector<256x1xf32> to vector<256x256xf32>
    %add3A_1937 = vector.broadcast %mul3A_1914 : vector<1x256xf32> to vector<256x256xf32>
    %add3A_1938 = arith.addf %add3A_1936, %add3A_1937 : vector<256x256xf32>
    %sub3A_1939 = arith.subf %add3A_1938, %mul3A_1935 : vector<256x256xf32>
    %max3A_1940 = arith.constant 9.99999971E-10 : f32
    %max3A_1941 = vector.broadcast %max3A_1940 : f32 to vector<256x256xf32>
    %max3A_1942 = arith.maximumf %sub3A_1939, %max3A_1941 : vector<256x256xf32>
    %div3A_1943 = arith.divf %mul3A_1935, %max3A_1942 : vector<256x256xf32>
    %gt3A_1944 = arith.constant 0.699999988 : f32
    %gt3A_1945 = vector.broadcast %gt3A_1944 : f32 to vector<256x256xf32>
    %gt3A_1946 = arith.cmpf ogt, %div3A_1943, %gt3A_1945 : vector<256x256xf32>
    %convert_element_type3A_1947 = arith.extui %gt3A_1946 : vector<256x256xi1> to vector<256x256xi32>
    %convert_element_type3A_1948 = arith.sitofp %convert_element_type3A_1947 : vector<256x256xi32> to vector<256x256xf32>
    %convert_element_type3A_1949 = arith.truncf %convert_element_type3A_1948 : vector<256x256xf32> to vector<256x256xbf16>
    %convert_element_type3A_1950 = arith.truncf %while3A_418#0 : vector<1x256xf32> to vector<1x256xbf16>
    %dot_general3A_1951 = arith.constant dense<0.000000e+00> : vector<1x256xf32>
    %dot_general3A_1952 = tpu.matmul %convert_element_type3A_1950, %convert_element_type3A_1949, %dot_general3A_1951 {dimension_numbers = #tpu.dot_dimension_numbers<[1], [0], [0], [1], [0, 0, 1, 1], [], []>, transpose_lhs_hint = false} : vector<1x256xbf16>, vector<256x256xbf16>, vector<1x256xf32> -> vector<1x256xf32>
    %add3A_1953 = arith.addf %add3A_1896, %dot_general3A_1952 : vector<1x256xf32>
    %get3A_1954 = arith.constant 768 : index
    %get3A_1955 = arith.constant 0 : index
    %get3A_1956 = vector.load %arg3[%get3A_1954, %get3A_1955] : memref<2048x4xf32, #tpu.memory_space<vmem>>, vector<256x1xf32>
    %get3A_1957 = arith.constant 768 : index
    %get3A_1958 = arith.constant 1 : index
    %get3A_1959 = vector.load %arg3[%get3A_1957, %get3A_1958] : memref<2048x4xf32, #tpu.memory_space<vmem>>, vector<256x1xf32>
    %get3A_1960 = arith.constant 768 : index
    %get3A_1961 = arith.constant 2 : index
    %get3A_1962 = vector.load %arg3[%get3A_1960, %get3A_1961] : memref<2048x4xf32, #tpu.memory_space<vmem>>, vector<256x1xf32>
    %get3A_1963 = arith.constant 768 : index
    %get3A_1964 = arith.constant 3 : index
    %get3A_1965 = vector.load %arg3[%get3A_1963, %get3A_1964] : memref<2048x4xf32, #tpu.memory_space<vmem>>, vector<256x1xf32>
    %sub3A_1966 = arith.subf %get3A_1962, %get3A_1956 : vector<256x1xf32>
    %sub3A_1967 = arith.subf %get3A_1965, %get3A_1959 : vector<256x1xf32>
    %mul3A_1968 = arith.mulf %sub3A_1966, %sub3A_1967 : vector<256x1xf32>
    %sub3A_1969 = arith.subf %get3A_1777, %get3A_1771 : vector<1x256xf32>
    %sub3A_1970 = arith.subf %get3A_1780, %get3A_1774 : vector<1x256xf32>
    %mul3A_1971 = arith.mulf %sub3A_1969, %sub3A_1970 : vector<1x256xf32>
    %min3A_1972 = vector.broadcast %get3A_1962 : vector<256x1xf32> to vector<256x256xf32>
    %min3A_1973 = vector.broadcast %get3A_1777 : vector<1x256xf32> to vector<256x256xf32>
    %min3A_1974 = arith.minimumf %min3A_1972, %min3A_1973 : vector<256x256xf32>
    %max3A_1975 = vector.broadcast %get3A_1956 : vector<256x1xf32> to vector<256x256xf32>
    %max3A_1976 = vector.broadcast %get3A_1771 : vector<1x256xf32> to vector<256x256xf32>
    %max3A_1977 = arith.maximumf %max3A_1975, %max3A_1976 : vector<256x256xf32>
    %sub3A_1978 = arith.subf %min3A_1974, %max3A_1977 : vector<256x256xf32>
    %jit3A_1979 = arith.constant 0.000000e+00 : f32
    %max3A_1980 = vector.broadcast %jit3A_1979 : f32 to vector<256x256xf32>
    %max3A_1981 = arith.maximumf %max3A_1980, %sub3A_1978 : vector<256x256xf32>
    %min3A_1982 = vector.broadcast %get3A_1965 : vector<256x1xf32> to vector<256x256xf32>
    %min3A_1983 = vector.broadcast %get3A_1780 : vector<1x256xf32> to vector<256x256xf32>
    %min3A_1984 = arith.minimumf %min3A_1982, %min3A_1983 : vector<256x256xf32>
    %max3A_1985 = vector.broadcast %get3A_1959 : vector<256x1xf32> to vector<256x256xf32>
    %max3A_1986 = vector.broadcast %get3A_1774 : vector<1x256xf32> to vector<256x256xf32>
    %max3A_1987 = arith.maximumf %max3A_1985, %max3A_1986 : vector<256x256xf32>
    %sub3A_1988 = arith.subf %min3A_1984, %max3A_1987 : vector<256x256xf32>
    %jit3A_1989 = arith.constant 0.000000e+00 : f32
    %max3A_1990 = vector.broadcast %jit3A_1989 : f32 to vector<256x256xf32>
    %max3A_1991 = arith.maximumf %max3A_1990, %sub3A_1988 : vector<256x256xf32>
    %mul3A_1992 = arith.mulf %max3A_1981, %max3A_1991 : vector<256x256xf32>
    %add3A_1993 = vector.broadcast %mul3A_1968 : vector<256x1xf32> to vector<256x256xf32>
    %add3A_1994 = vector.broadcast %mul3A_1971 : vector<1x256xf32> to vector<256x256xf32>
    %add3A_1995 = arith.addf %add3A_1993, %add3A_1994 : vector<256x256xf32>
    %sub3A_1996 = arith.subf %add3A_1995, %mul3A_1992 : vector<256x256xf32>
    %max3A_1997 = arith.constant 9.99999971E-10 : f32
    %max3A_1998 = vector.broadcast %max3A_1997 : f32 to vector<256x256xf32>
    %max3A_1999 = arith.maximumf %sub3A_1996, %max3A_1998 : vector<256x256xf32>
    %div3A_2000 = arith.divf %mul3A_1992, %max3A_1999 : vector<256x256xf32>
    %gt3A_2001 = arith.constant 0.699999988 : f32
    %gt3A_2002 = vector.broadcast %gt3A_2001 : f32 to vector<256x256xf32>
    %gt3A_2003 = arith.cmpf ogt, %div3A_2000, %gt3A_2002 : vector<256x256xf32>
    %convert_element_type3A_2004 = arith.extui %gt3A_2003 : vector<256x256xi1> to vector<256x256xi32>
    %convert_element_type3A_2005 = arith.sitofp %convert_element_type3A_2004 : vector<256x256xi32> to vector<256x256xf32>
    %convert_element_type3A_2006 = arith.truncf %convert_element_type3A_2005 : vector<256x256xf32> to vector<256x256xbf16>
    %convert_element_type3A_2007 = arith.truncf %while3A_670#0 : vector<1x256xf32> to vector<1x256xbf16>
    %dot_general3A_2008 = arith.constant dense<0.000000e+00> : vector<1x256xf32>
    %dot_general3A_2009 = tpu.matmul %convert_element_type3A_2007, %convert_element_type3A_2006, %dot_general3A_2008 {dimension_numbers = #tpu.dot_dimension_numbers<[1], [0], [0], [1], [0, 0, 1, 1], [], []>, transpose_lhs_hint = false} : vector<1x256xbf16>, vector<256x256xbf16>, vector<1x256xf32> -> vector<1x256xf32>
    %add3A_2010 = arith.addf %add3A_1953, %dot_general3A_2009 : vector<1x256xf32>
    %get3A_2011 = arith.constant 1024 : index
    %get3A_2012 = arith.constant 0 : index
    %get3A_2013 = vector.load %arg3[%get3A_2011, %get3A_2012] : memref<2048x4xf32, #tpu.memory_space<vmem>>, vector<256x1xf32>
    %get3A_2014 = arith.constant 1024 : index
    %get3A_2015 = arith.constant 1 : index
    %get3A_2016 = vector.load %arg3[%get3A_2014, %get3A_2015] : memref<2048x4xf32, #tpu.memory_space<vmem>>, vector<256x1xf32>
    %get3A_2017 = arith.constant 1024 : index
    %get3A_2018 = arith.constant 2 : index
    %get3A_2019 = vector.load %arg3[%get3A_2017, %get3A_2018] : memref<2048x4xf32, #tpu.memory_space<vmem>>, vector<256x1xf32>
    %get3A_2020 = arith.constant 1024 : index
    %get3A_2021 = arith.constant 3 : index
    %get3A_2022 = vector.load %arg3[%get3A_2020, %get3A_2021] : memref<2048x4xf32, #tpu.memory_space<vmem>>, vector<256x1xf32>
    %sub3A_2023 = arith.subf %get3A_2019, %get3A_2013 : vector<256x1xf32>
    %sub3A_2024 = arith.subf %get3A_2022, %get3A_2016 : vector<256x1xf32>
    %mul3A_2025 = arith.mulf %sub3A_2023, %sub3A_2024 : vector<256x1xf32>
    %sub3A_2026 = arith.subf %get3A_1777, %get3A_1771 : vector<1x256xf32>
    %sub3A_2027 = arith.subf %get3A_1780, %get3A_1774 : vector<1x256xf32>
    %mul3A_2028 = arith.mulf %sub3A_2026, %sub3A_2027 : vector<1x256xf32>
    %min3A_2029 = vector.broadcast %get3A_2019 : vector<256x1xf32> to vector<256x256xf32>
    %min3A_2030 = vector.broadcast %get3A_1777 : vector<1x256xf32> to vector<256x256xf32>
    %min3A_2031 = arith.minimumf %min3A_2029, %min3A_2030 : vector<256x256xf32>
    %max3A_2032 = vector.broadcast %get3A_2013 : vector<256x1xf32> to vector<256x256xf32>
    %max3A_2033 = vector.broadcast %get3A_1771 : vector<1x256xf32> to vector<256x256xf32>
    %max3A_2034 = arith.maximumf %max3A_2032, %max3A_2033 : vector<256x256xf32>
    %sub3A_2035 = arith.subf %min3A_2031, %max3A_2034 : vector<256x256xf32>
    %jit3A_2036 = arith.constant 0.000000e+00 : f32
    %max3A_2037 = vector.broadcast %jit3A_2036 : f32 to vector<256x256xf32>
    %max3A_2038 = arith.maximumf %max3A_2037, %sub3A_2035 : vector<256x256xf32>
    %min3A_2039 = vector.broadcast %get3A_2022 : vector<256x1xf32> to vector<256x256xf32>
    %min3A_2040 = vector.broadcast %get3A_1780 : vector<1x256xf32> to vector<256x256xf32>
    %min3A_2041 = arith.minimumf %min3A_2039, %min3A_2040 : vector<256x256xf32>
    %max3A_2042 = vector.broadcast %get3A_2016 : vector<256x1xf32> to vector<256x256xf32>
    %max3A_2043 = vector.broadcast %get3A_1774 : vector<1x256xf32> to vector<256x256xf32>
    %max3A_2044 = arith.maximumf %max3A_2042, %max3A_2043 : vector<256x256xf32>
    %sub3A_2045 = arith.subf %min3A_2041, %max3A_2044 : vector<256x256xf32>
    %jit3A_2046 = arith.constant 0.000000e+00 : f32
    %max3A_2047 = vector.broadcast %jit3A_2046 : f32 to vector<256x256xf32>
    %max3A_2048 = arith.maximumf %max3A_2047, %sub3A_2045 : vector<256x256xf32>
    %mul3A_2049 = arith.mulf %max3A_2038, %max3A_2048 : vector<256x256xf32>
    %add3A_2050 = vector.broadcast %mul3A_2025 : vector<256x1xf32> to vector<256x256xf32>
    %add3A_2051 = vector.broadcast %mul3A_2028 : vector<1x256xf32> to vector<256x256xf32>
    %add3A_2052 = arith.addf %add3A_2050, %add3A_2051 : vector<256x256xf32>
    %sub3A_2053 = arith.subf %add3A_2052, %mul3A_2049 : vector<256x256xf32>
    %max3A_2054 = arith.constant 9.99999971E-10 : f32
    %max3A_2055 = vector.broadcast %max3A_2054 : f32 to vector<256x256xf32>
    %max3A_2056 = arith.maximumf %sub3A_2053, %max3A_2055 : vector<256x256xf32>
    %div3A_2057 = arith.divf %mul3A_2049, %max3A_2056 : vector<256x256xf32>
    %gt3A_2058 = arith.constant 0.699999988 : f32
    %gt3A_2059 = vector.broadcast %gt3A_2058 : f32 to vector<256x256xf32>
    %gt3A_2060 = arith.cmpf ogt, %div3A_2057, %gt3A_2059 : vector<256x256xf32>
    %convert_element_type3A_2061 = arith.extui %gt3A_2060 : vector<256x256xi1> to vector<256x256xi32>
    %convert_element_type3A_2062 = arith.sitofp %convert_element_type3A_2061 : vector<256x256xi32> to vector<256x256xf32>
    %convert_element_type3A_2063 = arith.truncf %convert_element_type3A_2062 : vector<256x256xf32> to vector<256x256xbf16>
    %convert_element_type3A_2064 = arith.truncf %while3A_979#0 : vector<1x256xf32> to vector<1x256xbf16>
    %dot_general3A_2065 = arith.constant dense<0.000000e+00> : vector<1x256xf32>
    %dot_general3A_2066 = tpu.matmul %convert_element_type3A_2064, %convert_element_type3A_2063, %dot_general3A_2065 {dimension_numbers = #tpu.dot_dimension_numbers<[1], [0], [0], [1], [0, 0, 1, 1], [], []>, transpose_lhs_hint = false} : vector<1x256xbf16>, vector<256x256xbf16>, vector<1x256xf32> -> vector<1x256xf32>
    %add3A_2067 = arith.addf %add3A_2010, %dot_general3A_2066 : vector<1x256xf32>
    %get3A_2068 = arith.constant 1280 : index
    %get3A_2069 = arith.constant 0 : index
    %get3A_2070 = vector.load %arg3[%get3A_2068, %get3A_2069] : memref<2048x4xf32, #tpu.memory_space<vmem>>, vector<256x1xf32>
    %get3A_2071 = arith.constant 1280 : index
    %get3A_2072 = arith.constant 1 : index
    %get3A_2073 = vector.load %arg3[%get3A_2071, %get3A_2072] : memref<2048x4xf32, #tpu.memory_space<vmem>>, vector<256x1xf32>
    %get3A_2074 = arith.constant 1280 : index
    %get3A_2075 = arith.constant 2 : index
    %get3A_2076 = vector.load %arg3[%get3A_2074, %get3A_2075] : memref<2048x4xf32, #tpu.memory_space<vmem>>, vector<256x1xf32>
    %get3A_2077 = arith.constant 1280 : index
    %get3A_2078 = arith.constant 3 : index
    %get3A_2079 = vector.load %arg3[%get3A_2077, %get3A_2078] : memref<2048x4xf32, #tpu.memory_space<vmem>>, vector<256x1xf32>
    %sub3A_2080 = arith.subf %get3A_2076, %get3A_2070 : vector<256x1xf32>
    %sub3A_2081 = arith.subf %get3A_2079, %get3A_2073 : vector<256x1xf32>
    %mul3A_2082 = arith.mulf %sub3A_2080, %sub3A_2081 : vector<256x1xf32>
    %sub3A_2083 = arith.subf %get3A_1777, %get3A_1771 : vector<1x256xf32>
    %sub3A_2084 = arith.subf %get3A_1780, %get3A_1774 : vector<1x256xf32>
    %mul3A_2085 = arith.mulf %sub3A_2083, %sub3A_2084 : vector<1x256xf32>
    %min3A_2086 = vector.broadcast %get3A_2076 : vector<256x1xf32> to vector<256x256xf32>
    %min3A_2087 = vector.broadcast %get3A_1777 : vector<1x256xf32> to vector<256x256xf32>
    %min3A_2088 = arith.minimumf %min3A_2086, %min3A_2087 : vector<256x256xf32>
    %max3A_2089 = vector.broadcast %get3A_2070 : vector<256x1xf32> to vector<256x256xf32>
    %max3A_2090 = vector.broadcast %get3A_1771 : vector<1x256xf32> to vector<256x256xf32>
    %max3A_2091 = arith.maximumf %max3A_2089, %max3A_2090 : vector<256x256xf32>
    %sub3A_2092 = arith.subf %min3A_2088, %max3A_2091 : vector<256x256xf32>
    %jit3A_2093 = arith.constant 0.000000e+00 : f32
    %max3A_2094 = vector.broadcast %jit3A_2093 : f32 to vector<256x256xf32>
    %max3A_2095 = arith.maximumf %max3A_2094, %sub3A_2092 : vector<256x256xf32>
    %min3A_2096 = vector.broadcast %get3A_2079 : vector<256x1xf32> to vector<256x256xf32>
    %min3A_2097 = vector.broadcast %get3A_1780 : vector<1x256xf32> to vector<256x256xf32>
    %min3A_2098 = arith.minimumf %min3A_2096, %min3A_2097 : vector<256x256xf32>
    %max3A_2099 = vector.broadcast %get3A_2073 : vector<256x1xf32> to vector<256x256xf32>
    %max3A_2100 = vector.broadcast %get3A_1774 : vector<1x256xf32> to vector<256x256xf32>
    %max3A_2101 = arith.maximumf %max3A_2099, %max3A_2100 : vector<256x256xf32>
    %sub3A_2102 = arith.subf %min3A_2098, %max3A_2101 : vector<256x256xf32>
    %jit3A_2103 = arith.constant 0.000000e+00 : f32
    %max3A_2104 = vector.broadcast %jit3A_2103 : f32 to vector<256x256xf32>
    %max3A_2105 = arith.maximumf %max3A_2104, %sub3A_2102 : vector<256x256xf32>
    %mul3A_2106 = arith.mulf %max3A_2095, %max3A_2105 : vector<256x256xf32>
    %add3A_2107 = vector.broadcast %mul3A_2082 : vector<256x1xf32> to vector<256x256xf32>
    %add3A_2108 = vector.broadcast %mul3A_2085 : vector<1x256xf32> to vector<256x256xf32>
    %add3A_2109 = arith.addf %add3A_2107, %add3A_2108 : vector<256x256xf32>
    %sub3A_2110 = arith.subf %add3A_2109, %mul3A_2106 : vector<256x256xf32>
    %max3A_2111 = arith.constant 9.99999971E-10 : f32
    %max3A_2112 = vector.broadcast %max3A_2111 : f32 to vector<256x256xf32>
    %max3A_2113 = arith.maximumf %sub3A_2110, %max3A_2112 : vector<256x256xf32>
    %div3A_2114 = arith.divf %mul3A_2106, %max3A_2113 : vector<256x256xf32>
    %gt3A_2115 = arith.constant 0.699999988 : f32
    %gt3A_2116 = vector.broadcast %gt3A_2115 : f32 to vector<256x256xf32>
    %gt3A_2117 = arith.cmpf ogt, %div3A_2114, %gt3A_2116 : vector<256x256xf32>
    %convert_element_type3A_2118 = arith.extui %gt3A_2117 : vector<256x256xi1> to vector<256x256xi32>
    %convert_element_type3A_2119 = arith.sitofp %convert_element_type3A_2118 : vector<256x256xi32> to vector<256x256xf32>
    %convert_element_type3A_2120 = arith.truncf %convert_element_type3A_2119 : vector<256x256xf32> to vector<256x256xbf16>
    %convert_element_type3A_2121 = arith.truncf %while3A_1345#0 : vector<1x256xf32> to vector<1x256xbf16>
    %dot_general3A_2122 = arith.constant dense<0.000000e+00> : vector<1x256xf32>
    %dot_general3A_2123 = tpu.matmul %convert_element_type3A_2121, %convert_element_type3A_2120, %dot_general3A_2122 {dimension_numbers = #tpu.dot_dimension_numbers<[1], [0], [0], [1], [0, 0, 1, 1], [], []>, transpose_lhs_hint = false} : vector<1x256xbf16>, vector<256x256xbf16>, vector<1x256xf32> -> vector<1x256xf32>
    %add3A_2124 = arith.addf %add3A_2067, %dot_general3A_2123 : vector<1x256xf32>
    %get3A_2125 = arith.constant 1536 : index
    %get3A_2126 = arith.constant 0 : index
    %get3A_2127 = vector.load %arg3[%get3A_2125, %get3A_2126] : memref<2048x4xf32, #tpu.memory_space<vmem>>, vector<256x1xf32>
    %get3A_2128 = arith.constant 1536 : index
    %get3A_2129 = arith.constant 1 : index
    %get3A_2130 = vector.load %arg3[%get3A_2128, %get3A_2129] : memref<2048x4xf32, #tpu.memory_space<vmem>>, vector<256x1xf32>
    %get3A_2131 = arith.constant 1536 : index
    %get3A_2132 = arith.constant 2 : index
    %get3A_2133 = vector.load %arg3[%get3A_2131, %get3A_2132] : memref<2048x4xf32, #tpu.memory_space<vmem>>, vector<256x1xf32>
    %get3A_2134 = arith.constant 1536 : index
    %get3A_2135 = arith.constant 3 : index
    %get3A_2136 = vector.load %arg3[%get3A_2134, %get3A_2135] : memref<2048x4xf32, #tpu.memory_space<vmem>>, vector<256x1xf32>
    %sub3A_2137 = arith.subf %get3A_2133, %get3A_2127 : vector<256x1xf32>
    %sub3A_2138 = arith.subf %get3A_2136, %get3A_2130 : vector<256x1xf32>
    %mul3A_2139 = arith.mulf %sub3A_2137, %sub3A_2138 : vector<256x1xf32>
    %sub3A_2140 = arith.subf %get3A_1777, %get3A_1771 : vector<1x256xf32>
    %sub3A_2141 = arith.subf %get3A_1780, %get3A_1774 : vector<1x256xf32>
    %mul3A_2142 = arith.mulf %sub3A_2140, %sub3A_2141 : vector<1x256xf32>
    %min3A_2143 = vector.broadcast %get3A_2133 : vector<256x1xf32> to vector<256x256xf32>
    %min3A_2144 = vector.broadcast %get3A_1777 : vector<1x256xf32> to vector<256x256xf32>
    %min3A_2145 = arith.minimumf %min3A_2143, %min3A_2144 : vector<256x256xf32>
    %max3A_2146 = vector.broadcast %get3A_2127 : vector<256x1xf32> to vector<256x256xf32>
    %max3A_2147 = vector.broadcast %get3A_1771 : vector<1x256xf32> to vector<256x256xf32>
    %max3A_2148 = arith.maximumf %max3A_2146, %max3A_2147 : vector<256x256xf32>
    %sub3A_2149 = arith.subf %min3A_2145, %max3A_2148 : vector<256x256xf32>
    %jit3A_2150 = arith.constant 0.000000e+00 : f32
    %max3A_2151 = vector.broadcast %jit3A_2150 : f32 to vector<256x256xf32>
    %max3A_2152 = arith.maximumf %max3A_2151, %sub3A_2149 : vector<256x256xf32>
    %min3A_2153 = vector.broadcast %get3A_2136 : vector<256x1xf32> to vector<256x256xf32>
    %min3A_2154 = vector.broadcast %get3A_1780 : vector<1x256xf32> to vector<256x256xf32>
    %min3A_2155 = arith.minimumf %min3A_2153, %min3A_2154 : vector<256x256xf32>
    %max3A_2156 = vector.broadcast %get3A_2130 : vector<256x1xf32> to vector<256x256xf32>
    %max3A_2157 = vector.broadcast %get3A_1774 : vector<1x256xf32> to vector<256x256xf32>
    %max3A_2158 = arith.maximumf %max3A_2156, %max3A_2157 : vector<256x256xf32>
    %sub3A_2159 = arith.subf %min3A_2155, %max3A_2158 : vector<256x256xf32>
    %jit3A_2160 = arith.constant 0.000000e+00 : f32
    %max3A_2161 = vector.broadcast %jit3A_2160 : f32 to vector<256x256xf32>
    %max3A_2162 = arith.maximumf %max3A_2161, %sub3A_2159 : vector<256x256xf32>
    %mul3A_2163 = arith.mulf %max3A_2152, %max3A_2162 : vector<256x256xf32>
    %add3A_2164 = vector.broadcast %mul3A_2139 : vector<256x1xf32> to vector<256x256xf32>
    %add3A_2165 = vector.broadcast %mul3A_2142 : vector<1x256xf32> to vector<256x256xf32>
    %add3A_2166 = arith.addf %add3A_2164, %add3A_2165 : vector<256x256xf32>
    %sub3A_2167 = arith.subf %add3A_2166, %mul3A_2163 : vector<256x256xf32>
    %max3A_2168 = arith.constant 9.99999971E-10 : f32
    %max3A_2169 = vector.broadcast %max3A_2168 : f32 to vector<256x256xf32>
    %max3A_2170 = arith.maximumf %sub3A_2167, %max3A_2169 : vector<256x256xf32>
    %div3A_2171 = arith.divf %mul3A_2163, %max3A_2170 : vector<256x256xf32>
    %gt3A_2172 = arith.constant 0.699999988 : f32
    %gt3A_2173 = vector.broadcast %gt3A_2172 : f32 to vector<256x256xf32>
    %gt3A_2174 = arith.cmpf ogt, %div3A_2171, %gt3A_2173 : vector<256x256xf32>
    %convert_element_type3A_2175 = arith.extui %gt3A_2174 : vector<256x256xi1> to vector<256x256xi32>
    %convert_element_type3A_2176 = arith.sitofp %convert_element_type3A_2175 : vector<256x256xi32> to vector<256x256xf32>
    %convert_element_type3A_2177 = arith.truncf %convert_element_type3A_2176 : vector<256x256xf32> to vector<256x256xbf16>
    %convert_element_type3A_2178 = arith.truncf %while3A_1768#0 : vector<1x256xf32> to vector<1x256xbf16>
    %dot_general3A_2179 = arith.constant dense<0.000000e+00> : vector<1x256xf32>
    %dot_general3A_2180 = tpu.matmul %convert_element_type3A_2178, %convert_element_type3A_2177, %dot_general3A_2179 {dimension_numbers = #tpu.dot_dimension_numbers<[1], [0], [0], [1], [0, 0, 1, 1], [], []>, transpose_lhs_hint = false} : vector<1x256xbf16>, vector<256x256xbf16>, vector<1x256xf32> -> vector<1x256xf32>
    %add3A_2181 = arith.addf %add3A_2124, %dot_general3A_2180 : vector<1x256xf32>
    %get3A_2182 = arith.constant 1792 : index
    %get3A_2183 = arith.constant 0 : index
    %get3A_2184 = vector.load %arg3[%get3A_2182, %get3A_2183] : memref<2048x4xf32, #tpu.memory_space<vmem>>, vector<256x1xf32>
    %get3A_2185 = arith.constant 1792 : index
    %get3A_2186 = arith.constant 1 : index
    %get3A_2187 = vector.load %arg3[%get3A_2185, %get3A_2186] : memref<2048x4xf32, #tpu.memory_space<vmem>>, vector<256x1xf32>
    %get3A_2188 = arith.constant 1792 : index
    %get3A_2189 = arith.constant 2 : index
    %get3A_2190 = vector.load %arg3[%get3A_2188, %get3A_2189] : memref<2048x4xf32, #tpu.memory_space<vmem>>, vector<256x1xf32>
    %get3A_2191 = arith.constant 1792 : index
    %get3A_2192 = arith.constant 3 : index
    %get3A_2193 = vector.load %arg3[%get3A_2191, %get3A_2192] : memref<2048x4xf32, #tpu.memory_space<vmem>>, vector<256x1xf32>
    %sub3A_2194 = arith.subf %get3A_2190, %get3A_2184 : vector<256x1xf32>
    %sub3A_2195 = arith.subf %get3A_2193, %get3A_2187 : vector<256x1xf32>
    %mul3A_2196 = arith.mulf %sub3A_2194, %sub3A_2195 : vector<256x1xf32>
    %sub3A_2197 = arith.subf %get3A_1777, %get3A_1771 : vector<1x256xf32>
    %sub3A_2198 = arith.subf %get3A_1780, %get3A_1774 : vector<1x256xf32>
    %mul3A_2199 = arith.mulf %sub3A_2197, %sub3A_2198 : vector<1x256xf32>
    %min3A_2200 = vector.broadcast %get3A_2190 : vector<256x1xf32> to vector<256x256xf32>
    %min3A_2201 = vector.broadcast %get3A_1777 : vector<1x256xf32> to vector<256x256xf32>
    %min3A_2202 = arith.minimumf %min3A_2200, %min3A_2201 : vector<256x256xf32>
    %max3A_2203 = vector.broadcast %get3A_2184 : vector<256x1xf32> to vector<256x256xf32>
    %max3A_2204 = vector.broadcast %get3A_1771 : vector<1x256xf32> to vector<256x256xf32>
    %max3A_2205 = arith.maximumf %max3A_2203, %max3A_2204 : vector<256x256xf32>
    %sub3A_2206 = arith.subf %min3A_2202, %max3A_2205 : vector<256x256xf32>
    %jit3A_2207 = arith.constant 0.000000e+00 : f32
    %max3A_2208 = vector.broadcast %jit3A_2207 : f32 to vector<256x256xf32>
    %max3A_2209 = arith.maximumf %max3A_2208, %sub3A_2206 : vector<256x256xf32>
    %min3A_2210 = vector.broadcast %get3A_2193 : vector<256x1xf32> to vector<256x256xf32>
    %min3A_2211 = vector.broadcast %get3A_1780 : vector<1x256xf32> to vector<256x256xf32>
    %min3A_2212 = arith.minimumf %min3A_2210, %min3A_2211 : vector<256x256xf32>
    %max3A_2213 = vector.broadcast %get3A_2187 : vector<256x1xf32> to vector<256x256xf32>
    %max3A_2214 = vector.broadcast %get3A_1774 : vector<1x256xf32> to vector<256x256xf32>
    %max3A_2215 = arith.maximumf %max3A_2213, %max3A_2214 : vector<256x256xf32>
    %sub3A_2216 = arith.subf %min3A_2212, %max3A_2215 : vector<256x256xf32>
    %jit3A_2217 = arith.constant 0.000000e+00 : f32
    %max3A_2218 = vector.broadcast %jit3A_2217 : f32 to vector<256x256xf32>
    %max3A_2219 = arith.maximumf %max3A_2218, %sub3A_2216 : vector<256x256xf32>
    %mul3A_2220 = arith.mulf %max3A_2209, %max3A_2219 : vector<256x256xf32>
    %add3A_2221 = vector.broadcast %mul3A_2196 : vector<256x1xf32> to vector<256x256xf32>
    %add3A_2222 = vector.broadcast %mul3A_2199 : vector<1x256xf32> to vector<256x256xf32>
    %add3A_2223 = arith.addf %add3A_2221, %add3A_2222 : vector<256x256xf32>
    %sub3A_2224 = arith.subf %add3A_2223, %mul3A_2220 : vector<256x256xf32>
    %max3A_2225 = arith.constant 9.99999971E-10 : f32
    %max3A_2226 = vector.broadcast %max3A_2225 : f32 to vector<256x256xf32>
    %max3A_2227 = arith.maximumf %sub3A_2224, %max3A_2226 : vector<256x256xf32>
    %div3A_2228 = arith.divf %mul3A_2220, %max3A_2227 : vector<256x256xf32>
    %gt3A_2229 = arith.constant 0.699999988 : f32
    %gt3A_2230 = vector.broadcast %gt3A_2229 : f32 to vector<256x256xf32>
    %gt3A_2231 = arith.cmpf ogt, %div3A_2228, %gt3A_2230 : vector<256x256xf32>
    %gt3A_2232 = arith.constant 5.000000e-01 : f32
    %gt3A_2233 = vector.broadcast %gt3A_2232 : f32 to vector<256x256xf32>
    %gt3A_2234 = arith.cmpf ogt, %convert_element_type3A_15, %gt3A_2233 : vector<256x256xf32>
    %and3A_2235 = arith.andi %gt3A_2231, %gt3A_2234 : vector<256x256xi1>
    %convert_element_type3A_2236 = arith.extui %and3A_2235 : vector<256x256xi1> to vector<256x256xi32>
    %convert_element_type3A_2237 = arith.sitofp %convert_element_type3A_2236 : vector<256x256xi32> to vector<256x256xf32>
    %convert_element_type3A_2238 = arith.truncf %convert_element_type3A_2237 : vector<256x256xf32> to vector<256x256xbf16>
    %swap3A_2239 = arith.constant 0 : index
    %swap3A_2240 = arith.constant 0 : index
    %swap3A_2241 = vector.load %arg5[%swap3A_2239, %swap3A_2240] : memref<256x256xbf16, #tpu.memory_space<vmem>>, vector<256x256xbf16>
    tpu.vector_store %arg5[%swap3A_2239, %swap3A_2240], %convert_element_type3A_2238 {strides = array<i32>} : memref<256x256xbf16, #tpu.memory_space<vmem>>, vector<256x256xbf16>,
    %lt3A_2242 = arith.constant 5.000000e-01 : f32
    %lt3A_2243 = vector.broadcast %lt3A_2242 : f32 to vector<1x256xf32>
    %lt3A_2244 = arith.cmpf olt, %add3A_2181, %lt3A_2243 : vector<1x256xf32>
    %convert_element_type3A_2245 = arith.extui %lt3A_2244 : vector<1x256xi1> to vector<1x256xi32>
    %convert_element_type3A_2246 = arith.sitofp %convert_element_type3A_2245 : vector<1x256xi32> to vector<1x256xf32>
    %while3A_2247 = arith.constant true
    %while3A_2248:2 = scf.while (%while3A_2535 = %convert_element_type3A_2246, %while3A_2536 = %while3A_2247) : (vector<1x256xf32>, i1) -> (vector<1x256xf32>, i1) {
      scf.condition(%while3A_2536) %while3A_2535, %while3A_2536 : vector<1x256xf32>, i1
    } do {
    ^bb0(%while3A_2535: vector<1x256xf32>, %while3A_2536: i1):
      %convert_element_type3A_2537 = arith.truncf %while3A_2535 : vector<1x256xf32> to vector<1x256xbf16>
      %get3A_2538 = arith.constant 0 : index
      %get3A_2539 = arith.constant 0 : index
      %get3A_2540 = vector.load %arg5[%get3A_2538, %get3A_2539] : memref<256x256xbf16, #tpu.memory_space<vmem>>, vector<256x256xbf16>
      %dot_general3A_2541 = arith.constant dense<0.000000e+00> : vector<1x256xf32>
      %dot_general3A_2542 = tpu.matmul %convert_element_type3A_2537, %get3A_2540, %dot_general3A_2541 {dimension_numbers = #tpu.dot_dimension_numbers<[1], [0], [0], [1], [0, 0, 1, 1], [], []>, transpose_lhs_hint = false} : vector<1x256xbf16>, vector<256x256xbf16>, vector<1x256xf32> -> vector<1x256xf32>
      %add3A_2543 = arith.addf %add3A_2181, %dot_general3A_2542 : vector<1x256xf32>
      %lt3A_2544 = arith.constant 5.000000e-01 : f32
      %lt3A_2545 = vector.broadcast %lt3A_2544 : f32 to vector<1x256xf32>
      %lt3A_2546 = arith.cmpf olt, %add3A_2543, %lt3A_2545 : vector<1x256xf32>
      %convert_element_type3A_2547 = arith.extui %lt3A_2546 : vector<1x256xi1> to vector<1x256xi32>
      %convert_element_type3A_2548 = arith.sitofp %convert_element_type3A_2547 : vector<1x256xi32> to vector<1x256xf32>
      %ne3A = arith.cmpf one, %convert_element_type3A_2548, %while3A_2535 : vector<1x256xf32>
      %reduce_or3A = arith.constant 1.000000e+00 : f32
      %reduce_or3A_2549 = arith.constant 0.000000e+00 : f32
      %reduce_or3A_2550 = vector.broadcast %reduce_or3A : f32 to vector<1x256xf32>
      %reduce_or3A_2551 = vector.broadcast %reduce_or3A_2549 : f32 to vector<1x256xf32>
      %reduce_or3A_2552 = arith.select %ne3A, %reduce_or3A_2550, %reduce_or3A_2551 : vector<1x256xi1>, vector<1x256xf32>
      %reduce_or3A_2553 = vector.shape_cast %reduce_or3A_2552 : vector<1x256xf32> to vector<1x1x256xf32>
      %reduce_or3A_2554 = arith.constant dense<0xFF800000> : vector<1xf32>
      %reduce_or3A_2555 = vector.multi_reduction <maximumf>, %reduce_or3A_2553, %reduce_or3A_2554 [1, 2] : vector<1x1x256xf32> to vector<1xf32>
      %reduce_or3A_2556 = vector.shape_cast %reduce_or3A_2555 : vector<1xf32> to vector<1x1x1xf32>
      %reduce_or3A_2557 = vector.extract %reduce_or3A_2556[0, 0, 0] : f32 from vector<1x1x1xf32>
      %reduce_or3A_2558 = arith.constant 0.000000e+00 : f32
      %reduce_or3A_2559 = arith.cmpf ogt, %reduce_or3A_2557, %reduce_or3A_2558 : f32
      scf.yield %convert_element_type3A_2548, %reduce_or3A_2559 : vector<1x256xf32>, i1
    }
    %concatenate3A = tpu.concatenate %while3A_86#0, %while3A_223#0, %while3A_418#0, %while3A_670#0, %while3A_979#0, %while3A_1345#0, %while3A_1768#0, %while3A_2248#0 in 0 : vector<1x256xf32>, vector<1x256xf32>, vector<1x256xf32>, vector<1x256xf32>, vector<1x256xf32>, vector<1x256xf32>, vector<1x256xf32>, vector<1x256xf32> -> vector<8x256xf32>
    %iota3A_2249 = tpu.iota {dimensions = array<i32: 0>} : vector<8x256xi32>
    %mul3A_2250 = arith.constant 256 : i32
    %mul3A_2251 = vector.broadcast %mul3A_2250 : i32 to vector<8x256xi32>
    %mul3A_2252 = arith.muli %iota3A_2249, %mul3A_2251 : vector<8x256xi32>
    %iota3A_2253 = tpu.iota {dimensions = array<i32: 1>} : vector<8x256xi32>
    %add3A_2254 = arith.addi %mul3A_2252, %iota3A_2253 : vector<8x256xi32>
    %lt3A_2255 = arith.constant 2000 : i32
    %lt3A_2256 = vector.broadcast %lt3A_2255 : i32 to vector<8x256xi32>
    %lt3A_2257 = arith.cmpi slt, %add3A_2254, %lt3A_2256 : vector<8x256xi32>
    %convert_element_type3A_2258 = arith.extui %lt3A_2257 : vector<8x256xi1> to vector<8x256xi32>
    %convert_element_type3A_2259 = arith.sitofp %convert_element_type3A_2258 : vector<8x256xi32> to vector<8x256xf32>
    %mul3A_2260 = arith.mulf %concatenate3A, %convert_element_type3A_2259 : vector<8x256xf32>
    %sub3A_2261 = arith.subf %convert_element_type3A_2259, %mul3A_2260 : vector<8x256xf32>
    %iota3A_2262 = tpu.iota {dimensions = array<i32: 0>} : vector<256x256xi32>
    %iota3A_2263 = tpu.iota {dimensions = array<i32: 1>} : vector<256x256xi32>
    %le3A = arith.cmpi sle, %iota3A_2262, %iota3A_2263 : vector<256x256xi32>
    %convert_element_type3A_2264 = arith.extui %le3A : vector<256x256xi1> to vector<256x256xi32>
    %convert_element_type3A_2265 = arith.sitofp %convert_element_type3A_2264 : vector<256x256xi32> to vector<256x256xf32>
    %dot_general3A_2266 = arith.constant dense<0.000000e+00> : vector<8x256xf32>
    %dot_general3A_2267 = tpu.matmul %mul3A_2260, %convert_element_type3A_2265, %dot_general3A_2266 {dimension_numbers = #tpu.dot_dimension_numbers<[1], [0], [0], [1], [0, 0, 1, 1], [], []>, transpose_lhs_hint = false} : vector<8x256xf32>, vector<256x256xf32>, vector<8x256xf32> -> vector<8x256xf32>
    %dot_general3A_2268 = arith.constant dense<0.000000e+00> : vector<8x256xf32>
    %dot_general3A_2269 = tpu.matmul %sub3A_2261, %convert_element_type3A_2265, %dot_general3A_2268 {dimension_numbers = #tpu.dot_dimension_numbers<[1], [0], [0], [1], [0, 0, 1, 1], [], []>, transpose_lhs_hint = false} : vector<8x256xf32>, vector<256x256xf32>, vector<8x256xf32> -> vector<8x256xf32>
    %broadcast_in_dim3A_2270 = arith.constant 0.000000e+00 : f32
    %broadcast_in_dim3A_2271 = vector.broadcast %broadcast_in_dim3A_2270 : f32 to vector<1x1xf32>
    %slice3A = vector.extract_strided_slice %dot_general3A_2267 {offsets = [0, 255], sizes = [1, 1], strides = [1, 1]} : vector<8x256xf32> to vector<1x1xf32>
    %add3A_2272 = arith.addf %broadcast_in_dim3A_2271, %slice3A : vector<1x1xf32>
    %slice3A_2273 = vector.extract_strided_slice %dot_general3A_2267 {offsets = [1, 255], sizes = [1, 1], strides = [1, 1]} : vector<8x256xf32> to vector<1x1xf32>
    %add3A_2274 = arith.addf %add3A_2272, %slice3A_2273 : vector<1x1xf32>
    %slice3A_2275 = vector.extract_strided_slice %dot_general3A_2267 {offsets = [2, 255], sizes = [1, 1], strides = [1, 1]} : vector<8x256xf32> to vector<1x1xf32>
    %add3A_2276 = arith.addf %add3A_2274, %slice3A_2275 : vector<1x1xf32>
    %slice3A_2277 = vector.extract_strided_slice %dot_general3A_2267 {offsets = [3, 255], sizes = [1, 1], strides = [1, 1]} : vector<8x256xf32> to vector<1x1xf32>
    %add3A_2278 = arith.addf %add3A_2276, %slice3A_2277 : vector<1x1xf32>
    %slice3A_2279 = vector.extract_strided_slice %dot_general3A_2267 {offsets = [4, 255], sizes = [1, 1], strides = [1, 1]} : vector<8x256xf32> to vector<1x1xf32>
    %add3A_2280 = arith.addf %add3A_2278, %slice3A_2279 : vector<1x1xf32>
    %slice3A_2281 = vector.extract_strided_slice %dot_general3A_2267 {offsets = [5, 255], sizes = [1, 1], strides = [1, 1]} : vector<8x256xf32> to vector<1x1xf32>
    %add3A_2282 = arith.addf %add3A_2280, %slice3A_2281 : vector<1x1xf32>
    %slice3A_2283 = vector.extract_strided_slice %dot_general3A_2267 {offsets = [6, 255], sizes = [1, 1], strides = [1, 1]} : vector<8x256xf32> to vector<1x1xf32>
    %add3A_2284 = arith.addf %add3A_2282, %slice3A_2283 : vector<1x1xf32>
    %concatenate3A_2285 = tpu.concatenate %broadcast_in_dim3A_2271, %add3A_2272, %add3A_2274, %add3A_2276, %add3A_2278, %add3A_2280, %add3A_2282, %add3A_2284 in 0 : vector<1x1xf32>, vector<1x1xf32>, vector<1x1xf32>, vector<1x1xf32>, vector<1x1xf32>, vector<1x1xf32>, vector<1x1xf32>, vector<1x1xf32> -> vector<8x1xf32>
    %broadcast_in_dim3A_2286 = arith.constant 0.000000e+00 : f32
    %broadcast_in_dim3A_2287 = vector.broadcast %broadcast_in_dim3A_2286 : f32 to vector<1x1xf32>
    %slice3A_2288 = vector.extract_strided_slice %dot_general3A_2269 {offsets = [0, 255], sizes = [1, 1], strides = [1, 1]} : vector<8x256xf32> to vector<1x1xf32>
    %add3A_2289 = arith.addf %broadcast_in_dim3A_2287, %slice3A_2288 : vector<1x1xf32>
    %slice3A_2290 = vector.extract_strided_slice %dot_general3A_2269 {offsets = [1, 255], sizes = [1, 1], strides = [1, 1]} : vector<8x256xf32> to vector<1x1xf32>
    %add3A_2291 = arith.addf %add3A_2289, %slice3A_2290 : vector<1x1xf32>
    %slice3A_2292 = vector.extract_strided_slice %dot_general3A_2269 {offsets = [2, 255], sizes = [1, 1], strides = [1, 1]} : vector<8x256xf32> to vector<1x1xf32>
    %add3A_2293 = arith.addf %add3A_2291, %slice3A_2292 : vector<1x1xf32>
    %slice3A_2294 = vector.extract_strided_slice %dot_general3A_2269 {offsets = [3, 255], sizes = [1, 1], strides = [1, 1]} : vector<8x256xf32> to vector<1x1xf32>
    %add3A_2295 = arith.addf %add3A_2293, %slice3A_2294 : vector<1x1xf32>
    %slice3A_2296 = vector.extract_strided_slice %dot_general3A_2269 {offsets = [4, 255], sizes = [1, 1], strides = [1, 1]} : vector<8x256xf32> to vector<1x1xf32>
    %add3A_2297 = arith.addf %add3A_2295, %slice3A_2296 : vector<1x1xf32>
    %slice3A_2298 = vector.extract_strided_slice %dot_general3A_2269 {offsets = [5, 255], sizes = [1, 1], strides = [1, 1]} : vector<8x256xf32> to vector<1x1xf32>
    %add3A_2299 = arith.addf %add3A_2297, %slice3A_2298 : vector<1x1xf32>
    %slice3A_2300 = vector.extract_strided_slice %dot_general3A_2269 {offsets = [6, 255], sizes = [1, 1], strides = [1, 1]} : vector<8x256xf32> to vector<1x1xf32>
    %add3A_2301 = arith.addf %add3A_2299, %slice3A_2300 : vector<1x1xf32>
    %concatenate3A_2302 = tpu.concatenate %broadcast_in_dim3A_2287, %add3A_2289, %add3A_2291, %add3A_2293, %add3A_2295, %add3A_2297, %add3A_2299, %add3A_2301 in 0 : vector<1x1xf32>, vector<1x1xf32>, vector<1x1xf32>, vector<1x1xf32>, vector<1x1xf32>, vector<1x1xf32>, vector<1x1xf32>, vector<1x1xf32> -> vector<8x1xf32>
    %slice3A_2303 = vector.extract_strided_slice %concatenate3A_2285 {offsets = [7, 0], sizes = [1, 1], strides = [1, 1]} : vector<8x1xf32> to vector<1x1xf32>
    %slice3A_2304 = vector.extract_strided_slice %dot_general3A_2267 {offsets = [7, 255], sizes = [1, 1], strides = [1, 1]} : vector<8x256xf32> to vector<1x1xf32>
    %add3A_2305 = arith.addf %slice3A_2303, %slice3A_2304 : vector<1x1xf32>
    %add3A_2306 = vector.broadcast %concatenate3A_2285 : vector<8x1xf32> to vector<8x256xf32>
    %add3A_2307 = arith.addf %dot_general3A_2267, %add3A_2306 : vector<8x256xf32>
    %sub3A_2308 = arith.subf %add3A_2307, %mul3A_2260 : vector<8x256xf32>
    %add3A_2309 = vector.broadcast %concatenate3A_2302 : vector<8x1xf32> to vector<8x256xf32>
    %add3A_2310 = arith.addf %dot_general3A_2269, %add3A_2309 : vector<8x256xf32>
    %sub3A_2311 = arith.subf %add3A_2310, %sub3A_2261 : vector<8x256xf32>
    %gt3A_2312 = arith.constant 5.000000e-01 : f32
    %gt3A_2313 = vector.broadcast %gt3A_2312 : f32 to vector<8x256xf32>
    %gt3A_2314 = arith.cmpf ogt, %mul3A_2260, %gt3A_2313 : vector<8x256xf32>
    %add3A_2315 = vector.broadcast %add3A_2305 : vector<1x1xf32> to vector<8x256xf32>
    %add3A_2316 = arith.addf %add3A_2315, %sub3A_2311 : vector<8x256xf32>
    %select_n3A = arith.select %gt3A_2314, %sub3A_2308, %add3A_2316 : vector<8x256xi1>, vector<8x256xf32>
    %lt3A_2317 = arith.constant 2000 : i32
    %lt3A_2318 = vector.broadcast %lt3A_2317 : i32 to vector<8x256xi32>
    %lt3A_2319 = arith.cmpi slt, %add3A_2254, %lt3A_2318 : vector<8x256xi32>
    %jit3A_2320 = arith.constant 2.048000e+03 : f32
    %broadcast_in_dim3A_2321 = vector.broadcast %jit3A_2320 : f32 to vector<8x256xf32>
    %select_n3A_2322 = arith.select %lt3A_2319, %select_n3A, %broadcast_in_dim3A_2321 : vector<8x256xi1>, vector<8x256xf32>
    %get3A_2323 = arith.constant 0 : index
    %get3A_2324 = arith.constant 0 : index
    %get3A_2325 = vector.load %arg1[%get3A_2323, %get3A_2324] : memref<2000x1xf32, #tpu.memory_space<vmem>>, vector<2000x1xf32>
    %eq3A = arith.constant 0xFF800000 : f32
    %eq3A_2326 = vector.broadcast %eq3A : f32 to vector<2000x1xf32>
    %eq3A_2327 = arith.cmpf oeq, %get3A_2325, %eq3A_2326 : vector<2000x1xf32>
    %convert_element_type3A_2328 = arith.extui %eq3A_2327 : vector<2000x1xi1> to vector<2000x1xi32>
    %convert_element_type3A_2329 = arith.sitofp %convert_element_type3A_2328 : vector<2000x1xi32> to vector<2000x1xf32>
    %broadcast_in_dim3A_2330 = arith.constant 1.000000e+00 : f32
    %broadcast_in_dim3A_2331 = vector.broadcast %broadcast_in_dim3A_2330 : f32 to vector<48x1xf32>
    %concatenate3A_2332 = tpu.concatenate %convert_element_type3A_2329, %broadcast_in_dim3A_2331 in 0 : vector<2000x1xf32>, vector<48x1xf32> -> vector<2048x1xf32>
    %eq3A_2333 = arith.constant 0xFF800000 : f32
    %eq3A_2334 = vector.broadcast %eq3A_2333 : f32 to vector<2000x1xf32>
    %eq3A_2335 = arith.cmpf oeq, %get3A_2325, %eq3A_2334 : vector<2000x1xf32>
    %jit3A_2336 = arith.constant 0.000000e+00 : f32
    %broadcast_in_dim3A_2337 = vector.broadcast %jit3A_2336 : f32 to vector<2000x1xf32>
    %select_n3A_2338 = arith.select %eq3A_2335, %broadcast_in_dim3A_2337, %get3A_2325 : vector<2000x1xi1>, vector<2000x1xf32>
    %broadcast_in_dim3A_2339 = arith.constant 0.000000e+00 : f32
    %broadcast_in_dim3A_2340 = vector.broadcast %broadcast_in_dim3A_2339 : f32 to vector<48x1xf32>
    %concatenate3A_2341 = tpu.concatenate %select_n3A_2338, %broadcast_in_dim3A_2340 in 0 : vector<2000x1xf32>, vector<48x1xf32> -> vector<2048x1xf32>
    %iota3A_2342 = tpu.iota {dimensions = array<i32: 0>} : vector<1024x1xi32>
    %convert_element_type3A_2343 = arith.sitofp %iota3A_2342 : vector<1024x1xi32> to vector<1024x1xf32>
    %broadcast_in_dim3A_2344 = arith.constant 0.000000e+00 : f32
    %broadcast_in_dim3A_2345 = vector.broadcast %broadcast_in_dim3A_2344 : f32 to vector<1024x5xf32>
    %broadcast_in_dim3A_2346 = arith.constant 0.000000e+00 : f32
    %broadcast_in_dim3A_2347 = vector.broadcast %broadcast_in_dim3A_2346 : f32 to vector<1024x1xf32>
    %slice3A_2348 = vector.extract_strided_slice %select_n3A_2322 {offsets = [0, 0], sizes = [1, 256], strides = [1, 1]} : vector<8x256xf32> to vector<1x256xf32>
    %sub3A_2349 = vector.broadcast %convert_element_type3A_2343 : vector<1024x1xf32> to vector<1024x256xf32>
    %sub3A_2350 = vector.broadcast %slice3A_2348 : vector<1x256xf32> to vector<1024x256xf32>
    %sub3A_2351 = arith.subf %sub3A_2349, %sub3A_2350 : vector<1024x256xf32>
    %abs3A = math.absf %sub3A_2351 : vector<1024x256xf32>
    %lt3A_2352 = arith.constant 2.500000e-01 : f32
    %lt3A_2353 = vector.broadcast %lt3A_2352 : f32 to vector<1024x256xf32>
    %lt3A_2354 = arith.cmpf olt, %abs3A, %lt3A_2353 : vector<1024x256xf32>
    %convert_element_type3A_2355 = arith.extui %lt3A_2354 : vector<1024x256xi1> to vector<1024x256xi32>
    %convert_element_type3A_2356 = arith.sitofp %convert_element_type3A_2355 : vector<1024x256xi32> to vector<1024x256xf32>
    %get3A_2357 = arith.constant 0 : index
    %get3A_2358 = arith.constant 0 : index
    %get3A_2359 = vector.load %arg3[%get3A_2357, %get3A_2358] : memref<2048x4xf32, #tpu.memory_space<vmem>>, vector<256x4xf32>
    %slice3A_2360 = vector.extract_strided_slice %concatenate3A_2341 {offsets = [0, 0], sizes = [256, 1], strides = [1, 1]} : vector<2048x1xf32> to vector<256x1xf32>
    %concatenate3A_2361 = tpu.concatenate %get3A_2359, %slice3A_2360 in 1 : vector<256x4xf32>, vector<256x1xf32> -> vector<256x5xf32>
    %dot_general3A_2362 = arith.constant dense<0.000000e+00> : vector<1024x5xf32>
    %dot_general3A_2363 = tpu.matmul %convert_element_type3A_2356, %concatenate3A_2361, %dot_general3A_2362 {dimension_numbers = #tpu.dot_dimension_numbers<[1], [0], [0], [1], [0, 0, 1, 1], [], []>, transpose_lhs_hint = false} : vector<1024x256xf32>, vector<256x5xf32>, vector<1024x5xf32> -> vector<1024x5xf32>
    %add3A_2364 = arith.addf %broadcast_in_dim3A_2345, %dot_general3A_2363 : vector<1024x5xf32>
    %slice3A_2365 = vector.extract_strided_slice %concatenate3A_2332 {offsets = [0, 0], sizes = [256, 1], strides = [1, 1]} : vector<2048x1xf32> to vector<256x1xf32>
    %dot_general3A_2366 = arith.constant dense<0.000000e+00> : vector<1024x1xf32>
    %dot_general3A_2367 = tpu.matmul %convert_element_type3A_2356, %slice3A_2365, %dot_general3A_2366 {dimension_numbers = #tpu.dot_dimension_numbers<[1], [0], [0], [1], [0, 0, 1, 1], [], []>, transpose_lhs_hint = false} : vector<1024x256xf32>, vector<256x1xf32>, vector<1024x1xf32> -> vector<1024x1xf32>
    %add3A_2368 = arith.addf %broadcast_in_dim3A_2347, %dot_general3A_2367 : vector<1024x1xf32>
    %slice3A_2369 = vector.extract_strided_slice %select_n3A_2322 {offsets = [1, 0], sizes = [1, 256], strides = [1, 1]} : vector<8x256xf32> to vector<1x256xf32>
    %sub3A_2370 = vector.broadcast %convert_element_type3A_2343 : vector<1024x1xf32> to vector<1024x256xf32>
    %sub3A_2371 = vector.broadcast %slice3A_2369 : vector<1x256xf32> to vector<1024x256xf32>
    %sub3A_2372 = arith.subf %sub3A_2370, %sub3A_2371 : vector<1024x256xf32>
    %abs3A_2373 = math.absf %sub3A_2372 : vector<1024x256xf32>
    %lt3A_2374 = arith.constant 2.500000e-01 : f32
    %lt3A_2375 = vector.broadcast %lt3A_2374 : f32 to vector<1024x256xf32>
    %lt3A_2376 = arith.cmpf olt, %abs3A_2373, %lt3A_2375 : vector<1024x256xf32>
    %convert_element_type3A_2377 = arith.extui %lt3A_2376 : vector<1024x256xi1> to vector<1024x256xi32>
    %convert_element_type3A_2378 = arith.sitofp %convert_element_type3A_2377 : vector<1024x256xi32> to vector<1024x256xf32>
    %get3A_2379 = arith.constant 256 : index
    %get3A_2380 = arith.constant 0 : index
    %get3A_2381 = vector.load %arg3[%get3A_2379, %get3A_2380] : memref<2048x4xf32, #tpu.memory_space<vmem>>, vector<256x4xf32>
    %slice3A_2382 = vector.extract_strided_slice %concatenate3A_2341 {offsets = [256, 0], sizes = [256, 1], strides = [1, 1]} : vector<2048x1xf32> to vector<256x1xf32>
    %concatenate3A_2383 = tpu.concatenate %get3A_2381, %slice3A_2382 in 1 : vector<256x4xf32>, vector<256x1xf32> -> vector<256x5xf32>
    %dot_general3A_2384 = arith.constant dense<0.000000e+00> : vector<1024x5xf32>
    %dot_general3A_2385 = tpu.matmul %convert_element_type3A_2378, %concatenate3A_2383, %dot_general3A_2384 {dimension_numbers = #tpu.dot_dimension_numbers<[1], [0], [0], [1], [0, 0, 1, 1], [], []>, transpose_lhs_hint = false} : vector<1024x256xf32>, vector<256x5xf32>, vector<1024x5xf32> -> vector<1024x5xf32>
    %add3A_2386 = arith.addf %add3A_2364, %dot_general3A_2385 : vector<1024x5xf32>
    %slice3A_2387 = vector.extract_strided_slice %concatenate3A_2332 {offsets = [256, 0], sizes = [256, 1], strides = [1, 1]} : vector<2048x1xf32> to vector<256x1xf32>
    %dot_general3A_2388 = arith.constant dense<0.000000e+00> : vector<1024x1xf32>
    %dot_general3A_2389 = tpu.matmul %convert_element_type3A_2378, %slice3A_2387, %dot_general3A_2388 {dimension_numbers = #tpu.dot_dimension_numbers<[1], [0], [0], [1], [0, 0, 1, 1], [], []>, transpose_lhs_hint = false} : vector<1024x256xf32>, vector<256x1xf32>, vector<1024x1xf32> -> vector<1024x1xf32>
    %add3A_2390 = arith.addf %add3A_2368, %dot_general3A_2389 : vector<1024x1xf32>
    %slice3A_2391 = vector.extract_strided_slice %select_n3A_2322 {offsets = [2, 0], sizes = [1, 256], strides = [1, 1]} : vector<8x256xf32> to vector<1x256xf32>
    %sub3A_2392 = vector.broadcast %convert_element_type3A_2343 : vector<1024x1xf32> to vector<1024x256xf32>
    %sub3A_2393 = vector.broadcast %slice3A_2391 : vector<1x256xf32> to vector<1024x256xf32>
    %sub3A_2394 = arith.subf %sub3A_2392, %sub3A_2393 : vector<1024x256xf32>
    %abs3A_2395 = math.absf %sub3A_2394 : vector<1024x256xf32>
    %lt3A_2396 = arith.constant 2.500000e-01 : f32
    %lt3A_2397 = vector.broadcast %lt3A_2396 : f32 to vector<1024x256xf32>
    %lt3A_2398 = arith.cmpf olt, %abs3A_2395, %lt3A_2397 : vector<1024x256xf32>
    %convert_element_type3A_2399 = arith.extui %lt3A_2398 : vector<1024x256xi1> to vector<1024x256xi32>
    %convert_element_type3A_2400 = arith.sitofp %convert_element_type3A_2399 : vector<1024x256xi32> to vector<1024x256xf32>
    %get3A_2401 = arith.constant 512 : index
    %get3A_2402 = arith.constant 0 : index
    %get3A_2403 = vector.load %arg3[%get3A_2401, %get3A_2402] : memref<2048x4xf32, #tpu.memory_space<vmem>>, vector<256x4xf32>
    %slice3A_2404 = vector.extract_strided_slice %concatenate3A_2341 {offsets = [512, 0], sizes = [256, 1], strides = [1, 1]} : vector<2048x1xf32> to vector<256x1xf32>
    %concatenate3A_2405 = tpu.concatenate %get3A_2403, %slice3A_2404 in 1 : vector<256x4xf32>, vector<256x1xf32> -> vector<256x5xf32>
    %dot_general3A_2406 = arith.constant dense<0.000000e+00> : vector<1024x5xf32>
    %dot_general3A_2407 = tpu.matmul %convert_element_type3A_2400, %concatenate3A_2405, %dot_general3A_2406 {dimension_numbers = #tpu.dot_dimension_numbers<[1], [0], [0], [1], [0, 0, 1, 1], [], []>, transpose_lhs_hint = false} : vector<1024x256xf32>, vector<256x5xf32>, vector<1024x5xf32> -> vector<1024x5xf32>
    %add3A_2408 = arith.addf %add3A_2386, %dot_general3A_2407 : vector<1024x5xf32>
    %slice3A_2409 = vector.extract_strided_slice %concatenate3A_2332 {offsets = [512, 0], sizes = [256, 1], strides = [1, 1]} : vector<2048x1xf32> to vector<256x1xf32>
    %dot_general3A_2410 = arith.constant dense<0.000000e+00> : vector<1024x1xf32>
    %dot_general3A_2411 = tpu.matmul %convert_element_type3A_2400, %slice3A_2409, %dot_general3A_2410 {dimension_numbers = #tpu.dot_dimension_numbers<[1], [0], [0], [1], [0, 0, 1, 1], [], []>, transpose_lhs_hint = false} : vector<1024x256xf32>, vector<256x1xf32>, vector<1024x1xf32> -> vector<1024x1xf32>
    %add3A_2412 = arith.addf %add3A_2390, %dot_general3A_2411 : vector<1024x1xf32>
    %slice3A_2413 = vector.extract_strided_slice %select_n3A_2322 {offsets = [3, 0], sizes = [1, 256], strides = [1, 1]} : vector<8x256xf32> to vector<1x256xf32>
    %sub3A_2414 = vector.broadcast %convert_element_type3A_2343 : vector<1024x1xf32> to vector<1024x256xf32>
    %sub3A_2415 = vector.broadcast %slice3A_2413 : vector<1x256xf32> to vector<1024x256xf32>
    %sub3A_2416 = arith.subf %sub3A_2414, %sub3A_2415 : vector<1024x256xf32>
    %abs3A_2417 = math.absf %sub3A_2416 : vector<1024x256xf32>
    %lt3A_2418 = arith.constant 2.500000e-01 : f32
    %lt3A_2419 = vector.broadcast %lt3A_2418 : f32 to vector<1024x256xf32>
    %lt3A_2420 = arith.cmpf olt, %abs3A_2417, %lt3A_2419 : vector<1024x256xf32>
    %convert_element_type3A_2421 = arith.extui %lt3A_2420 : vector<1024x256xi1> to vector<1024x256xi32>
    %convert_element_type3A_2422 = arith.sitofp %convert_element_type3A_2421 : vector<1024x256xi32> to vector<1024x256xf32>
    %get3A_2423 = arith.constant 768 : index
    %get3A_2424 = arith.constant 0 : index
    %get3A_2425 = vector.load %arg3[%get3A_2423, %get3A_2424] : memref<2048x4xf32, #tpu.memory_space<vmem>>, vector<256x4xf32>
    %slice3A_2426 = vector.extract_strided_slice %concatenate3A_2341 {offsets = [768, 0], sizes = [256, 1], strides = [1, 1]} : vector<2048x1xf32> to vector<256x1xf32>
    %concatenate3A_2427 = tpu.concatenate %get3A_2425, %slice3A_2426 in 1 : vector<256x4xf32>, vector<256x1xf32> -> vector<256x5xf32>
    %dot_general3A_2428 = arith.constant dense<0.000000e+00> : vector<1024x5xf32>
    %dot_general3A_2429 = tpu.matmul %convert_element_type3A_2422, %concatenate3A_2427, %dot_general3A_2428 {dimension_numbers = #tpu.dot_dimension_numbers<[1], [0], [0], [1], [0, 0, 1, 1], [], []>, transpose_lhs_hint = false} : vector<1024x256xf32>, vector<256x5xf32>, vector<1024x5xf32> -> vector<1024x5xf32>
    %add3A_2430 = arith.addf %add3A_2408, %dot_general3A_2429 : vector<1024x5xf32>
    %slice3A_2431 = vector.extract_strided_slice %concatenate3A_2332 {offsets = [768, 0], sizes = [256, 1], strides = [1, 1]} : vector<2048x1xf32> to vector<256x1xf32>
    %dot_general3A_2432 = arith.constant dense<0.000000e+00> : vector<1024x1xf32>
    %dot_general3A_2433 = tpu.matmul %convert_element_type3A_2422, %slice3A_2431, %dot_general3A_2432 {dimension_numbers = #tpu.dot_dimension_numbers<[1], [0], [0], [1], [0, 0, 1, 1], [], []>, transpose_lhs_hint = false} : vector<1024x256xf32>, vector<256x1xf32>, vector<1024x1xf32> -> vector<1024x1xf32>
    %add3A_2434 = arith.addf %add3A_2412, %dot_general3A_2433 : vector<1024x1xf32>
    %slice3A_2435 = vector.extract_strided_slice %select_n3A_2322 {offsets = [4, 0], sizes = [1, 256], strides = [1, 1]} : vector<8x256xf32> to vector<1x256xf32>
    %sub3A_2436 = vector.broadcast %convert_element_type3A_2343 : vector<1024x1xf32> to vector<1024x256xf32>
    %sub3A_2437 = vector.broadcast %slice3A_2435 : vector<1x256xf32> to vector<1024x256xf32>
    %sub3A_2438 = arith.subf %sub3A_2436, %sub3A_2437 : vector<1024x256xf32>
    %abs3A_2439 = math.absf %sub3A_2438 : vector<1024x256xf32>
    %lt3A_2440 = arith.constant 2.500000e-01 : f32
    %lt3A_2441 = vector.broadcast %lt3A_2440 : f32 to vector<1024x256xf32>
    %lt3A_2442 = arith.cmpf olt, %abs3A_2439, %lt3A_2441 : vector<1024x256xf32>
    %convert_element_type3A_2443 = arith.extui %lt3A_2442 : vector<1024x256xi1> to vector<1024x256xi32>
    %convert_element_type3A_2444 = arith.sitofp %convert_element_type3A_2443 : vector<1024x256xi32> to vector<1024x256xf32>
    %get3A_2445 = arith.constant 1024 : index
    %get3A_2446 = arith.constant 0 : index
    %get3A_2447 = vector.load %arg3[%get3A_2445, %get3A_2446] : memref<2048x4xf32, #tpu.memory_space<vmem>>, vector<256x4xf32>
    %slice3A_2448 = vector.extract_strided_slice %concatenate3A_2341 {offsets = [1024, 0], sizes = [256, 1], strides = [1, 1]} : vector<2048x1xf32> to vector<256x1xf32>
    %concatenate3A_2449 = tpu.concatenate %get3A_2447, %slice3A_2448 in 1 : vector<256x4xf32>, vector<256x1xf32> -> vector<256x5xf32>
    %dot_general3A_2450 = arith.constant dense<0.000000e+00> : vector<1024x5xf32>
    %dot_general3A_2451 = tpu.matmul %convert_element_type3A_2444, %concatenate3A_2449, %dot_general3A_2450 {dimension_numbers = #tpu.dot_dimension_numbers<[1], [0], [0], [1], [0, 0, 1, 1], [], []>, transpose_lhs_hint = false} : vector<1024x256xf32>, vector<256x5xf32>, vector<1024x5xf32> -> vector<1024x5xf32>
    %add3A_2452 = arith.addf %add3A_2430, %dot_general3A_2451 : vector<1024x5xf32>
    %slice3A_2453 = vector.extract_strided_slice %concatenate3A_2332 {offsets = [1024, 0], sizes = [256, 1], strides = [1, 1]} : vector<2048x1xf32> to vector<256x1xf32>
    %dot_general3A_2454 = arith.constant dense<0.000000e+00> : vector<1024x1xf32>
    %dot_general3A_2455 = tpu.matmul %convert_element_type3A_2444, %slice3A_2453, %dot_general3A_2454 {dimension_numbers = #tpu.dot_dimension_numbers<[1], [0], [0], [1], [0, 0, 1, 1], [], []>, transpose_lhs_hint = false} : vector<1024x256xf32>, vector<256x1xf32>, vector<1024x1xf32> -> vector<1024x1xf32>
    %add3A_2456 = arith.addf %add3A_2434, %dot_general3A_2455 : vector<1024x1xf32>
    %slice3A_2457 = vector.extract_strided_slice %select_n3A_2322 {offsets = [5, 0], sizes = [1, 256], strides = [1, 1]} : vector<8x256xf32> to vector<1x256xf32>
    %sub3A_2458 = vector.broadcast %convert_element_type3A_2343 : vector<1024x1xf32> to vector<1024x256xf32>
    %sub3A_2459 = vector.broadcast %slice3A_2457 : vector<1x256xf32> to vector<1024x256xf32>
    %sub3A_2460 = arith.subf %sub3A_2458, %sub3A_2459 : vector<1024x256xf32>
    %abs3A_2461 = math.absf %sub3A_2460 : vector<1024x256xf32>
    %lt3A_2462 = arith.constant 2.500000e-01 : f32
    %lt3A_2463 = vector.broadcast %lt3A_2462 : f32 to vector<1024x256xf32>
    %lt3A_2464 = arith.cmpf olt, %abs3A_2461, %lt3A_2463 : vector<1024x256xf32>
    %convert_element_type3A_2465 = arith.extui %lt3A_2464 : vector<1024x256xi1> to vector<1024x256xi32>
    %convert_element_type3A_2466 = arith.sitofp %convert_element_type3A_2465 : vector<1024x256xi32> to vector<1024x256xf32>
    %get3A_2467 = arith.constant 1280 : index
    %get3A_2468 = arith.constant 0 : index
    %get3A_2469 = vector.load %arg3[%get3A_2467, %get3A_2468] : memref<2048x4xf32, #tpu.memory_space<vmem>>, vector<256x4xf32>
    %slice3A_2470 = vector.extract_strided_slice %concatenate3A_2341 {offsets = [1280, 0], sizes = [256, 1], strides = [1, 1]} : vector<2048x1xf32> to vector<256x1xf32>
    %concatenate3A_2471 = tpu.concatenate %get3A_2469, %slice3A_2470 in 1 : vector<256x4xf32>, vector<256x1xf32> -> vector<256x5xf32>
    %dot_general3A_2472 = arith.constant dense<0.000000e+00> : vector<1024x5xf32>
    %dot_general3A_2473 = tpu.matmul %convert_element_type3A_2466, %concatenate3A_2471, %dot_general3A_2472 {dimension_numbers = #tpu.dot_dimension_numbers<[1], [0], [0], [1], [0, 0, 1, 1], [], []>, transpose_lhs_hint = false} : vector<1024x256xf32>, vector<256x5xf32>, vector<1024x5xf32> -> vector<1024x5xf32>
    %add3A_2474 = arith.addf %add3A_2452, %dot_general3A_2473 : vector<1024x5xf32>
    %slice3A_2475 = vector.extract_strided_slice %concatenate3A_2332 {offsets = [1280, 0], sizes = [256, 1], strides = [1, 1]} : vector<2048x1xf32> to vector<256x1xf32>
    %dot_general3A_2476 = arith.constant dense<0.000000e+00> : vector<1024x1xf32>
    %dot_general3A_2477 = tpu.matmul %convert_element_type3A_2466, %slice3A_2475, %dot_general3A_2476 {dimension_numbers = #tpu.dot_dimension_numbers<[1], [0], [0], [1], [0, 0, 1, 1], [], []>, transpose_lhs_hint = false} : vector<1024x256xf32>, vector<256x1xf32>, vector<1024x1xf32> -> vector<1024x1xf32>
    %add3A_2478 = arith.addf %add3A_2456, %dot_general3A_2477 : vector<1024x1xf32>
    %slice3A_2479 = vector.extract_strided_slice %select_n3A_2322 {offsets = [6, 0], sizes = [1, 256], strides = [1, 1]} : vector<8x256xf32> to vector<1x256xf32>
    %sub3A_2480 = vector.broadcast %convert_element_type3A_2343 : vector<1024x1xf32> to vector<1024x256xf32>
    %sub3A_2481 = vector.broadcast %slice3A_2479 : vector<1x256xf32> to vector<1024x256xf32>
    %sub3A_2482 = arith.subf %sub3A_2480, %sub3A_2481 : vector<1024x256xf32>
    %abs3A_2483 = math.absf %sub3A_2482 : vector<1024x256xf32>
    %lt3A_2484 = arith.constant 2.500000e-01 : f32
    %lt3A_2485 = vector.broadcast %lt3A_2484 : f32 to vector<1024x256xf32>
    %lt3A_2486 = arith.cmpf olt, %abs3A_2483, %lt3A_2485 : vector<1024x256xf32>
    %convert_element_type3A_2487 = arith.extui %lt3A_2486 : vector<1024x256xi1> to vector<1024x256xi32>
    %convert_element_type3A_2488 = arith.sitofp %convert_element_type3A_2487 : vector<1024x256xi32> to vector<1024x256xf32>
    %get3A_2489 = arith.constant 1536 : index
    %get3A_2490 = arith.constant 0 : index
    %get3A_2491 = vector.load %arg3[%get3A_2489, %get3A_2490] : memref<2048x4xf32, #tpu.memory_space<vmem>>, vector<256x4xf32>
    %slice3A_2492 = vector.extract_strided_slice %concatenate3A_2341 {offsets = [1536, 0], sizes = [256, 1], strides = [1, 1]} : vector<2048x1xf32> to vector<256x1xf32>
    %concatenate3A_2493 = tpu.concatenate %get3A_2491, %slice3A_2492 in 1 : vector<256x4xf32>, vector<256x1xf32> -> vector<256x5xf32>
    %dot_general3A_2494 = arith.constant dense<0.000000e+00> : vector<1024x5xf32>
    %dot_general3A_2495 = tpu.matmul %convert_element_type3A_2488, %concatenate3A_2493, %dot_general3A_2494 {dimension_numbers = #tpu.dot_dimension_numbers<[1], [0], [0], [1], [0, 0, 1, 1], [], []>, transpose_lhs_hint = false} : vector<1024x256xf32>, vector<256x5xf32>, vector<1024x5xf32> -> vector<1024x5xf32>
    %add3A_2496 = arith.addf %add3A_2474, %dot_general3A_2495 : vector<1024x5xf32>
    %slice3A_2497 = vector.extract_strided_slice %concatenate3A_2332 {offsets = [1536, 0], sizes = [256, 1], strides = [1, 1]} : vector<2048x1xf32> to vector<256x1xf32>
    %dot_general3A_2498 = arith.constant dense<0.000000e+00> : vector<1024x1xf32>
    %dot_general3A_2499 = tpu.matmul %convert_element_type3A_2488, %slice3A_2497, %dot_general3A_2498 {dimension_numbers = #tpu.dot_dimension_numbers<[1], [0], [0], [1], [0, 0, 1, 1], [], []>, transpose_lhs_hint = false} : vector<1024x256xf32>, vector<256x1xf32>, vector<1024x1xf32> -> vector<1024x1xf32>
    %add3A_2500 = arith.addf %add3A_2478, %dot_general3A_2499 : vector<1024x1xf32>
    %slice3A_2501 = vector.extract_strided_slice %select_n3A_2322 {offsets = [7, 0], sizes = [1, 256], strides = [1, 1]} : vector<8x256xf32> to vector<1x256xf32>
    %sub3A_2502 = vector.broadcast %convert_element_type3A_2343 : vector<1024x1xf32> to vector<1024x256xf32>
    %sub3A_2503 = vector.broadcast %slice3A_2501 : vector<1x256xf32> to vector<1024x256xf32>
    %sub3A_2504 = arith.subf %sub3A_2502, %sub3A_2503 : vector<1024x256xf32>
    %abs3A_2505 = math.absf %sub3A_2504 : vector<1024x256xf32>
    %lt3A_2506 = arith.constant 2.500000e-01 : f32
    %lt3A_2507 = vector.broadcast %lt3A_2506 : f32 to vector<1024x256xf32>
    %lt3A_2508 = arith.cmpf olt, %abs3A_2505, %lt3A_2507 : vector<1024x256xf32>
    %convert_element_type3A_2509 = arith.extui %lt3A_2508 : vector<1024x256xi1> to vector<1024x256xi32>
    %convert_element_type3A_2510 = arith.sitofp %convert_element_type3A_2509 : vector<1024x256xi32> to vector<1024x256xf32>
    %get3A_2511 = arith.constant 1792 : index
    %get3A_2512 = arith.constant 0 : index
    %get3A_2513 = vector.load %arg3[%get3A_2511, %get3A_2512] : memref<2048x4xf32, #tpu.memory_space<vmem>>, vector<256x4xf32>
    %slice3A_2514 = vector.extract_strided_slice %concatenate3A_2341 {offsets = [1792, 0], sizes = [256, 1], strides = [1, 1]} : vector<2048x1xf32> to vector<256x1xf32>
    %concatenate3A_2515 = tpu.concatenate %get3A_2513, %slice3A_2514 in 1 : vector<256x4xf32>, vector<256x1xf32> -> vector<256x5xf32>
    %dot_general3A_2516 = arith.constant dense<0.000000e+00> : vector<1024x5xf32>
    %dot_general3A_2517 = tpu.matmul %convert_element_type3A_2510, %concatenate3A_2515, %dot_general3A_2516 {dimension_numbers = #tpu.dot_dimension_numbers<[1], [0], [0], [1], [0, 0, 1, 1], [], []>, transpose_lhs_hint = false} : vector<1024x256xf32>, vector<256x5xf32>, vector<1024x5xf32> -> vector<1024x5xf32>
    %add3A_2518 = arith.addf %add3A_2496, %dot_general3A_2517 : vector<1024x5xf32>
    %slice3A_2519 = vector.extract_strided_slice %concatenate3A_2332 {offsets = [1792, 0], sizes = [256, 1], strides = [1, 1]} : vector<2048x1xf32> to vector<256x1xf32>
    %dot_general3A_2520 = arith.constant dense<0.000000e+00> : vector<1024x1xf32>
    %dot_general3A_2521 = tpu.matmul %convert_element_type3A_2510, %slice3A_2519, %dot_general3A_2520 {dimension_numbers = #tpu.dot_dimension_numbers<[1], [0], [0], [1], [0, 0, 1, 1], [], []>, transpose_lhs_hint = false} : vector<1024x256xf32>, vector<256x1xf32>, vector<1024x1xf32> -> vector<1024x1xf32>
    %add3A_2522 = arith.addf %add3A_2500, %dot_general3A_2521 : vector<1024x1xf32>
    %gt3A_2523 = arith.constant 5.000000e-01 : f32
    %gt3A_2524 = vector.broadcast %gt3A_2523 : f32 to vector<1024x1xf32>
    %gt3A_2525 = arith.cmpf ogt, %add3A_2522, %gt3A_2524 : vector<1024x1xf32>
    %slice3A_2526 = vector.extract_strided_slice %add3A_2518 {offsets = [0, 4], sizes = [1024, 1], strides = [1, 1]} : vector<1024x5xf32> to vector<1024x1xf32>
    %jit3A_2527 = arith.constant 0xFF800000 : f32
    %broadcast_in_dim3A_2528 = vector.broadcast %jit3A_2527 : f32 to vector<1024x1xf32>
    %select_n3A_2529 = arith.select %gt3A_2525, %broadcast_in_dim3A_2528, %slice3A_2526 : vector<1024x1xi1>, vector<1024x1xf32>
    %slice3A_2530 = vector.extract_strided_slice %add3A_2518 {offsets = [0, 0], sizes = [1024, 4], strides = [1, 1]} : vector<1024x5xf32> to vector<1024x4xf32>
    %concatenate3A_2531 = tpu.concatenate %slice3A_2530, %select_n3A_2529 in 1 : vector<1024x4xf32>, vector<1024x1xf32> -> vector<1024x5xf32>
    %swap3A_2532 = arith.constant 0 : index
    %swap3A_2533 = arith.constant 0 : index
    %swap3A_2534 = vector.load %arg2[%swap3A_2532, %swap3A_2533] : memref<1024x5xf32, #tpu.memory_space<vmem>>, vector<1024x5xf32>
    tpu.vector_store %arg2[%swap3A_2532, %swap3A_2533], %concatenate3A_2531 {strides = array<i32>} : memref<1024x5xf32, #tpu.memory_space<vmem>>, vector<1024x5xf32>,
    return
  }
}

</mosaic_0001>

<sc_bundles>
// kernel: gather_offload_async_start
scs
__scs_entry_jumppad:
0x0: {  	(pc) =	sbr.rel $0x88, $3  }
0x1: {  	(tag) =	ssettag $0x0;
	lr =	simm.s32 $0x1  }
0x2: {  	[smem:$0x3F9E] =	sst lr;
	_ =	strace $0xD0000000  }
0x3: {  	_ = 	snop  }
0x4: {  	_ = 	snop  }
0x5: {  	_ = 	snop  }
0x6: {  	_ = 	snop  }
0x7: {  	_ = 	snop  }
__scs_overlays_trampoline_lowered:
0x8: {  	[smem:$0x3FAD] =	sst s0  }
0x9: {  	[smem:$0x3FAE] =	sst s1  }
0xa: {  	[smem:$0x3FAF] =	sst s2  }
0xb: {  	[smem:$0x3FB0] =	sst s3  }
0xc: {  	[smem:$0x3FB1] =	sst s4  }
0xd: {  	[smem:$0x3FB2] =	sst s5  }
0xe: {  	[smem:$0x3FB3] =	sst s6  }
0xf: {  	[smem:$0x3FB4] =	sst s7  }
0x10: {  	[smem:$0x3FB5] =	sst s8  }
0x11: {  	[smem:$0x3FB6] =	sst s9;
	s0 =	simm.s32 @!p0 $0x0  }
0x12: {  	s1 =	sld [smem:$0x3F9C];
	s0 =	simm.s32 @p0 $0x1  }
0x13: {  	[smem:$0x3FB7] =	sst s0;
	s0 =	simm.s32 @!p1 $0x0  }
0x14: {  	s2 =	sld [smem:$0x3F9B];
	s0 =	simm.s32 @p1 $0x1  }
0x15: {  	[smem:$0x3FB8] =	sst s0;
	s0 =	simm.s32 @!p2 $0x0  }
0x16: {  	s3 =	sld [smem:$0x3FDB];
	s0 =	simm.s32 @p2 $0x1  }
0x17: {  	s4 =	simm.s32 $0x1BF5;
	[smem:$0x3FBA] =	sst s0  }
0x18: {  	s0 =	sld [smem:$0x3F9D];
	_ =	swait.ge [sflag:s4], $0x0  }
0x19: {  	s7 =	sld [smem:$0x3F9E]  }
0x1a: {  	s8 =	sadd.s32 $0xFFFFE003, lr  }
0x1b: {  	s9 =	sadd.s32 $0xFFFFFEF7, lr;
	s5 =	simm.s32 $0xFFFFFFFF;
	p2 =	slt.u32 s8, $0xFFFFF086  }
0x1c: {  	p1 =	slt.u32 s9, $0xF7A;
	s5 =	simm.s32 @!p2 $0x0  }
0x1d: {  	s5 =	simm.s32 @p1 $0x1;
	p0 =	seq.s32 s7, s2  }
0x1e: {  	s7 =	smul.u32 @!p0 $0xF7A, s2;
	p2 =	seq.s32 @!p0 s5, $0x0  }
0x1f: {  	s9 =	smul.u32 $0xF7A, s1;
	s8 =	simm.s32 @!p0 $0x1BF5;
	p2 =	por !p2, p0  }
0x20: {  	[sflag:s8] =	ssyncset.s32 @!p0 $0xFFFFF086;
	s6 =	sadd.s32 @!p0 s3, s7;
	s7 =	simm.s32 @!p0 $0x108  }
0x21: {  	s3 =	sadd.s32 s3, s9;
	s6 =	sadd.s32 @!p0 $0x88, s6;
	s7 =	simm.s32 @p2 $0x1082  }
0x22: {  	[simem:s7], [sflag:s8] =	dma.local @!p0 [hbm:s6], $0xF7A  }
0x23: {  	s9 =	sor.u32 $0xD0000000, s2;
	s6 =	simm.s32 $0x108;
	_ =	swait.ge @!p0 [sflag:s8], $0x0  }
0x24: {  	s3 =	sadd.s32 $0x88, s3;
	s6 =	simm.s32 @!p1 $0x1082;
	[sflag:s4] =	ssyncset.s32 $0xFFFFF086  }
0x25: {  	[simem:s6], [sflag:s4] =	dma.local [hbm:s3], $0xF7A  }
0x26: {  	[smem:$0x3F9E] =	sst s1;
	(tag) =	ssettag s2;
	_ =	strace s9  }
0x27: {  	s1 =	sld [smem:$0x3FAE]  }
0x28: {  	s2 =	sld [smem:$0x3FAF]  }
0x29: {  	s4 =	sld [smem:$0x3FB1]  }
0x2a: {  	p0 =	seq.s32 s5, $0x0;
	s5 =	sld [smem:$0x3FB2]  }
0x2b: {  	s6 =	sld [smem:$0x3FB3]  }
0x2c: {  	s7 =	sld [smem:$0x3FB4]  }
0x2d: {  	s3 =	simm.s32 $0x108;
	s8 =	sld [smem:$0x3FB5]  }
0x2e: {  	s3 =	simm.s32 @!p0 $0x1082;
	s9 =	sld [smem:$0x3FB6]  }
0x2f: {  	lr =	sadd.s32 s0, s3;
	s0 =	sld [smem:$0x3FAD]  }
0x30: {  	s3 =	sld [smem:$0x3FB0]  }
0x31: {  	[smem:$0x3FB9] =	sst s10  }
0x32: {  	s10 =	sld [smem:$0x3FB7];
	_ =	sdelay $0x3  }
0x33: {  	p0 =	seq.s32 s10, $0x1;
	s10 =	sld [smem:$0x3FB9];
	_ =	sdelay $0x3  }
0x34: {  	[smem:$0x3FB9] =	sst s10  }
0x35: {  	s10 =	sld [smem:$0x3FB8];
	_ =	sdelay $0x3  }
0x36: {  	p1 =	seq.s32 s10, $0x1;
	s10 =	sld [smem:$0x3FB9];
	_ =	sdelay $0x3  }
0x37: {  	[smem:$0x3FB9] =	sst s10  }
0x38: {  	s10 =	sld [smem:$0x3FBA]  }
0x39: {  	_ = 	snop;
	(pc) =	sbr.ind lr, $3  }
0x3a: {  	_ = 	snop  }
0x3b: {  	_ = 	snop  }
0x3c: {  	p2 =	seq.s32 s10, $0x1;
	s10 =	sld [smem:$0x3FB9]  }
0x3d: {  	_ =	shalt  }
0x3e: {  	_ =	shalt  }
0x3f: {  	_ =	shalt  }
0x40: {  	_ =	shalt  }
0x41: {  	_ =	shalt  }
0x42: {  	_ =	shalt  }
0x43: {  	_ =	shalt  }
0x44: {  	_ =	shalt  }
0x45: {  	_ =	shalt  }
0x46: {  	_ =	shalt  }
0x47: {  	_ =	shalt  }
0x48: {  	_ =	shalt  }
0x49: {  	_ =	shalt  }
0x4a: {  	_ =	shalt  }
0x4b: {  	_ =	shalt  }
0x4c: {  	_ =	shalt  }
0x4d: {  	_ =	shalt  }
0x4e: {  	_ =	shalt  }
0x4f: {  	_ =	shalt  }
0x50: {  	_ =	shalt  }
0x51: {  	_ =	shalt  }
0x52: {  	_ =	shalt  }
0x53: {  	_ =	shalt  }
0x54: {  	_ =	shalt  }
0x55: {  	_ =	shalt  }
0x56: {  	_ =	shalt  }
0x57: {  	_ =	shalt  }
0x58: {  	_ =	shalt  }
0x59: {  	_ =	shalt  }
0x5a: {  	_ =	shalt  }
0x5b: {  	_ =	shalt  }
0x5c: {  	_ =	shalt  }
0x5d: {  	_ =	shalt  }
0x5e: {  	_ =	shalt  }
0x5f: {  	_ =	shalt  }
0x60: {  	_ =	shalt  }
0x61: {  	_ =	shalt  }
0x62: {  	_ =	shalt  }
0x63: {  	_ =	shalt  }
0x64: {  	_ =	shalt  }
0x65: {  	_ =	shalt  }
0x66: {  	_ =	shalt  }
0x67: {  	_ =	shalt  }
0x68: {  	_ =	shalt  }
0x69: {  	_ =	shalt  }
0x6a: {  	_ =	shalt  }
0x6b: {  	_ =	shalt  }
0x6c: {  	_ =	shalt  }
0x6d: {  	_ =	shalt  }
0x6e: {  	_ =	shalt  }
0x6f: {  	_ =	shalt  }
0x70: {  	_ =	shalt  }
0x71: {  	_ =	shalt  }
0x72: {  	_ =	shalt  }
0x73: {  	_ =	shalt  }
0x74: {  	_ =	shalt  }
0x75: {  	_ =	shalt  }
0x76: {  	_ =	shalt  }
0x77: {  	_ =	shalt  }
0x78: {  	_ =	shalt  }
0x79: {  	_ =	shalt  }
0x7a: {  	_ =	shalt  }
0x7b: {  	_ =	shalt  }
0x7c: {  	_ =	shalt  }
0x7d: {  	_ =	shalt  }
0x7e: {  	_ =	shalt  }
0x7f: {  	_ =	shalt  }
0x80: {  	_ =	shalt  }
0x81: {  	_ =	shalt  }
0x82: {  	_ =	shalt  }
0x83: {  	_ =	shalt  }
0x84: {  	_ =	shalt  }
0x85: {  	_ =	shalt  }
0x86: {  	_ =	shalt  }
0x87: {  	_ =	shalt  }
.Lfunc_end0:
.L_simem_size_0:
called_computation_lowered:
.L_overlay_start_0:
0x88: {  	s0 =	sld [smem:$0x3FD9]  }
0x89: {  	s1 =	sld [smem:$0x3FFE];
	_ =	sdelay $0x3  }
0x8a: {  	s0 =	sadd.s32 s1, s0  }
0x8b: {  	[smem:$0x3FC5] =	sst s0  }
0x8c: {  	_ = 	snop  }
0x8d: {  	s0 =	sld [smem:$0x3FD0];
	(tm) =	ssettm $0x1  }
0x8e: {  	s16 =	sld [smem:$0x3FFB];
	_ =	sdelay $0x3  }
0x8f: {  	_ =	strace s16  }
0x90: {  	s1 =	sld [smem:$0x3FFC];
	_ =	sdelay $0x3  }
0x91: {  	_ =	strace s1  }
0x92: {  	s1 =	sld [smem:$0x3FFD];
	_ =	sdelay $0x3  }
0x93: {  	_ =	strace s1  }
0x94: {  	_ =	strace $0x8FFFFFFF  }
0x95: {  	s17 =	sld [smem:$0x3FDB];
	_ =	sdelay $0x1  }
0x96: {  	s2 =	simm.s32 $_scs_section_size  }
0x97: {  	s3 =	simm.s32 $_size__tile_overlayer_lowered;
	s4 =	simm.s32 $_tile_overlayer_lowered  }
0x98: {  	s20 =	simm.s32 $0x1BFF;
	s19 =	sshll.u32 s4, $0x1;
	s1 =	sadd.s32 s2, s17  }
0x99: {  	s5 =	simm.s32 $0x0;
	s18 =	sshll.u32 s3, $0x1;
	s3 =	sadd.s32 s19, s1  }
0x9a: {  	[timem:s5], [sflag:s20] =	dma.local [hbm:s3], s18  }
0x9b: {  	_ =	swait.ge [sflag:s20], s18  }
0x9c: {  	s2 =	ssub.s32 $0x0, s18;
	[sflag:s20] =	ssyncset.done $0x0  }
0x9d: {  	[sflag:s20] =	ssyncadd.s32 s2;
	_ =	sdelay $0x1  }
0x9e: {  	s21 =	simm.s32 $0x1B8B  }
0x9f: {  	_ =	swait.ge [sflag:s21], $0x1  }
0xa0: {  	[sflag:s21] =	ssyncset.done $0x0  }
0xa1: {  	s23 =	simm.s32 $0x1B8E;
	s22 =	sld [smem:$0x3FFE];
	[sflag:s21] =	ssyncadd.s32 $0xFFFFFFFF  }
0xa2: {  	s24 =	simm.s32 $execute0_lowered;
	[smem:$0x3FD2] =	sst s23  }
0xa3: {  	s3 =	sshll.u32 s24, $0x1;
	_ =	strace $0x80000046;
	[dreg:$0x1] =	wrdreg $0xFFFFFFFF  }
0xa4: {  	s25 =	simm.s32 $_size_execute0_lowered;
	s1 =	sadd.s32 s1, s3;
	[dreg:$0x0] =	wrdreg $0x0  }
0xa5: {  	s3 =	sshll.u32 s25, $0x1;
	[dreg:$0x2] =	wrdreg s1  }
0xa6: {  	[dreg:$0x3] =	wrdreg s3  }
0xa7: {  	[dreg:$0x4] =	wrdreg $0xC0  }
0xa8: {  	_ =	task [dreg:s5], $0x5FFFF  }
0xa9: {  	[dreg:$0x1] =	wrdreg $0xFFFFFFFF  }
0xaa: {  	[dreg:$0x0] =	wrdreg $0x60  }
0xab: {  	[dreg:$0x2] =	wrdreg s22  }
0xac: {  	[dreg:$0x3] =	wrdreg s0  }
0xad: {  	[dreg:$0x4] =	wrdreg $0x9  }
0xae: {  	_ =	task.clear_ibuf [dreg:s5], $0x5FFFF;
	_ =	strace $0x90000046  }
0xaf: {  	s26 =	simm.s32 $0x9;
	_ =	strace $0x80000048  }
0xb0: {  	_ =	swait.ge [sflag:s26], $0x1  }
0xb1: {  	[sflag:s26] =	ssyncadd.s32 $0xFFFFFFFF  }
0xb2: {  	_ =	strace $0x90000048  }
0xb3: {  	_ =	sfence  }
0xb4: {  	s28 =	sld [smem:$0x0];
	_ =	sdelay $0x1  }
0xb5: {  	s29 =	srdreg.scid  }
0xb6: {  	s30 =	sshll.u32 s29, $0xD;
	s31 =	sshrl.u32 s29, $0x2  }
0xb7: {  	s2 =	sand.u32 $0x4000, s30;
	s1 =	sand.u32 $0x1, s29;
	s0 =	sadd.s32 s31, s28  }
0xb8: {  	s1 =	sor.u32 s2, s1;
	s0 =	sshll.u32 s0, $0x11  }
0xb9: {  	s0 =	sor.u32 s0, s1  }
0xba: {  	s0 =	sadd.s32 $0x8F2B, s0  }
0xbb: {  	[sflag:s0] =	ssyncadd.remote.s32 $0x1  }
0xbc: {  	_ =	sfence.sel $0xFFFF  }
0xbd: {  	[dreg:$0x0] =	wrdreg $0xFFFFFFFF;
	(pc) =	sbr.abs _section_cstart, $3  }
0xbe: {  	[dreg:$0x1] =	wrdreg $0xFFFFFFFF  }
0xbf: {  	_ =	task.clear_ibuf [dreg:s5], $0x2FFFF;
	_ =	strace $0x9FFFFFFF  }
0xc0: {  	(tm) =	ssettm $0x7FFFFFFF  }
0xc1: {  	_ =	shalt  }
tec
execute0_lowered:
.L_overlay_start_1:
0x0: {  	(tag) =	ssettag $0x1  }
0x1: {  	s0 =	stileid.u32  }
0x2: {  	s1 =	smin.u32 s0, $0x9  }
0x3: {  	s1 =	sadd.s32 s0, s1  }
0x4: {  	s2 =	simm.s32 $0xA0;
	p0 =	slt.u32 s0, $0x9;
	s1 =	smul.u32 $0x50, s1  }
0x5: {  	s2 =	simm.s32 @!p0 $0x50  }
0x6: {  	s2 =	sadd.s32 s2, s1  }
0x7: {  	s3 =	smin.u32 s2, $0x7D0  }
0x8: {  	s7 =	ssub.s32 s3, s1  }
0x9: {  	p0 =	sgt.s32 s7, $0x0  }
0xa: {  	s7 =	simm.s32 @!p0 $0x0  }
0xb: {  	s4 =	rddreg [dreg:$0x0];
	s31 =	smul.u32 $0xCCCD, s7  }
0xc: {  	s5 =	rddreg [dreg:$0x1]  }
0xd: {  	s6 =	simm.s32 $0x1;
	s10 =	simm.s32 $0x3;
	s8 =	sshrl.u32 s31, $0x16  }
0xe: {  	s13 =	simm.s32 $0x0;
	s12 =	simm.s32 $0x0;
	s9 =	smul.u32 $0x50, s8  }
.Ltmp0:
0xf: {  	s11 =	smov.u32 s1;
	s2 =	rddreg [dreg:$0x2];
	(pc) =	sbr.rel .LBB2_1-.Ltmp0, $4  }
0x10: {  	_ =	strace $0x80000047;
	p0 =	sne.s32 s7, s9;
	s9 =	simm.s32 $0x1  }
0x11: {  	[sflag:s6] =	ssyncpa.u1 $0x0;
	s7 =	simm.s32 $0x2;
	s9 =	simm.s32 @!p0 $0x0  }
0x12: {  	[sflag:s7] =	ssyncpa.u1 $0x0;
	p0 =	por $0x0, $0x0;
	s8 =	sadd.s32 s8, s9  }
0x13: {  	vm0 =	vmmov $0xff;
	vm1 =	vcmask $0x3F20;
	s9 =	sadd.s32 $0x50000, s4;
	[sflag:s10] =	ssyncpa.u1 $0x0;
	s10 =	sadd.s32 $0x1, s8  }
.LBB2_6:
0x14: {  	[hbm:s17] =	stream.linear.scatter [tilespmem:s14], [sflag:$0x3], $0x400, $0x38;
	[tilespmem:$0x50A0] =	vst v63  }
.LBB2_7:
0x15: {  	s13 =	sadd.s32 $0x50, s11  }
0x16: {  	s15 =	smov.u32 s1;
	p2 =	slt.s32 s13, s3  }
0x17: {  	s15 =	smov.u32 @p2 s13;
	p2 =	sne.s32 s12, s10  }
.Ltmp1:
0x18: {  	p1 =	slt.u32 s12, $0x2;
	(pc) =	sbr.rel @!p2 .LBB2_8-.Ltmp1, $4  }
0x19: {  	s14 =	simm.s32 @!p1 $0x3  }
0x1a: {  	s16 =	sadd.s32 $0x1, s12;
	_ =	swait.ge @!p1 [sflag:s14], $0x2800  }
0x1b: {  	p0 =	por !p0, !p0;
	s13 =	smov.u32 s11;
	[sflag:s14] =	ssyncset.done @!p1 $0x0  }
0x1c: {  	s12 =	smov.u32 s16;
	s11 =	smov.u32 s15;
	[sflag:s14] =	ssyncadd.s32 @!p1 $0xFFFFD800  }
.LBB2_1:
0x1d: {  	p1 =	sge.u32 s12, s8  }
0x1e: {  	s14 =	sxor.u32 @!p1 $0xFFFFFFFF, s12  }
0x1f: {  	s14 =	sand.u32 @!p1 $0x1, s14  }
0x20: {  	s14 =	smul.u32 @!p1 $0x140, s14  }
0x21: {  	s31 =	sadd.s32 $0xFFFFFFFF, s12;
	s15 =	sshrl.u32 @!p1 s11, $0x3  }
0x22: {  	s16 =	sand.u32 @!p1 $0x7, s11;
	s15 =	sadd.s32 @!p1 s5, s15;
	s14 =	sshrl.u32 @!p1 s14, $0x2  }
0x23: {  	[tilespmem:s14], [sflag:$0x2] =	stream.linear.gather @!p1 [hbm4b:s15+s16], $0x50, $0x38;
	[tilespmem:$0x50A0] =	vst v63  }
0x24: {  	p1 =	sge.u32 s31, s8  }
.Ltmp2:
0x25: {  	_ = 	snop;
	(pc) =	sbr.rel @p1 .LBB2_7-.Ltmp2, $1  }
0x26: {  	_ =	sdelay $0x3  }
0x27: {  	s14 =	simm.s32 $0x1  }
0x28: {  	s14 =	simm.s32 @!p0 $0x0  }
0x29: {  	s15 =	smul.u32 $0x140, s14  }
0x2a: {  	_ =	swait.ge [sflag:s7], $0x50  }
0x2b: {  	[sflag:s7] =	ssyncset.done $0x0;
	s16 =	sshrl.u32 s15, $0x2  }
0x2c: {  	[sflag:s7] =	ssyncadd.s32 $0xFFFFFFB0;
	s15 =	sadd.s32 $0x0, s16  }
0x2d: {  	v0 =	vld.msk [tilespmem:s15+$0x0 ss:$0x1], $0xffff;
	_ =	sdelay $0x4  }
0x2e: {  	vm2 =	vgt.s32 v0, $0x0  }
0x2f: {  	v0 =	vnsel vm2, $0x0, v0  }
0x30: {  	v0 =	vmin.u32 v0, $0x4FFF  }
0x31: {  	v0 =	vshll.u32 v0, $0x4  }
0x32: {  	s14 =	smul.u32 $0xA000, s14;
	_ =	sdelay $0x1  }
0x33: {  	s14 =	sshrl.u32 s14, $0x2  }
0x34: {  	s14 =	sor.u32 $0xA0, s14  }
0x35: {  	[tilespmem:s14], [sflag:$0x1] =	stream.indirect_vreg.gather [hbm:s4], $0x80, v0, vm0, $0x38;
	[tilespmem:$0x50A0] =	vst v63  }
0x36: {  	s17 =	sadd.s32 $0x10, s16;
	s15 =	sadd.s32 $0x400, s14  }
0x37: {  	[tilespmem:s15], [sflag:$0x1] =	stream.indirect_vreg.gather [hbm:s4], $0x80, v0, vm1, $0x38;
	[tilespmem:$0x50A0] =	vst v63  }
0x38: {  	s18 =	simm.s32 $0x80;
	v0 =	vld.msk [tilespmem:s17+$0x0 ss:$0x1], $0xffff;
	s17 =	smov.u32 s14  }
.LBB2_3:
0x39: {  	p1 =	sne.s32 s18, $0x100;
	_ =	sdelay $0x4  }
0x3a: {  	vm2 =	vgt.s32 v0, $0x0  }
0x3b: {  	v0 =	vnsel vm2, $0x0, v0  }
0x3c: {  	v0 =	vmin.u32 v0, $0x4FFF  }
0x3d: {  	v0 =	vshll.u32 v0, $0x4;
	_ =	sdelay $0x3  }
.Ltmp3:
0x3e: {  	s19 =	sshra.s32 s18, $0x2;
	s17 =	sadd.s32 $0x800, s17;
	(pc) =	sbr.rel @p1 .LBB2_3-.Ltmp3, $4  }
0x3f: {  	[tilespmem:s17], [sflag:$0x1] =	stream.indirect_vreg.gather [hbm:s4], $0x80, v0, vm0, $0x38;
	[tilespmem:$0x50A0] =	vst v63  }
0x40: {  	s19 =	sadd.s32 s19, s16;
	s20 =	sadd.s32 $0x400, s17  }
0x41: {  	[tilespmem:s20], [sflag:$0x1] =	stream.indirect_vreg.gather [hbm:s4], $0x80, v0, vm1, $0x38;
	[tilespmem:$0x50A0] =	vst v63  }
0x42: {  	s18 =	sadd.s32 $0x40, s18;
	v0 =	vld.msk [tilespmem:s19+$0x0 ss:$0x1], $0xffff  }
0x43: {  	_ =	sdelay $0x3  }
0x44: {  	vm2 =	vgt.s32 v0, $0x0  }
0x45: {  	v0 =	vnsel vm2, $0x0, v0  }
0x46: {  	v0 =	vmin.u32 v0, $0x4FFF  }
0x47: {  	v0 =	vshll.u32 v0, $0x4;
	_ =	sdelay $0x3  }
0x48: {  	s16 =	sadd.s32 $0x800, s17  }
0x49: {  	[tilespmem:s16], [sflag:$0x1] =	stream.indirect_vreg.gather [hbm:s4], $0x80, v0, vm0, $0x38;
	[tilespmem:$0x50A0] =	vst v63  }
0x4a: {  	s16 =	sadd.s32 $0x400, s16  }
0x4b: {  	[tilespmem:s16], [sflag:$0x1] =	stream.indirect_vreg.gather [hbm:s4], $0x80, v0, vm1, $0x38;
	[tilespmem:$0x50A0] =	vst v63  }
0x4c: {  	s13 =	sshll.u32 s13, $0x4;
	_ =	swait.ge [sflag:s6], $0x2800  }
0x4d: {  	s13 =	sadd.s32 s13, s9;
	[sflag:s6] =	ssyncset.done $0x0  }
0x4e: {  	s17 =	sadd.s32 $0x0, s13;
	s16 =	simm.s32 $0x80;
	[sflag:s6] =	ssyncadd.s32 $0xFFFFD800  }
.LBB2_5:
0x4f: {  	[hbm:s17] =	stream.linear.scatter [tilespmem:s14], [sflag:$0x3], $0x400, $0x38;
	[tilespmem:$0x50A0] =	vst v63  }
0x50: {  	s17 =	smov.u32 s16;
	s14 =	smov.u32 s15;
	p1 =	sne.s32 s16, $0x480  }
.Ltmp4:
0x51: {  	s16 =	sadd.s32 $0x80, s16;
	(pc) =	sbr.rel @p1 .LBB2_5-.Ltmp4, $2  }
0x52: {  	_ =	sdelay $0x2  }
0x53: {  	s15 =	sadd.s32 $0x400, s15;
	s17 =	sadd.s32 s17, s13  }
.Ltmp5:
0x54: {  	_ = 	snop;
	(pc) =	sbr.rel .LBB2_6-.Ltmp5, $1  }
0x55: {  	_ =	sdelay $0x3  }
.LBB2_8:
0x56: {  	_ =	sfence.sel $0x180000  }
0x57: {  	s1 =	simm.s32 $0x2;
	[bflag:$0x0] =	sbarrier.arrive $0xFFFF  }
0x58: {  	s30 =	simm.s32 $0x3;
	[sflag:s1] =	ssyncpa.u1 $0x1  }
0x59: {  	s31 =	simm.s32 $0x1;
	[sflag:s30] =	ssyncpa.u1 $0x1  }
0x5a: {  	[sflag:s31] =	ssyncpa.u1 $0x1  }
0x5b: {  	p0 =	sne.s32 s0, $0x0;
	_ =	strace $0x90000047  }
0x5c: {  	s0 =	sadd.s32 @!p0 $0x100000, s2;
	[bflag:$0x2] =	sbarrier.arrive $0xFFFF  }
0x5d: {  	[sflag:s0] =	ssyncadd.tile.s32 @!p0 $0x1;
	_ =	shalt  }
.Lfunc_end2:
_tile_overlayer_lowered:
.L_overlay_start_2:
0x5e: {  	(tag) =	ssettag $0x2  }
0x5f: {  	s0 =	rddreg [dreg:$0x0];
	s2 =	stileid.u32  }
0x60: {  	s1 =	rddreg [dreg:$0x1];
	p0 =	sne.s32 s2, $0x0  }
0x61: {  	s3 =	rddreg [dreg:$0x2];
	[bflag:$0x3] =	sbarrier.arrive $0xFFFF;
	s2 =	simm.s32 @!p0 $0x1C01  }
0x62: {  	[timem:s3], [sflag:s2] =	dma.local @!p0 [hbm:s0], s1  }
0x63: {  	s0 =	simm.s32 @!p0 $0x1  }
0x64: {  	_ =	swait.ge @!p0 [sflag:s0], s1  }
0x65: {  	s1 =	ssub.s32 @!p0 $0x0, s1;
	[sflag:s0] =	ssyncset.done @!p0 $0x0  }
0x66: {  	[sflag:s0] =	ssyncadd.s32 @!p0 s1  }
0x67: {  	[bflag:$0x3] =	sbarrier.arrive $0xFFFF  }
0x68: {  	_ =	shalt  }

</sc_bundles>
